<compile_context>
chip_gen: v7x
topology: tpu7x:2x2x1
jax: 0.10.2.dev20260603
libtpu: 0.0.44.dev20260713+nightly
codegen_flags: <defaults>
</compile_context>

<pallas_src>
import functools

import jax
import jax.numpy as jnp
from jax import lax
from jax.experimental import pallas as pl
from jax.experimental.pallas import tpu as pltpu
from jax.experimental.pallas import tpu_sc as plsc

N = 10000
E = 320000
D = 128
EPS = 1e-5

NC = 2
NS = 16
NW = NC * NS
SCH = 128
ROWS = E // SCH
SROWS = 80
HROWS = SROWS // 2
LROWS = ROWS - 31 * SROWS
RPT = 624
TAIL = N - RPT * NS
TAIL_OFF = RPT * NS
MR = 128

def _zero_fill(buf, rows, width):
    def body(i, _):
        for q in range(width // 16):
            buf[i, pl.ds(q * 16, 16)] = jnp.zeros((16,), jnp.float32)
        return 0
    lax.fori_loop(0, rows, body, 0, unroll=False)


def _deg_body(ei_hbm, ei2_hbm, degp_hbm, hist_v, didx_v):
    c = lax.axis_index("c")
    s = lax.axis_index("s")
    w = c * NS + s

    def zf(i, _):
        hist_v[pl.ds(16 * i, 16)] = jnp.zeros((16,), jnp.float32)
        return 0
    lax.fori_loop(0, N // 16, zf, 0, unroll=8)

    ones = jnp.ones((16,), jnp.float32)

    def step(r, _):
        for q in range(SCH // 16):
            idx = didx_v[r, pl.ds(16 * q, 16)]
            plsc.addupdate_scatter(hist_v, [idx], ones)
        return 0

    @pl.when(w < NW - 1)
    def _full():
        pltpu.sync_copy(ei_hbm.at[1, pl.ds(w * SROWS, SROWS)], didx_v)
        lax.fori_loop(0, SROWS, step, 0, unroll=2)

    @pl.when(w == NW - 1)
    def _last():
        pltpu.sync_copy(
            ei_hbm.at[1, pl.ds(w * SROWS, LROWS - 4)],
            didx_v.at[pl.ds(0, LROWS - 4)])
        for j in range(4):
            pltpu.sync_copy(
                ei2_hbm.at[1, pl.ds(E - 512 + 128 * j, SCH)],
                didx_v.at[LROWS - 4 + j])
        lax.fori_loop(0, LROWS, step, 0, unroll=2)

    pltpu.sync_copy(hist_v, degp_hbm.at[w])


@functools.lru_cache(maxsize=None)
def _deg_kernel():
    mesh = plsc.VectorSubcoreMesh(
        core_axis_name="c", subcore_axis_name="s", num_cores=NC, num_subcores=NS
    )
    return pl.kernel(
        _deg_body,
        out_type=jax.ShapeDtypeStruct((NW, N), jnp.float32),
        mesh=mesh,
        scratch_types=[
            pltpu.VMEM((N,), jnp.float32),
            pltpu.VMEM((SROWS, SCH), jnp.int32),
        ],
        compiler_params=pltpu.CompilerParams(needs_layout_passes=False),
    )


def _seg_zero(acc_sh, msga_v, s):
    _zero_fill(msga_v, MR, D)
    for k in range(5):
        pltpu.sync_copy(msga_v, acc_sh.at[pl.ds(s * RPT + k * MR, MR)])


def _seg_body(g_hbm, ei_hbm, ei2_hbm, out_hbm, acc_sh, msga_v, msgb_v,
              sidx_v, didx_v, sema, semb):
    c = lax.axis_index("c")
    s = lax.axis_index("s")
    w = c * NS + s

    _seg_zero(acc_sh, msga_v, s)
    plsc.subcore_barrier()

    def load2d(base_row, nrows):
        pltpu.sync_copy(
            ei_hbm.at[0, pl.ds(base_row, nrows)], sidx_v.at[pl.ds(0, nrows)])
        pltpu.sync_copy(
            ei_hbm.at[1, pl.ds(base_row, nrows)], didx_v.at[pl.ds(0, nrows)])

    def pipe(nrows):
        pltpu.async_copy(g_hbm.at[sidx_v.at[0]], msga_v, sema)

        def step(j, _):
            pltpu.async_copy(g_hbm.at[sidx_v.at[2 * j + 1]], msgb_v, semb)
            pltpu.make_async_copy(g_hbm.at[sidx_v.at[0]], msga_v, sema).wait()
            pltpu.sync_copy(msga_v, acc_sh.at[didx_v.at[2 * j]], add=True)

            @pl.when(j < nrows // 2 - 1)
            def _nexta():
                pltpu.async_copy(g_hbm.at[sidx_v.at[2 * j + 2]], msga_v, sema)

            pltpu.make_async_copy(g_hbm.at[sidx_v.at[0]], msgb_v, semb).wait()
            pltpu.sync_copy(msgb_v, acc_sh.at[didx_v.at[2 * j + 1]], add=True)
            return 0
        lax.fori_loop(0, nrows // 2, step, 0, unroll=False)

    @pl.when(w < NW - 1)
    def _full():
        for half in range(2):
            load2d(w * SROWS + half * HROWS, HROWS)
            pipe(HROWS)

    @pl.when(w == NW - 1)
    def _last():
        load2d(w * SROWS, LROWS - 4)
        for j in range(4):
            pltpu.sync_copy(
                ei2_hbm.at[0, pl.ds(E - 512 + 128 * j, SCH)],
                sidx_v.at[LROWS - 4 + j])
            pltpu.sync_copy(
                ei2_hbm.at[1, pl.ds(E - 512 + 128 * j, SCH)],
                didx_v.at[LROWS - 4 + j])
        pipe(LROWS)

    plsc.subcore_barrier()
    pltpu.sync_copy(
        acc_sh.at[pl.ds(s * RPT, RPT)], out_hbm.at[c, pl.ds(s * RPT, RPT)]
    )

    @pl.when(s == 0)
    def _otail():
        pltpu.sync_copy(
            acc_sh.at[pl.ds(TAIL_OFF, TAIL)], out_hbm.at[c, pl.ds(TAIL_OFF, TAIL)]
        )


@functools.lru_cache(maxsize=None)
def _seg_kernel():
    mesh = plsc.VectorSubcoreMesh(
        core_axis_name="c", subcore_axis_name="s", num_cores=NC, num_subcores=NS
    )
    return pl.kernel(
        _seg_body,
        out_type=jax.ShapeDtypeStruct((NC, N, D), jnp.float32),
        mesh=mesh,
        scratch_types=[
            pltpu.VMEM_SHARED((N, D), jnp.float32),
            pltpu.VMEM((MR, D), jnp.float32),
            pltpu.VMEM((MR, D), jnp.float32),
            pltpu.VMEM((HROWS, SCH), jnp.int32),
            pltpu.VMEM((HROWS, SCH), jnp.int32),
            pltpu.SemaphoreType.DMA,
            pltpu.SemaphoreType.DMA,
        ],
    )

BLK = 2000
NB = N // BLK


def _lin_body(x_ref, w_ref, b_ref, degp_ref, g_ref, dinv_ref):
    ones = jnp.ones((NW, 1), jnp.float32)
    tot = lax.dot_general(degp_ref[...], ones, (((0,), (0,)), ((), ())),
                          preferred_element_type=jnp.float32)
    dinv = lax.rsqrt(tot + 1.0)
    h = jnp.dot(x_ref[...], w_ref[...], preferred_element_type=jnp.float32)
    g_ref[...] = (h + b_ref[...]) * dinv
    dinv_ref[...] = dinv


_lin_call = pl.pallas_call(
    _lin_body,
    out_shape=(
        jax.ShapeDtypeStruct((N, D), jnp.float32),
        jax.ShapeDtypeStruct((N, 1), jnp.float32),
    ),
)


def _fin_body(sp_ref, g_ref, dinv_ref, gam_ref, bet_ref, out_ref, y_sc,
              sum_sc, sq_sc):
    p = pl.program_id(0)
    i = pl.program_id(1)

    @pl.when(p == 0)
    def _phase0():
        sp = sp_ref[...]
        y = jnp.tanh(dinv_ref[...] * (sp[0] + sp[1] + g_ref[...]))
        y_sc[pl.ds(i * BLK, BLK), :] = y

        @pl.when(i == 0)
        def _init():
            sum_sc[...] = jnp.zeros_like(sum_sc)
            sq_sc[...] = jnp.zeros_like(sq_sc)

        sum_sc[...] += jnp.sum(y, axis=0, keepdims=True)
        sq_sc[...] += jnp.sum(y * y, axis=0, keepdims=True)

    @pl.when(p == 1)
    def _phase1():
        mean = sum_sc[...] * (1.0 / N)
        var = sq_sc[...] * (1.0 / N) - mean * mean
        rstd = lax.rsqrt(var + EPS)
        y = y_sc[pl.ds(i * BLK, BLK), :]
        out_ref[...] = (y - mean) * (rstd * gam_ref[...]) + bet_ref[...]


_fin_call = pl.pallas_call(
    _fin_body,
    grid=(2, NB),
    in_specs=[
        pl.BlockSpec((2, BLK, D),
                     lambda p, i: (0, i * (1 - p) + (NB - 1) * p, 0)),
        pl.BlockSpec((BLK, D), lambda p, i: (i * (1 - p) + (NB - 1) * p, 0)),
        pl.BlockSpec((BLK, 1), lambda p, i: (i * (1 - p) + (NB - 1) * p, 0)),
        pl.BlockSpec((1, D), lambda p, i: (0, 0)),
        pl.BlockSpec((1, D), lambda p, i: (0, 0)),
    ],
    out_specs=pl.BlockSpec((BLK, D), lambda p, i: (i, 0)),
    out_shape=jax.ShapeDtypeStruct((N, D), jnp.float32),
    scratch_shapes=[
        pltpu.VMEM((N, D), jnp.float32),
        pltpu.VMEM((1, D), jnp.float32),
        pltpu.VMEM((1, D), jnp.float32),
    ],
)


@jax.jit
def kernel(x, edge_index, W, b, gamma, beta):
    ei = edge_index.reshape(2, ROWS, SCH)
    degp = _deg_kernel()(ei, edge_index)
    g, dinv = _lin_call(x, W, b.reshape(1, D), degp)
    sparts = _seg_kernel()(g, ei, edge_index)
    out = _fin_call(sparts, g, dinv, gamma.reshape(1, D), beta.reshape(1, D))
    return out

# --- scband reference (transcript-rebuilt; emitter-appended) ---
"""Pipeline reference for scband-bgcnencoder-69114613730208 (READ-ONLY COPY).

The authoritative reference and input builder live on the scoring server;
editing this copy changes nothing except your own understanding.
"""

import jax, jax.numpy as jnp
import numpy as np

N = 10000
E = 320000
D_IN = 128
D_OUT = 128
EPS = 1e-5


def setup_inputs(seed: int = 0) -> dict:
    key = jax.random.key(seed)
    k1, k2, k3, k4 = jax.random.split(key, 4)
    x = jax.random.normal(k1, (N, D_IN), dtype=jnp.float32)
    edge_index = jax.random.randint(k2, (2, E), 0, N, dtype=jnp.int32)
    # GCN linear weight (glorot-ish) and bias
    W = jax.random.normal(k3, (D_IN, D_OUT), dtype=jnp.float32) * (1.0 / np.sqrt(D_IN))
    b = jnp.zeros((D_OUT,), dtype=jnp.float32)
    # BatchNorm affine params
    gamma = jnp.ones((D_OUT,), dtype=jnp.float32)
    beta = jnp.zeros((D_OUT,), dtype=jnp.float32)
    return {"x": x, "edge_index": edge_index, "W": W, "b": b, "gamma": gamma, "beta": beta}


def reference(x, edge_index, W, b, gamma, beta):
    # BGCNConv forward ~ GCN-style propagation: add self-loops, sym-normalize, scatter-add
    src = edge_index[0]
    dst = edge_index[1]
    loops = jnp.arange(N, dtype=src.dtype)
    src = jnp.concatenate([src, loops])
    dst = jnp.concatenate([dst, loops])

    h = x @ W + b  # linear transform

    ones = jnp.ones_like(dst, dtype=h.dtype)
    deg = jax.ops.segment_sum(ones, dst, num_segments=N)
    dinv = jnp.where(deg > 0, jax.lax.rsqrt(jnp.maximum(deg, 1e-12)), 0.0)
    norm = dinv[src] * dinv[dst]

    msg = h[src] * norm[:, None]           # gather (memory-bound)
    agg = jax.ops.segment_sum(msg, dst, num_segments=N)  # scatter-add

    y = jnp.tanh(agg)

    # BatchNorm over node dimension (training-mode batch statistics)
    mean = jnp.mean(y, axis=0)
    var = jnp.var(y, axis=0)
    out = (y - mean) * jax.lax.rsqrt(var + EPS) * gamma + beta
    return out

if __name__ == "__main__":
    import jax
    _d = setup_inputs()
    print(jax.jit(kernel)(*tuple(_d.values())))

</pallas_src>

<mosaic_0001>
#map = affine_map<(d0, d1) -> (0, 0)>
#map1 = affine_map<(d0, d1) -> (0, 0, 0)>
module attributes {stable_mosaic.version = 14 : i64} {
  func.func @_seg_body(%arg0: i32, %arg1: i32, %arg2: memref<10000x128xf32, #tpu.memory_space<hbm>>, %arg3: memref<2x2500x128xi32, #tpu.memory_space<hbm>>, %arg4: memref<2x320000xi32, #tpu.memory_space<hbm>>, %arg5: memref<2x10000x128xf32, #tpu.memory_space<hbm>>, %arg6: memref<10000x128xf32, #tpu.memory_space<vmem_shared>>, %arg7: memref<128x128xf32, #tpu.memory_space<vmem>>, %arg8: memref<128x128xf32, #tpu.memory_space<vmem>>, %arg9: memref<40x128xi32, #tpu.memory_space<vmem>>, %arg10: memref<40x128xi32, #tpu.memory_space<vmem>>, %arg11: memref<!tpu.dma_semaphore, #tpu.memory_space<semaphore_mem>>, %arg12: memref<!tpu.dma_semaphore, #tpu.memory_space<semaphore_mem>>) attributes {dimension_semantics = [#tpu.dimension_semantics<core_parallel>, #tpu.dimension_semantics<subcore_parallel>], iteration_bounds = array<i64: 2, 16>, scalar_prefetch = 0 : i64, scratch_operands = 7 : i64, tpu.core_type = #tpu.core_type<sc_vector_subcore>, window_params = [{transform_indices = #map}, {transform_indices = #map1}, {transform_indices = #map}, {transform_indices = #map1}]} {
    %mul3A = arith.constant 16 : i32
    %mul3A_0 = arith.muli %arg0, %mul3A : i32
    %add3A = arith.addi %mul3A_0, %arg1 : i32
    %scan3A = arith.constant 0 : i32
    %scan3A_1 = arith.constant 0 : i32
    %scan3A_2 = arith.constant 128 : i32
    %scan3A_3 = arith.addi %scan3A_1, %scan3A_2 : i32
    %scan3A_4 = arith.constant 1 : i32
    %scan3A_5 = scf.for %scan3A_43 = %scan3A_1 to %scan3A_3 step %scan3A_4 iter_args(%scan3A_44 = %scan3A) -> (i32)  : i32 {
      %broadcast_in_dim3A = arith.constant 0.000000e+00 : f32
      %broadcast_in_dim3A_45 = vector.broadcast %broadcast_in_dim3A : f32 to vector<16xf32>
      %swap3A = arith.index_cast %scan3A_43 : i32 to index
      %swap3A_46 = arith.constant 0 : index
      %swap3A_47 = tpu.vector_load %arg7[%swap3A, %swap3A_46] {strides = array<i32>} : memref<128x128xf32, #tpu.memory_space<vmem>>, vector<1x16xf32>,
      %swap3A_48 = vector.shape_cast %swap3A_47 : vector<1x16xf32> to vector<16xf32>
      %swap3A_49 = vector.shape_cast %broadcast_in_dim3A_45 : vector<16xf32> to vector<1x16xf32>
      tpu.vector_store %arg7[%swap3A, %swap3A_46], %swap3A_49 {strides = array<i32>} : memref<128x128xf32, #tpu.memory_space<vmem>>, vector<1x16xf32>,
      %broadcast_in_dim3A_50 = arith.constant 0.000000e+00 : f32
      %broadcast_in_dim3A_51 = vector.broadcast %broadcast_in_dim3A_50 : f32 to vector<16xf32>
      %swap3A_52 = arith.index_cast %scan3A_43 : i32 to index
      %swap3A_53 = arith.constant 16 : index
      %swap3A_54 = tpu.vector_load %arg7[%swap3A_52, %swap3A_53] {strides = array<i32>} : memref<128x128xf32, #tpu.memory_space<vmem>>, vector<1x16xf32>,
      %swap3A_55 = vector.shape_cast %swap3A_54 : vector<1x16xf32> to vector<16xf32>
      %swap3A_56 = vector.shape_cast %broadcast_in_dim3A_51 : vector<16xf32> to vector<1x16xf32>
      tpu.vector_store %arg7[%swap3A_52, %swap3A_53], %swap3A_56 {strides = array<i32>} : memref<128x128xf32, #tpu.memory_space<vmem>>, vector<1x16xf32>,
      %broadcast_in_dim3A_57 = arith.constant 0.000000e+00 : f32
      %broadcast_in_dim3A_58 = vector.broadcast %broadcast_in_dim3A_57 : f32 to vector<16xf32>
      %swap3A_59 = arith.index_cast %scan3A_43 : i32 to index
      %swap3A_60 = arith.constant 32 : index
      %swap3A_61 = tpu.vector_load %arg7[%swap3A_59, %swap3A_60] {strides = array<i32>} : memref<128x128xf32, #tpu.memory_space<vmem>>, vector<1x16xf32>,
      %swap3A_62 = vector.shape_cast %swap3A_61 : vector<1x16xf32> to vector<16xf32>
      %swap3A_63 = vector.shape_cast %broadcast_in_dim3A_58 : vector<16xf32> to vector<1x16xf32>
      tpu.vector_store %arg7[%swap3A_59, %swap3A_60], %swap3A_63 {strides = array<i32>} : memref<128x128xf32, #tpu.memory_space<vmem>>, vector<1x16xf32>,
      %broadcast_in_dim3A_64 = arith.constant 0.000000e+00 : f32
      %broadcast_in_dim3A_65 = vector.broadcast %broadcast_in_dim3A_64 : f32 to vector<16xf32>
      %swap3A_66 = arith.index_cast %scan3A_43 : i32 to index
      %swap3A_67 = arith.constant 48 : index
      %swap3A_68 = tpu.vector_load %arg7[%swap3A_66, %swap3A_67] {strides = array<i32>} : memref<128x128xf32, #tpu.memory_space<vmem>>, vector<1x16xf32>,
      %swap3A_69 = vector.shape_cast %swap3A_68 : vector<1x16xf32> to vector<16xf32>
      %swap3A_70 = vector.shape_cast %broadcast_in_dim3A_65 : vector<16xf32> to vector<1x16xf32>
      tpu.vector_store %arg7[%swap3A_66, %swap3A_67], %swap3A_70 {strides = array<i32>} : memref<128x128xf32, #tpu.memory_space<vmem>>, vector<1x16xf32>,
      %broadcast_in_dim3A_71 = arith.constant 0.000000e+00 : f32
      %broadcast_in_dim3A_72 = vector.broadcast %broadcast_in_dim3A_71 : f32 to vector<16xf32>
      %swap3A_73 = arith.index_cast %scan3A_43 : i32 to index
      %swap3A_74 = arith.constant 64 : index
      %swap3A_75 = tpu.vector_load %arg7[%swap3A_73, %swap3A_74] {strides = array<i32>} : memref<128x128xf32, #tpu.memory_space<vmem>>, vector<1x16xf32>,
      %swap3A_76 = vector.shape_cast %swap3A_75 : vector<1x16xf32> to vector<16xf32>
      %swap3A_77 = vector.shape_cast %broadcast_in_dim3A_72 : vector<16xf32> to vector<1x16xf32>
      tpu.vector_store %arg7[%swap3A_73, %swap3A_74], %swap3A_77 {strides = array<i32>} : memref<128x128xf32, #tpu.memory_space<vmem>>, vector<1x16xf32>,
      %broadcast_in_dim3A_78 = arith.constant 0.000000e+00 : f32
      %broadcast_in_dim3A_79 = vector.broadcast %broadcast_in_dim3A_78 : f32 to vector<16xf32>
      %swap3A_80 = arith.index_cast %scan3A_43 : i32 to index
      %swap3A_81 = arith.constant 80 : index
      %swap3A_82 = tpu.vector_load %arg7[%swap3A_80, %swap3A_81] {strides = array<i32>} : memref<128x128xf32, #tpu.memory_space<vmem>>, vector<1x16xf32>,
      %swap3A_83 = vector.shape_cast %swap3A_82 : vector<1x16xf32> to vector<16xf32>
      %swap3A_84 = vector.shape_cast %broadcast_in_dim3A_79 : vector<16xf32> to vector<1x16xf32>
      tpu.vector_store %arg7[%swap3A_80, %swap3A_81], %swap3A_84 {strides = array<i32>} : memref<128x128xf32, #tpu.memory_space<vmem>>, vector<1x16xf32>,
      %broadcast_in_dim3A_85 = arith.constant 0.000000e+00 : f32
      %broadcast_in_dim3A_86 = vector.broadcast %broadcast_in_dim3A_85 : f32 to vector<16xf32>
      %swap3A_87 = arith.index_cast %scan3A_43 : i32 to index
      %swap3A_88 = arith.constant 96 : index
      %swap3A_89 = tpu.vector_load %arg7[%swap3A_87, %swap3A_88] {strides = array<i32>} : memref<128x128xf32, #tpu.memory_space<vmem>>, vector<1x16xf32>,
      %swap3A_90 = vector.shape_cast %swap3A_89 : vector<1x16xf32> to vector<16xf32>
      %swap3A_91 = vector.shape_cast %broadcast_in_dim3A_86 : vector<16xf32> to vector<1x16xf32>
      tpu.vector_store %arg7[%swap3A_87, %swap3A_88], %swap3A_91 {strides = array<i32>} : memref<128x128xf32, #tpu.memory_space<vmem>>, vector<1x16xf32>,
      %broadcast_in_dim3A_92 = arith.constant 0.000000e+00 : f32
      %broadcast_in_dim3A_93 = vector.broadcast %broadcast_in_dim3A_92 : f32 to vector<16xf32>
      %swap3A_94 = arith.index_cast %scan3A_43 : i32 to index
      %swap3A_95 = arith.constant 112 : index
      %swap3A_96 = tpu.vector_load %arg7[%swap3A_94, %swap3A_95] {strides = array<i32>} : memref<128x128xf32, #tpu.memory_space<vmem>>, vector<1x16xf32>,
      %swap3A_97 = vector.shape_cast %swap3A_96 : vector<1x16xf32> to vector<16xf32>
      %swap3A_98 = vector.shape_cast %broadcast_in_dim3A_93 : vector<16xf32> to vector<1x16xf32>
      tpu.vector_store %arg7[%swap3A_94, %swap3A_95], %swap3A_98 {strides = array<i32>} : memref<128x128xf32, #tpu.memory_space<vmem>>, vector<1x16xf32>,
      %scan3A_99 = arith.constant 0 : i32
      scf.yield %scan3A_99 : i32
    }
    %scan3A_6 = arith.constant 128 : i32
    %mul3A_7 = arith.constant 624 : i32
    %mul3A_8 = arith.muli %arg1, %mul3A_7 : i32
    %add3A_9 = arith.constant 0 : i32
    %add3A_10 = arith.addi %mul3A_8, %add3A_9 : i32
    "tpu.region"() ({
      %run_scoped3A = tpu.sem_alloc : memref<!tpu.dma_semaphore, #tpu.memory_space<semaphore_mem>>
      %dma_start3A = arith.constant 0 : i32
      %dma_start3A_43 = tpu.memref_slice %arg6[%add3A_10, %dma_start3A] : memref<10000x128xf32, #tpu.memory_space<vmem_shared>> -> memref<128x128xf32, #tpu.memory_space<vmem_shared>>
      %dma_start3A_44 = arith.constant 0 : i32
      %dma_start3A_45 = tpu.memref_slice %arg6[%add3A_10, %dma_start3A_44] : memref<10000x128xf32, #tpu.memory_space<vmem_shared>> -> memref<128x128xf32, #tpu.memory_space<vmem_shared>>
      tpu.enqueue_dma source(%arg7 : memref<128x128xf32, #tpu.memory_space<vmem>>) target(%dma_start3A_45 : memref<128x128xf32, #tpu.memory_space<vmem_shared>>) target_semaphore(%run_scoped3A : memref<!tpu.dma_semaphore, #tpu.memory_space<semaphore_mem>>)
      %dma_wait3A = arith.constant 0 : i32
      %dma_wait3A_46 = tpu.memref_slice %arg6[%add3A_10, %dma_wait3A] : memref<10000x128xf32, #tpu.memory_space<vmem_shared>> -> memref<128x128xf32, #tpu.memory_space<vmem_shared>>
      %dma_wait3A_47 = arith.constant 0 : i32
      %dma_wait3A_48 = tpu.memref_slice %arg6[%add3A_10, %dma_wait3A_47] : memref<10000x128xf32, #tpu.memory_space<vmem_shared>> -> memref<128x128xf32, #tpu.memory_space<vmem_shared>>
      tpu.wait_dma2 semaphore(%run_scoped3A : memref<!tpu.dma_semaphore, #tpu.memory_space<semaphore_mem>>) src(%arg7 : memref<128x128xf32, #tpu.memory_space<vmem>>) dst(%dma_wait3A_48 : memref<128x128xf32, #tpu.memory_space<vmem_shared>>)
      tpu.yield
    }) : () -> ()
    %mul3A_11 = arith.constant 624 : i32
    %mul3A_12 = arith.muli %arg1, %mul3A_11 : i32
    %add3A_13 = arith.constant 128 : i32
    %add3A_14 = arith.addi %mul3A_12, %add3A_13 : i32
    "tpu.region"() ({
      %run_scoped3A = tpu.sem_alloc : memref<!tpu.dma_semaphore, #tpu.memory_space<semaphore_mem>>
      %dma_start3A = arith.constant 0 : i32
      %dma_start3A_43 = tpu.memref_slice %arg6[%add3A_14, %dma_start3A] : memref<10000x128xf32, #tpu.memory_space<vmem_shared>> -> memref<128x128xf32, #tpu.memory_space<vmem_shared>>
      %dma_start3A_44 = arith.constant 0 : i32
      %dma_start3A_45 = tpu.memref_slice %arg6[%add3A_14, %dma_start3A_44] : memref<10000x128xf32, #tpu.memory_space<vmem_shared>> -> memref<128x128xf32, #tpu.memory_space<vmem_shared>>
      tpu.enqueue_dma source(%arg7 : memref<128x128xf32, #tpu.memory_space<vmem>>) target(%dma_start3A_45 : memref<128x128xf32, #tpu.memory_space<vmem_shared>>) target_semaphore(%run_scoped3A : memref<!tpu.dma_semaphore, #tpu.memory_space<semaphore_mem>>)
      %dma_wait3A = arith.constant 0 : i32
      %dma_wait3A_46 = tpu.memref_slice %arg6[%add3A_14, %dma_wait3A] : memref<10000x128xf32, #tpu.memory_space<vmem_shared>> -> memref<128x128xf32, #tpu.memory_space<vmem_shared>>
      %dma_wait3A_47 = arith.constant 0 : i32
      %dma_wait3A_48 = tpu.memref_slice %arg6[%add3A_14, %dma_wait3A_47] : memref<10000x128xf32, #tpu.memory_space<vmem_shared>> -> memref<128x128xf32, #tpu.memory_space<vmem_shared>>
      tpu.wait_dma2 semaphore(%run_scoped3A : memref<!tpu.dma_semaphore, #tpu.memory_space<semaphore_mem>>) src(%arg7 : memref<128x128xf32, #tpu.memory_space<vmem>>) dst(%dma_wait3A_48 : memref<128x128xf32, #tpu.memory_space<vmem_shared>>)
      tpu.yield
    }) : () -> ()
    %mul3A_15 = arith.constant 624 : i32
    %mul3A_16 = arith.muli %arg1, %mul3A_15 : i32
    %add3A_17 = arith.constant 256 : i32
    %add3A_18 = arith.addi %mul3A_16, %add3A_17 : i32
    "tpu.region"() ({
      %run_scoped3A = tpu.sem_alloc : memref<!tpu.dma_semaphore, #tpu.memory_space<semaphore_mem>>
      %dma_start3A = arith.constant 0 : i32
      %dma_start3A_43 = tpu.memref_slice %arg6[%add3A_18, %dma_start3A] : memref<10000x128xf32, #tpu.memory_space<vmem_shared>> -> memref<128x128xf32, #tpu.memory_space<vmem_shared>>
      %dma_start3A_44 = arith.constant 0 : i32
      %dma_start3A_45 = tpu.memref_slice %arg6[%add3A_18, %dma_start3A_44] : memref<10000x128xf32, #tpu.memory_space<vmem_shared>> -> memref<128x128xf32, #tpu.memory_space<vmem_shared>>
      tpu.enqueue_dma source(%arg7 : memref<128x128xf32, #tpu.memory_space<vmem>>) target(%dma_start3A_45 : memref<128x128xf32, #tpu.memory_space<vmem_shared>>) target_semaphore(%run_scoped3A : memref<!tpu.dma_semaphore, #tpu.memory_space<semaphore_mem>>)
      %dma_wait3A = arith.constant 0 : i32
      %dma_wait3A_46 = tpu.memref_slice %arg6[%add3A_18, %dma_wait3A] : memref<10000x128xf32, #tpu.memory_space<vmem_shared>> -> memref<128x128xf32, #tpu.memory_space<vmem_shared>>
      %dma_wait3A_47 = arith.constant 0 : i32
      %dma_wait3A_48 = tpu.memref_slice %arg6[%add3A_18, %dma_wait3A_47] : memref<10000x128xf32, #tpu.memory_space<vmem_shared>> -> memref<128x128xf32, #tpu.memory_space<vmem_shared>>
      tpu.wait_dma2 semaphore(%run_scoped3A : memref<!tpu.dma_semaphore, #tpu.memory_space<semaphore_mem>>) src(%arg7 : memref<128x128xf32, #tpu.memory_space<vmem>>) dst(%dma_wait3A_48 : memref<128x128xf32, #tpu.memory_space<vmem_shared>>)
      tpu.yield
    }) : () -> ()
    %mul3A_19 = arith.constant 624 : i32
    %mul3A_20 = arith.muli %arg1, %mul3A_19 : i32
    %add3A_21 = arith.constant 384 : i32
    %add3A_22 = arith.addi %mul3A_20, %add3A_21 : i32
    "tpu.region"() ({
      %run_scoped3A = tpu.sem_alloc : memref<!tpu.dma_semaphore, #tpu.memory_space<semaphore_mem>>
      %dma_start3A = arith.constant 0 : i32
      %dma_start3A_43 = tpu.memref_slice %arg6[%add3A_22, %dma_start3A] : memref<10000x128xf32, #tpu.memory_space<vmem_shared>> -> memref<128x128xf32, #tpu.memory_space<vmem_shared>>
      %dma_start3A_44 = arith.constant 0 : i32
      %dma_start3A_45 = tpu.memref_slice %arg6[%add3A_22, %dma_start3A_44] : memref<10000x128xf32, #tpu.memory_space<vmem_shared>> -> memref<128x128xf32, #tpu.memory_space<vmem_shared>>
      tpu.enqueue_dma source(%arg7 : memref<128x128xf32, #tpu.memory_space<vmem>>) target(%dma_start3A_45 : memref<128x128xf32, #tpu.memory_space<vmem_shared>>) target_semaphore(%run_scoped3A : memref<!tpu.dma_semaphore, #tpu.memory_space<semaphore_mem>>)
      %dma_wait3A = arith.constant 0 : i32
      %dma_wait3A_46 = tpu.memref_slice %arg6[%add3A_22, %dma_wait3A] : memref<10000x128xf32, #tpu.memory_space<vmem_shared>> -> memref<128x128xf32, #tpu.memory_space<vmem_shared>>
      %dma_wait3A_47 = arith.constant 0 : i32
      %dma_wait3A_48 = tpu.memref_slice %arg6[%add3A_22, %dma_wait3A_47] : memref<10000x128xf32, #tpu.memory_space<vmem_shared>> -> memref<128x128xf32, #tpu.memory_space<vmem_shared>>
      tpu.wait_dma2 semaphore(%run_scoped3A : memref<!tpu.dma_semaphore, #tpu.memory_space<semaphore_mem>>) src(%arg7 : memref<128x128xf32, #tpu.memory_space<vmem>>) dst(%dma_wait3A_48 : memref<128x128xf32, #tpu.memory_space<vmem_shared>>)
      tpu.yield
    }) : () -> ()
    %mul3A_23 = arith.constant 624 : i32
    %mul3A_24 = arith.muli %arg1, %mul3A_23 : i32
    %add3A_25 = arith.constant 512 : i32
    %add3A_26 = arith.addi %mul3A_24, %add3A_25 : i32
    "tpu.region"() ({
      %run_scoped3A = tpu.sem_alloc : memref<!tpu.dma_semaphore, #tpu.memory_space<semaphore_mem>>
      %dma_start3A = arith.constant 0 : i32
      %dma_start3A_43 = tpu.memref_slice %arg6[%add3A_26, %dma_start3A] : memref<10000x128xf32, #tpu.memory_space<vmem_shared>> -> memref<128x128xf32, #tpu.memory_space<vmem_shared>>
      %dma_start3A_44 = arith.constant 0 : i32
      %dma_start3A_45 = tpu.memref_slice %arg6[%add3A_26, %dma_start3A_44] : memref<10000x128xf32, #tpu.memory_space<vmem_shared>> -> memref<128x128xf32, #tpu.memory_space<vmem_shared>>
      tpu.enqueue_dma source(%arg7 : memref<128x128xf32, #tpu.memory_space<vmem>>) target(%dma_start3A_45 : memref<128x128xf32, #tpu.memory_space<vmem_shared>>) target_semaphore(%run_scoped3A : memref<!tpu.dma_semaphore, #tpu.memory_space<semaphore_mem>>)
      %dma_wait3A = arith.constant 0 : i32
      %dma_wait3A_46 = tpu.memref_slice %arg6[%add3A_26, %dma_wait3A] : memref<10000x128xf32, #tpu.memory_space<vmem_shared>> -> memref<128x128xf32, #tpu.memory_space<vmem_shared>>
      %dma_wait3A_47 = arith.constant 0 : i32
      %dma_wait3A_48 = tpu.memref_slice %arg6[%add3A_26, %dma_wait3A_47] : memref<10000x128xf32, #tpu.memory_space<vmem_shared>> -> memref<128x128xf32, #tpu.memory_space<vmem_shared>>
      tpu.wait_dma2 semaphore(%run_scoped3A : memref<!tpu.dma_semaphore, #tpu.memory_space<semaphore_mem>>) src(%arg7 : memref<128x128xf32, #tpu.memory_space<vmem>>) dst(%dma_wait3A_48 : memref<128x128xf32, #tpu.memory_space<vmem_shared>>)
      tpu.yield
    }) : () -> ()
    %barrier3A = arith.constant 0 : index
    tpu.barrier barrier_id(%barrier3A)
    %lt3A = arith.constant 31 : i32
    %lt3A_27 = arith.cmpi slt, %add3A, %lt3A : i32
    %convert_element_type3A = arith.extui %lt3A_27 : i1 to i32
    %cond3A = arith.constant 0 : i32
    %cond3A_28 = arith.cmpi ne, %convert_element_type3A, %cond3A : i32
    scf.if %cond3A_28 {
      %mul3A_43 = arith.constant 80 : i32
      %mul3A_44 = arith.muli %add3A, %mul3A_43 : i32
      %add3A_45 = arith.constant 0 : i32
      %add3A_46 = arith.addi %mul3A_44, %add3A_45 : i32
      %run_scoped3A = arith.constant 0 : i32
      "tpu.region"() ({
        %run_scoped3A_81 = tpu.sem_alloc : memref<!tpu.dma_semaphore, #tpu.memory_space<semaphore_mem>>
        %dma_start3A_82 = arith.constant 0 : i32
        %dma_start3A_83 = arith.constant 0 : i32
        %dma_start3A_84 = tpu.memref_slice %arg9[%dma_start3A_82, %dma_start3A_83] : memref<40x128xi32, #tpu.memory_space<vmem>> -> memref<40x128xi32, #tpu.memory_space<vmem>>
        %dma_start3A_85 = arith.constant 0 : i32
        %dma_start3A_86 = tpu.memref_slice %arg3[%run_scoped3A, %add3A_46, %dma_start3A_85] : memref<2x2500x128xi32, #tpu.memory_space<hbm>> -> memref<1x40x128xi32, #tpu.memory_space<hbm>>
        %dma_start3A_87 = tpu.memref_squeeze %dma_start3A_86 : memref<1x40x128xi32, #tpu.memory_space<hbm>> -> memref<40x128xi32, #tpu.memory_space<hbm>>
        %dma_start3A_88 = arith.constant 0 : i32
        %dma_start3A_89 = arith.constant 0 : i32
        %dma_start3A_90 = tpu.memref_slice %arg9[%dma_start3A_88, %dma_start3A_89] : memref<40x128xi32, #tpu.memory_space<vmem>> -> memref<40x128xi32, #tpu.memory_space<vmem>>
        %dma_start3A_91 = arith.constant 0 : i32
        %dma_start3A_92 = tpu.memref_slice %arg3[%run_scoped3A, %add3A_46, %dma_start3A_91] : memref<2x2500x128xi32, #tpu.memory_space<hbm>> -> memref<1x40x128xi32, #tpu.memory_space<hbm>>
        %dma_start3A_93 = tpu.memref_squeeze %dma_start3A_92 : memref<1x40x128xi32, #tpu.memory_space<hbm>> -> memref<40x128xi32, #tpu.memory_space<hbm>>
        tpu.enqueue_dma source(%dma_start3A_93 : memref<40x128xi32, #tpu.memory_space<hbm>>) target(%dma_start3A_90 : memref<40x128xi32, #tpu.memory_space<vmem>>) target_semaphore(%run_scoped3A_81 : memref<!tpu.dma_semaphore, #tpu.memory_space<semaphore_mem>>)
        %dma_wait3A = arith.constant 0 : i32
        %dma_wait3A_94 = arith.constant 0 : i32
        %dma_wait3A_95 = tpu.memref_slice %arg9[%dma_wait3A, %dma_wait3A_94] : memref<40x128xi32, #tpu.memory_space<vmem>> -> memref<40x128xi32, #tpu.memory_space<vmem>>
        %dma_wait3A_96 = arith.constant 0 : i32
        %dma_wait3A_97 = tpu.memref_slice %arg3[%run_scoped3A, %add3A_46, %dma_wait3A_96] : memref<2x2500x128xi32, #tpu.memory_space<hbm>> -> memref<1x40x128xi32, #tpu.memory_space<hbm>>
        %dma_wait3A_98 = tpu.memref_squeeze %dma_wait3A_97 : memref<1x40x128xi32, #tpu.memory_space<hbm>> -> memref<40x128xi32, #tpu.memory_space<hbm>>
        %dma_wait3A_99 = arith.constant 0 : i32
        %dma_wait3A_100 = arith.constant 0 : i32
        %dma_wait3A_101 = tpu.memref_slice %arg9[%dma_wait3A_99, %dma_wait3A_100] : memref<40x128xi32, #tpu.memory_space<vmem>> -> memref<40x128xi32, #tpu.memory_space<vmem>>
        %dma_wait3A_102 = arith.constant 0 : i32
        %dma_wait3A_103 = tpu.memref_slice %arg3[%run_scoped3A, %add3A_46, %dma_wait3A_102] : memref<2x2500x128xi32, #tpu.memory_space<hbm>> -> memref<1x40x128xi32, #tpu.memory_space<hbm>>
        %dma_wait3A_104 = tpu.memref_squeeze %dma_wait3A_103 : memref<1x40x128xi32, #tpu.memory_space<hbm>> -> memref<40x128xi32, #tpu.memory_space<hbm>>
        tpu.wait_dma2 semaphore(%run_scoped3A_81 : memref<!tpu.dma_semaphore, #tpu.memory_space<semaphore_mem>>) src(%dma_wait3A_104 : memref<40x128xi32, #tpu.memory_space<hbm>>) dst(%dma_wait3A_101 : memref<40x128xi32, #tpu.memory_space<vmem>>)
        tpu.yield
      }) : () -> ()
      %run_scoped3A_47 = arith.constant 1 : i32
      "tpu.region"() ({
        %run_scoped3A_81 = tpu.sem_alloc : memref<!tpu.dma_semaphore, #tpu.memory_space<semaphore_mem>>
        %dma_start3A_82 = arith.constant 0 : i32
        %dma_start3A_83 = arith.constant 0 : i32
        %dma_start3A_84 = tpu.memref_slice %arg10[%dma_start3A_82, %dma_start3A_83] : memref<40x128xi32, #tpu.memory_space<vmem>> -> memref<40x128xi32, #tpu.memory_space<vmem>>
        %dma_start3A_85 = arith.constant 0 : i32
        %dma_start3A_86 = tpu.memref_slice %arg3[%run_scoped3A_47, %add3A_46, %dma_start3A_85] : memref<2x2500x128xi32, #tpu.memory_space<hbm>> -> memref<1x40x128xi32, #tpu.memory_space<hbm>>
        %dma_start3A_87 = tpu.memref_squeeze %dma_start3A_86 : memref<1x40x128xi32, #tpu.memory_space<hbm>> -> memref<40x128xi32, #tpu.memory_space<hbm>>
        %dma_start3A_88 = arith.constant 0 : i32
        %dma_start3A_89 = arith.constant 0 : i32
        %dma_start3A_90 = tpu.memref_slice %arg10[%dma_start3A_88, %dma_start3A_89] : memref<40x128xi32, #tpu.memory_space<vmem>> -> memref<40x128xi32, #tpu.memory_space<vmem>>
        %dma_start3A_91 = arith.constant 0 : i32
        %dma_start3A_92 = tpu.memref_slice %arg3[%run_scoped3A_47, %add3A_46, %dma_start3A_91] : memref<2x2500x128xi32, #tpu.memory_space<hbm>> -> memref<1x40x128xi32, #tpu.memory_space<hbm>>
        %dma_start3A_93 = tpu.memref_squeeze %dma_start3A_92 : memref<1x40x128xi32, #tpu.memory_space<hbm>> -> memref<40x128xi32, #tpu.memory_space<hbm>>
        tpu.enqueue_dma source(%dma_start3A_93 : memref<40x128xi32, #tpu.memory_space<hbm>>) target(%dma_start3A_90 : memref<40x128xi32, #tpu.memory_space<vmem>>) target_semaphore(%run_scoped3A_81 : memref<!tpu.dma_semaphore, #tpu.memory_space<semaphore_mem>>)
        %dma_wait3A = arith.constant 0 : i32
        %dma_wait3A_94 = arith.constant 0 : i32
        %dma_wait3A_95 = tpu.memref_slice %arg10[%dma_wait3A, %dma_wait3A_94] : memref<40x128xi32, #tpu.memory_space<vmem>> -> memref<40x128xi32, #tpu.memory_space<vmem>>
        %dma_wait3A_96 = arith.constant 0 : i32
        %dma_wait3A_97 = tpu.memref_slice %arg3[%run_scoped3A_47, %add3A_46, %dma_wait3A_96] : memref<2x2500x128xi32, #tpu.memory_space<hbm>> -> memref<1x40x128xi32, #tpu.memory_space<hbm>>
        %dma_wait3A_98 = tpu.memref_squeeze %dma_wait3A_97 : memref<1x40x128xi32, #tpu.memory_space<hbm>> -> memref<40x128xi32, #tpu.memory_space<hbm>>
        %dma_wait3A_99 = arith.constant 0 : i32
        %dma_wait3A_100 = arith.constant 0 : i32
        %dma_wait3A_101 = tpu.memref_slice %arg10[%dma_wait3A_99, %dma_wait3A_100] : memref<40x128xi32, #tpu.memory_space<vmem>> -> memref<40x128xi32, #tpu.memory_space<vmem>>
        %dma_wait3A_102 = arith.constant 0 : i32
        %dma_wait3A_103 = tpu.memref_slice %arg3[%run_scoped3A_47, %add3A_46, %dma_wait3A_102] : memref<2x2500x128xi32, #tpu.memory_space<hbm>> -> memref<1x40x128xi32, #tpu.memory_space<hbm>>
        %dma_wait3A_104 = tpu.memref_squeeze %dma_wait3A_103 : memref<1x40x128xi32, #tpu.memory_space<hbm>> -> memref<40x128xi32, #tpu.memory_space<hbm>>
        tpu.wait_dma2 semaphore(%run_scoped3A_81 : memref<!tpu.dma_semaphore, #tpu.memory_space<semaphore_mem>>) src(%dma_wait3A_104 : memref<40x128xi32, #tpu.memory_space<hbm>>) dst(%dma_wait3A_101 : memref<40x128xi32, #tpu.memory_space<vmem>>)
        tpu.yield
      }) : () -> ()
      %dma_start3A = arith.constant 0 : i32
      %dma_start3A_48 = arith.constant 0 : i32
      %dma_start3A_49 = tpu.memref_slice %arg9[%dma_start3A, %dma_start3A_48] : memref<40x128xi32, #tpu.memory_space<vmem>> -> memref<1x128xi32, #tpu.memory_space<vmem>>
      %dma_start3A_50 = tpu.memref_squeeze %dma_start3A_49 : memref<1x128xi32, #tpu.memory_space<vmem>> -> memref<128xi32, #tpu.memory_space<vmem>>
      %dma_start3A_51 = arith.constant 0 : i32
      %dma_start3A_52 = arith.constant 0 : i32
      %dma_start3A_53 = tpu.memref_slice %arg2[%dma_start3A_51, %dma_start3A_52] : memref<10000x128xf32, #tpu.memory_space<hbm>> -> memref<10000x128xf32, #tpu.memory_space<hbm>>
      tpu.enqueue_indirect_dma source(%dma_start3A_53 : memref<10000x128xf32, #tpu.memory_space<hbm>>) target(%arg7 : memref<128x128xf32, #tpu.memory_space<vmem>>) offsets(%dma_start3A_50 : memref<128xi32, #tpu.memory_space<vmem>>) semaphore(%arg11 : memref<!tpu.dma_semaphore, #tpu.memory_space<semaphore_mem>>)
      %scan3A_54 = arith.constant 0 : i32
      %scan3A_55 = arith.constant 0 : i32
      %scan3A_56 = arith.constant 20 : i32
      %scan3A_57 = arith.addi %scan3A_55, %scan3A_56 : i32
      %scan3A_58 = arith.constant 1 : i32
      %scan3A_59 = scf.for %scan3A_81 = %scan3A_55 to %scan3A_57 step %scan3A_58 iter_args(%scan3A_82 = %scan3A_54) -> (i32)  : i32 {
        %mul3A_83 = arith.constant 2 : i32
        %mul3A_84 = arith.muli %mul3A_83, %scan3A_81 : i32
        %add3A_85 = arith.constant 1 : i32
        %add3A_86 = arith.addi %mul3A_84, %add3A_85 : i32
        %dma_start3A_87 = arith.constant 0 : i32
        %dma_start3A_88 = tpu.memref_slice %arg9[%add3A_86, %dma_start3A_87] : memref<40x128xi32, #tpu.memory_space<vmem>> -> memref<1x128xi32, #tpu.memory_space<vmem>>
        %dma_start3A_89 = tpu.memref_squeeze %dma_start3A_88 : memref<1x128xi32, #tpu.memory_space<vmem>> -> memref<128xi32, #tpu.memory_space<vmem>>
        %dma_start3A_90 = arith.constant 0 : i32
        %dma_start3A_91 = arith.constant 0 : i32
        %dma_start3A_92 = tpu.memref_slice %arg2[%dma_start3A_90, %dma_start3A_91] : memref<10000x128xf32, #tpu.memory_space<hbm>> -> memref<10000x128xf32, #tpu.memory_space<hbm>>
        tpu.enqueue_indirect_dma source(%dma_start3A_92 : memref<10000x128xf32, #tpu.memory_space<hbm>>) target(%arg8 : memref<128x128xf32, #tpu.memory_space<vmem>>) offsets(%dma_start3A_89 : memref<128xi32, #tpu.memory_space<vmem>>) semaphore(%arg12 : memref<!tpu.dma_semaphore, #tpu.memory_space<semaphore_mem>>)
        %dma_wait3A = arith.constant 0 : i32
        %dma_wait3A_93 = arith.constant 0 : i32
        %dma_wait3A_94 = tpu.memref_slice %arg9[%dma_wait3A, %dma_wait3A_93] : memref<40x128xi32, #tpu.memory_space<vmem>> -> memref<1x128xi32, #tpu.memory_space<vmem>>
        %dma_wait3A_95 = tpu.memref_squeeze %dma_wait3A_94 : memref<1x128xi32, #tpu.memory_space<vmem>> -> memref<128xi32, #tpu.memory_space<vmem>>
        %dma_wait3A_96 = arith.constant 0 : i32
        %dma_wait3A_97 = arith.constant 0 : i32
        %dma_wait3A_98 = tpu.memref_slice %arg2[%dma_wait3A_96, %dma_wait3A_97] : memref<10000x128xf32, #tpu.memory_space<hbm>> -> memref<10000x128xf32, #tpu.memory_space<hbm>>
        tpu.wait_indirect_dma semaphore(%arg11 : memref<!tpu.dma_semaphore, #tpu.memory_space<semaphore_mem>>) src(%dma_wait3A_98 : memref<10000x128xf32, #tpu.memory_space<hbm>>) dst(%arg7 : memref<128x128xf32, #tpu.memory_space<vmem>>)
        %mul3A_99 = arith.constant 2 : i32
        %mul3A_100 = arith.muli %mul3A_99, %scan3A_81 : i32
        "tpu.region"() ({
          %run_scoped3A_118 = tpu.sem_alloc : memref<!tpu.dma_semaphore, #tpu.memory_space<semaphore_mem>>
          %dma_start3A_119 = arith.constant 0 : i32
          %dma_start3A_120 = tpu.memref_slice %arg10[%mul3A_100, %dma_start3A_119] : memref<40x128xi32, #tpu.memory_space<vmem>> -> memref<1x128xi32, #tpu.memory_space<vmem>>
          %dma_start3A_121 = tpu.memref_squeeze %dma_start3A_120 : memref<1x128xi32, #tpu.memory_space<vmem>> -> memref<128xi32, #tpu.memory_space<vmem>>
          %dma_start3A_122 = arith.constant 0 : i32
          %dma_start3A_123 = arith.constant 0 : i32
          %dma_start3A_124 = tpu.memref_slice %arg6[%dma_start3A_122, %dma_start3A_123] : memref<10000x128xf32, #tpu.memory_space<vmem_shared>> -> memref<10000x128xf32, #tpu.memory_space<vmem_shared>>
          tpu.enqueue_indirect_dma source(%arg7 : memref<128x128xf32, #tpu.memory_space<vmem>>) target(%dma_start3A_124 : memref<10000x128xf32, #tpu.memory_space<vmem_shared>>) offsets(%dma_start3A_121 : memref<128xi32, #tpu.memory_space<vmem>>) semaphore(%run_scoped3A_118 : memref<!tpu.dma_semaphore, #tpu.memory_space<semaphore_mem>>) {add = true}
          %dma_wait3A_125 = arith.constant 0 : i32
          %dma_wait3A_126 = tpu.memref_slice %arg10[%mul3A_100, %dma_wait3A_125] : memref<40x128xi32, #tpu.memory_space<vmem>> -> memref<1x128xi32, #tpu.memory_space<vmem>>
          %dma_wait3A_127 = tpu.memref_squeeze %dma_wait3A_126 : memref<1x128xi32, #tpu.memory_space<vmem>> -> memref<128xi32, #tpu.memory_space<vmem>>
          %dma_wait3A_128 = arith.constant 0 : i32
          %dma_wait3A_129 = arith.constant 0 : i32
          %dma_wait3A_130 = tpu.memref_slice %arg6[%dma_wait3A_128, %dma_wait3A_129] : memref<10000x128xf32, #tpu.memory_space<vmem_shared>> -> memref<10000x128xf32, #tpu.memory_space<vmem_shared>>
          tpu.wait_indirect_dma semaphore(%run_scoped3A_118 : memref<!tpu.dma_semaphore, #tpu.memory_space<semaphore_mem>>) src(%arg7 : memref<128x128xf32, #tpu.memory_space<vmem>>) dst(%dma_wait3A_130 : memref<10000x128xf32, #tpu.memory_space<vmem_shared>>)
          tpu.yield
        }) : () -> ()
        %lt3A_101 = arith.constant 19 : i32
        %lt3A_102 = arith.cmpi slt, %scan3A_81, %lt3A_101 : i32
        %convert_element_type3A_103 = arith.extui %lt3A_102 : i1 to i32
        %cond3A_104 = arith.constant 0 : i32
        %cond3A_105 = arith.cmpi ne, %convert_element_type3A_103, %cond3A_104 : i32
        scf.if %cond3A_105 {
          %mul3A_118 = arith.constant 2 : i32
          %mul3A_119 = arith.muli %mul3A_118, %scan3A_81 : i32
          %add3A_120 = arith.constant 2 : i32
          %add3A_121 = arith.addi %mul3A_119, %add3A_120 : i32
          %dma_start3A_122 = arith.constant 0 : i32
          %dma_start3A_123 = tpu.memref_slice %arg9[%add3A_121, %dma_start3A_122] : memref<40x128xi32, #tpu.memory_space<vmem>> -> memref<1x128xi32, #tpu.memory_space<vmem>>
          %dma_start3A_124 = tpu.memref_squeeze %dma_start3A_123 : memref<1x128xi32, #tpu.memory_space<vmem>> -> memref<128xi32, #tpu.memory_space<vmem>>
          %dma_start3A_125 = arith.constant 0 : i32
          %dma_start3A_126 = arith.constant 0 : i32
          %dma_start3A_127 = tpu.memref_slice %arg2[%dma_start3A_125, %dma_start3A_126] : memref<10000x128xf32, #tpu.memory_space<hbm>> -> memref<10000x128xf32, #tpu.memory_space<hbm>>
          tpu.enqueue_indirect_dma source(%dma_start3A_127 : memref<10000x128xf32, #tpu.memory_space<hbm>>) target(%arg7 : memref<128x128xf32, #tpu.memory_space<vmem>>) offsets(%dma_start3A_124 : memref<128xi32, #tpu.memory_space<vmem>>) semaphore(%arg11 : memref<!tpu.dma_semaphore, #tpu.memory_space<semaphore_mem>>)
        } else {
        }
        %dma_wait3A_106 = arith.constant 0 : i32
        %dma_wait3A_107 = arith.constant 0 : i32
        %dma_wait3A_108 = tpu.memref_slice %arg9[%dma_wait3A_106, %dma_wait3A_107] : memref<40x128xi32, #tpu.memory_space<vmem>> -> memref<1x128xi32, #tpu.memory_space<vmem>>
        %dma_wait3A_109 = tpu.memref_squeeze %dma_wait3A_108 : memref<1x128xi32, #tpu.memory_space<vmem>> -> memref<128xi32, #tpu.memory_space<vmem>>
        %dma_wait3A_110 = arith.constant 0 : i32
        %dma_wait3A_111 = arith.constant 0 : i32
        %dma_wait3A_112 = tpu.memref_slice %arg2[%dma_wait3A_110, %dma_wait3A_111] : memref<10000x128xf32, #tpu.memory_space<hbm>> -> memref<10000x128xf32, #tpu.memory_space<hbm>>
        tpu.wait_indirect_dma semaphore(%arg12 : memref<!tpu.dma_semaphore, #tpu.memory_space<semaphore_mem>>) src(%dma_wait3A_112 : memref<10000x128xf32, #tpu.memory_space<hbm>>) dst(%arg8 : memref<128x128xf32, #tpu.memory_space<vmem>>)
        %mul3A_113 = arith.constant 2 : i32
        %mul3A_114 = arith.muli %mul3A_113, %scan3A_81 : i32
        %add3A_115 = arith.constant 1 : i32
        %add3A_116 = arith.addi %mul3A_114, %add3A_115 : i32
        "tpu.region"() ({
          %run_scoped3A_118 = tpu.sem_alloc : memref<!tpu.dma_semaphore, #tpu.memory_space<semaphore_mem>>
          %dma_start3A_119 = arith.constant 0 : i32
          %dma_start3A_120 = tpu.memref_slice %arg10[%add3A_116, %dma_start3A_119] : memref<40x128xi32, #tpu.memory_space<vmem>> -> memref<1x128xi32, #tpu.memory_space<vmem>>
          %dma_start3A_121 = tpu.memref_squeeze %dma_start3A_120 : memref<1x128xi32, #tpu.memory_space<vmem>> -> memref<128xi32, #tpu.memory_space<vmem>>
          %dma_start3A_122 = arith.constant 0 : i32
          %dma_start3A_123 = arith.constant 0 : i32
          %dma_start3A_124 = tpu.memref_slice %arg6[%dma_start3A_122, %dma_start3A_123] : memref<10000x128xf32, #tpu.memory_space<vmem_shared>> -> memref<10000x128xf32, #tpu.memory_space<vmem_shared>>
          tpu.enqueue_indirect_dma source(%arg8 : memref<128x128xf32, #tpu.memory_space<vmem>>) target(%dma_start3A_124 : memref<10000x128xf32, #tpu.memory_space<vmem_shared>>) offsets(%dma_start3A_121 : memref<128xi32, #tpu.memory_space<vmem>>) semaphore(%run_scoped3A_118 : memref<!tpu.dma_semaphore, #tpu.memory_space<semaphore_mem>>) {add = true}
          %dma_wait3A_125 = arith.constant 0 : i32
          %dma_wait3A_126 = tpu.memref_slice %arg10[%add3A_116, %dma_wait3A_125] : memref<40x128xi32, #tpu.memory_space<vmem>> -> memref<1x128xi32, #tpu.memory_space<vmem>>
          %dma_wait3A_127 = tpu.memref_squeeze %dma_wait3A_126 : memref<1x128xi32, #tpu.memory_space<vmem>> -> memref<128xi32, #tpu.memory_space<vmem>>
          %dma_wait3A_128 = arith.constant 0 : i32
          %dma_wait3A_129 = arith.constant 0 : i32
          %dma_wait3A_130 = tpu.memref_slice %arg6[%dma_wait3A_128, %dma_wait3A_129] : memref<10000x128xf32, #tpu.memory_space<vmem_shared>> -> memref<10000x128xf32, #tpu.memory_space<vmem_shared>>
          tpu.wait_indirect_dma semaphore(%run_scoped3A_118 : memref<!tpu.dma_semaphore, #tpu.memory_space<semaphore_mem>>) src(%arg8 : memref<128x128xf32, #tpu.memory_space<vmem>>) dst(%dma_wait3A_130 : memref<10000x128xf32, #tpu.memory_space<vmem_shared>>)
          tpu.yield
        }) : () -> ()
        %scan3A_117 = arith.constant 0 : i32
        scf.yield %scan3A_117 : i32
      }
      %scan3A_60 = arith.constant 20 : i32
      %mul3A_61 = arith.constant 80 : i32
      %mul3A_62 = arith.muli %add3A, %mul3A_61 : i32
      %add3A_63 = arith.constant 40 : i32
      %add3A_64 = arith.addi %mul3A_62, %add3A_63 : i32
      %run_scoped3A_65 = arith.constant 0 : i32
      "tpu.region"() ({
        %run_scoped3A_81 = tpu.sem_alloc : memref<!tpu.dma_semaphore, #tpu.memory_space<semaphore_mem>>
        %dma_start3A_82 = arith.constant 0 : i32
        %dma_start3A_83 = arith.constant 0 : i32
        %dma_start3A_84 = tpu.memref_slice %arg9[%dma_start3A_82, %dma_start3A_83] : memref<40x128xi32, #tpu.memory_space<vmem>> -> memref<40x128xi32, #tpu.memory_space<vmem>>
        %dma_start3A_85 = arith.constant 0 : i32
        %dma_start3A_86 = tpu.memref_slice %arg3[%run_scoped3A_65, %add3A_64, %dma_start3A_85] : memref<2x2500x128xi32, #tpu.memory_space<hbm>> -> memref<1x40x128xi32, #tpu.memory_space<hbm>>
        %dma_start3A_87 = tpu.memref_squeeze %dma_start3A_86 : memref<1x40x128xi32, #tpu.memory_space<hbm>> -> memref<40x128xi32, #tpu.memory_space<hbm>>
        %dma_start3A_88 = arith.constant 0 : i32
        %dma_start3A_89 = arith.constant 0 : i32
        %dma_start3A_90 = tpu.memref_slice %arg9[%dma_start3A_88, %dma_start3A_89] : memref<40x128xi32, #tpu.memory_space<vmem>> -> memref<40x128xi32, #tpu.memory_space<vmem>>
        %dma_start3A_91 = arith.constant 0 : i32
        %dma_start3A_92 = tpu.memref_slice %arg3[%run_scoped3A_65, %add3A_64, %dma_start3A_91] : memref<2x2500x128xi32, #tpu.memory_space<hbm>> -> memref<1x40x128xi32, #tpu.memory_space<hbm>>
        %dma_start3A_93 = tpu.memref_squeeze %dma_start3A_92 : memref<1x40x128xi32, #tpu.memory_space<hbm>> -> memref<40x128xi32, #tpu.memory_space<hbm>>
        tpu.enqueue_dma source(%dma_start3A_93 : memref<40x128xi32, #tpu.memory_space<hbm>>) target(%dma_start3A_90 : memref<40x128xi32, #tpu.memory_space<vmem>>) target_semaphore(%run_scoped3A_81 : memref<!tpu.dma_semaphore, #tpu.memory_space<semaphore_mem>>)
        %dma_wait3A = arith.constant 0 : i32
        %dma_wait3A_94 = arith.constant 0 : i32
        %dma_wait3A_95 = tpu.memref_slice %arg9[%dma_wait3A, %dma_wait3A_94] : memref<40x128xi32, #tpu.memory_space<vmem>> -> memref<40x128xi32, #tpu.memory_space<vmem>>
        %dma_wait3A_96 = arith.constant 0 : i32
        %dma_wait3A_97 = tpu.memref_slice %arg3[%run_scoped3A_65, %add3A_64, %dma_wait3A_96] : memref<2x2500x128xi32, #tpu.memory_space<hbm>> -> memref<1x40x128xi32, #tpu.memory_space<hbm>>
        %dma_wait3A_98 = tpu.memref_squeeze %dma_wait3A_97 : memref<1x40x128xi32, #tpu.memory_space<hbm>> -> memref<40x128xi32, #tpu.memory_space<hbm>>
        %dma_wait3A_99 = arith.constant 0 : i32
        %dma_wait3A_100 = arith.constant 0 : i32
        %dma_wait3A_101 = tpu.memref_slice %arg9[%dma_wait3A_99, %dma_wait3A_100] : memref<40x128xi32, #tpu.memory_space<vmem>> -> memref<40x128xi32, #tpu.memory_space<vmem>>
        %dma_wait3A_102 = arith.constant 0 : i32
        %dma_wait3A_103 = tpu.memref_slice %arg3[%run_scoped3A_65, %add3A_64, %dma_wait3A_102] : memref<2x2500x128xi32, #tpu.memory_space<hbm>> -> memref<1x40x128xi32, #tpu.memory_space<hbm>>
        %dma_wait3A_104 = tpu.memref_squeeze %dma_wait3A_103 : memref<1x40x128xi32, #tpu.memory_space<hbm>> -> memref<40x128xi32, #tpu.memory_space<hbm>>
        tpu.wait_dma2 semaphore(%run_scoped3A_81 : memref<!tpu.dma_semaphore, #tpu.memory_space<semaphore_mem>>) src(%dma_wait3A_104 : memref<40x128xi32, #tpu.memory_space<hbm>>) dst(%dma_wait3A_101 : memref<40x128xi32, #tpu.memory_space<vmem>>)
        tpu.yield
      }) : () -> ()
      %run_scoped3A_66 = arith.constant 1 : i32
      "tpu.region"() ({
        %run_scoped3A_81 = tpu.sem_alloc : memref<!tpu.dma_semaphore, #tpu.memory_space<semaphore_mem>>
        %dma_start3A_82 = arith.constant 0 : i32
        %dma_start3A_83 = arith.constant 0 : i32
        %dma_start3A_84 = tpu.memref_slice %arg10[%dma_start3A_82, %dma_start3A_83] : memref<40x128xi32, #tpu.memory_space<vmem>> -> memref<40x128xi32, #tpu.memory_space<vmem>>
        %dma_start3A_85 = arith.constant 0 : i32
        %dma_start3A_86 = tpu.memref_slice %arg3[%run_scoped3A_66, %add3A_64, %dma_start3A_85] : memref<2x2500x128xi32, #tpu.memory_space<hbm>> -> memref<1x40x128xi32, #tpu.memory_space<hbm>>
        %dma_start3A_87 = tpu.memref_squeeze %dma_start3A_86 : memref<1x40x128xi32, #tpu.memory_space<hbm>> -> memref<40x128xi32, #tpu.memory_space<hbm>>
        %dma_start3A_88 = arith.constant 0 : i32
        %dma_start3A_89 = arith.constant 0 : i32
        %dma_start3A_90 = tpu.memref_slice %arg10[%dma_start3A_88, %dma_start3A_89] : memref<40x128xi32, #tpu.memory_space<vmem>> -> memref<40x128xi32, #tpu.memory_space<vmem>>
        %dma_start3A_91 = arith.constant 0 : i32
        %dma_start3A_92 = tpu.memref_slice %arg3[%run_scoped3A_66, %add3A_64, %dma_start3A_91] : memref<2x2500x128xi32, #tpu.memory_space<hbm>> -> memref<1x40x128xi32, #tpu.memory_space<hbm>>
        %dma_start3A_93 = tpu.memref_squeeze %dma_start3A_92 : memref<1x40x128xi32, #tpu.memory_space<hbm>> -> memref<40x128xi32, #tpu.memory_space<hbm>>
        tpu.enqueue_dma source(%dma_start3A_93 : memref<40x128xi32, #tpu.memory_space<hbm>>) target(%dma_start3A_90 : memref<40x128xi32, #tpu.memory_space<vmem>>) target_semaphore(%run_scoped3A_81 : memref<!tpu.dma_semaphore, #tpu.memory_space<semaphore_mem>>)
        %dma_wait3A = arith.constant 0 : i32
        %dma_wait3A_94 = arith.constant 0 : i32
        %dma_wait3A_95 = tpu.memref_slice %arg10[%dma_wait3A, %dma_wait3A_94] : memref<40x128xi32, #tpu.memory_space<vmem>> -> memref<40x128xi32, #tpu.memory_space<vmem>>
        %dma_wait3A_96 = arith.constant 0 : i32
        %dma_wait3A_97 = tpu.memref_slice %arg3[%run_scoped3A_66, %add3A_64, %dma_wait3A_96] : memref<2x2500x128xi32, #tpu.memory_space<hbm>> -> memref<1x40x128xi32, #tpu.memory_space<hbm>>
        %dma_wait3A_98 = tpu.memref_squeeze %dma_wait3A_97 : memref<1x40x128xi32, #tpu.memory_space<hbm>> -> memref<40x128xi32, #tpu.memory_space<hbm>>
        %dma_wait3A_99 = arith.constant 0 : i32
        %dma_wait3A_100 = arith.constant 0 : i32
        %dma_wait3A_101 = tpu.memref_slice %arg10[%dma_wait3A_99, %dma_wait3A_100] : memref<40x128xi32, #tpu.memory_space<vmem>> -> memref<40x128xi32, #tpu.memory_space<vmem>>
        %dma_wait3A_102 = arith.constant 0 : i32
        %dma_wait3A_103 = tpu.memref_slice %arg3[%run_scoped3A_66, %add3A_64, %dma_wait3A_102] : memref<2x2500x128xi32, #tpu.memory_space<hbm>> -> memref<1x40x128xi32, #tpu.memory_space<hbm>>
        %dma_wait3A_104 = tpu.memref_squeeze %dma_wait3A_103 : memref<1x40x128xi32, #tpu.memory_space<hbm>> -> memref<40x128xi32, #tpu.memory_space<hbm>>
        tpu.wait_dma2 semaphore(%run_scoped3A_81 : memref<!tpu.dma_semaphore, #tpu.memory_space<semaphore_mem>>) src(%dma_wait3A_104 : memref<40x128xi32, #tpu.memory_space<hbm>>) dst(%dma_wait3A_101 : memref<40x128xi32, #tpu.memory_space<vmem>>)
        tpu.yield
      }) : () -> ()
      %dma_start3A_67 = arith.constant 0 : i32
      %dma_start3A_68 = arith.constant 0 : i32
      %dma_start3A_69 = tpu.memref_slice %arg9[%dma_start3A_67, %dma_start3A_68] : memref<40x128xi32, #tpu.memory_space<vmem>> -> memref<1x128xi32, #tpu.memory_space<vmem>>
      %dma_start3A_70 = tpu.memref_squeeze %dma_start3A_69 : memref<1x128xi32, #tpu.memory_space<vmem>> -> memref<128xi32, #tpu.memory_space<vmem>>
      %dma_start3A_71 = arith.constant 0 : i32
      %dma_start3A_72 = arith.constant 0 : i32
      %dma_start3A_73 = tpu.memref_slice %arg2[%dma_start3A_71, %dma_start3A_72] : memref<10000x128xf32, #tpu.memory_space<hbm>> -> memref<10000x128xf32, #tpu.memory_space<hbm>>
      tpu.enqueue_indirect_dma source(%dma_start3A_73 : memref<10000x128xf32, #tpu.memory_space<hbm>>) target(%arg7 : memref<128x128xf32, #tpu.memory_space<vmem>>) offsets(%dma_start3A_70 : memref<128xi32, #tpu.memory_space<vmem>>) semaphore(%arg11 : memref<!tpu.dma_semaphore, #tpu.memory_space<semaphore_mem>>)
      %scan3A_74 = arith.constant 0 : i32
      %scan3A_75 = arith.constant 0 : i32
      %scan3A_76 = arith.constant 20 : i32
      %scan3A_77 = arith.addi %scan3A_75, %scan3A_76 : i32
      %scan3A_78 = arith.constant 1 : i32
      %scan3A_79 = scf.for %scan3A_81 = %scan3A_75 to %scan3A_77 step %scan3A_78 iter_args(%scan3A_82 = %scan3A_74) -> (i32)  : i32 {
        %mul3A_83 = arith.constant 2 : i32
        %mul3A_84 = arith.muli %mul3A_83, %scan3A_81 : i32
        %add3A_85 = arith.constant 1 : i32
        %add3A_86 = arith.addi %mul3A_84, %add3A_85 : i32
        %dma_start3A_87 = arith.constant 0 : i32
        %dma_start3A_88 = tpu.memref_slice %arg9[%add3A_86, %dma_start3A_87] : memref<40x128xi32, #tpu.memory_space<vmem>> -> memref<1x128xi32, #tpu.memory_space<vmem>>
        %dma_start3A_89 = tpu.memref_squeeze %dma_start3A_88 : memref<1x128xi32, #tpu.memory_space<vmem>> -> memref<128xi32, #tpu.memory_space<vmem>>
        %dma_start3A_90 = arith.constant 0 : i32
        %dma_start3A_91 = arith.constant 0 : i32
        %dma_start3A_92 = tpu.memref_slice %arg2[%dma_start3A_90, %dma_start3A_91] : memref<10000x128xf32, #tpu.memory_space<hbm>> -> memref<10000x128xf32, #tpu.memory_space<hbm>>
        tpu.enqueue_indirect_dma source(%dma_start3A_92 : memref<10000x128xf32, #tpu.memory_space<hbm>>) target(%arg8 : memref<128x128xf32, #tpu.memory_space<vmem>>) offsets(%dma_start3A_89 : memref<128xi32, #tpu.memory_space<vmem>>) semaphore(%arg12 : memref<!tpu.dma_semaphore, #tpu.memory_space<semaphore_mem>>)
        %dma_wait3A = arith.constant 0 : i32
        %dma_wait3A_93 = arith.constant 0 : i32
        %dma_wait3A_94 = tpu.memref_slice %arg9[%dma_wait3A, %dma_wait3A_93] : memref<40x128xi32, #tpu.memory_space<vmem>> -> memref<1x128xi32, #tpu.memory_space<vmem>>
        %dma_wait3A_95 = tpu.memref_squeeze %dma_wait3A_94 : memref<1x128xi32, #tpu.memory_space<vmem>> -> memref<128xi32, #tpu.memory_space<vmem>>
        %dma_wait3A_96 = arith.constant 0 : i32
        %dma_wait3A_97 = arith.constant 0 : i32
        %dma_wait3A_98 = tpu.memref_slice %arg2[%dma_wait3A_96, %dma_wait3A_97] : memref<10000x128xf32, #tpu.memory_space<hbm>> -> memref<10000x128xf32, #tpu.memory_space<hbm>>
        tpu.wait_indirect_dma semaphore(%arg11 : memref<!tpu.dma_semaphore, #tpu.memory_space<semaphore_mem>>) src(%dma_wait3A_98 : memref<10000x128xf32, #tpu.memory_space<hbm>>) dst(%arg7 : memref<128x128xf32, #tpu.memory_space<vmem>>)
        %mul3A_99 = arith.constant 2 : i32
        %mul3A_100 = arith.muli %mul3A_99, %scan3A_81 : i32
        "tpu.region"() ({
          %run_scoped3A_118 = tpu.sem_alloc : memref<!tpu.dma_semaphore, #tpu.memory_space<semaphore_mem>>
          %dma_start3A_119 = arith.constant 0 : i32
          %dma_start3A_120 = tpu.memref_slice %arg10[%mul3A_100, %dma_start3A_119] : memref<40x128xi32, #tpu.memory_space<vmem>> -> memref<1x128xi32, #tpu.memory_space<vmem>>
          %dma_start3A_121 = tpu.memref_squeeze %dma_start3A_120 : memref<1x128xi32, #tpu.memory_space<vmem>> -> memref<128xi32, #tpu.memory_space<vmem>>
          %dma_start3A_122 = arith.constant 0 : i32
          %dma_start3A_123 = arith.constant 0 : i32
          %dma_start3A_124 = tpu.memref_slice %arg6[%dma_start3A_122, %dma_start3A_123] : memref<10000x128xf32, #tpu.memory_space<vmem_shared>> -> memref<10000x128xf32, #tpu.memory_space<vmem_shared>>
          tpu.enqueue_indirect_dma source(%arg7 : memref<128x128xf32, #tpu.memory_space<vmem>>) target(%dma_start3A_124 : memref<10000x128xf32, #tpu.memory_space<vmem_shared>>) offsets(%dma_start3A_121 : memref<128xi32, #tpu.memory_space<vmem>>) semaphore(%run_scoped3A_118 : memref<!tpu.dma_semaphore, #tpu.memory_space<semaphore_mem>>) {add = true}
          %dma_wait3A_125 = arith.constant 0 : i32
          %dma_wait3A_126 = tpu.memref_slice %arg10[%mul3A_100, %dma_wait3A_125] : memref<40x128xi32, #tpu.memory_space<vmem>> -> memref<1x128xi32, #tpu.memory_space<vmem>>
          %dma_wait3A_127 = tpu.memref_squeeze %dma_wait3A_126 : memref<1x128xi32, #tpu.memory_space<vmem>> -> memref<128xi32, #tpu.memory_space<vmem>>
          %dma_wait3A_128 = arith.constant 0 : i32
          %dma_wait3A_129 = arith.constant 0 : i32
          %dma_wait3A_130 = tpu.memref_slice %arg6[%dma_wait3A_128, %dma_wait3A_129] : memref<10000x128xf32, #tpu.memory_space<vmem_shared>> -> memref<10000x128xf32, #tpu.memory_space<vmem_shared>>
          tpu.wait_indirect_dma semaphore(%run_scoped3A_118 : memref<!tpu.dma_semaphore, #tpu.memory_space<semaphore_mem>>) src(%arg7 : memref<128x128xf32, #tpu.memory_space<vmem>>) dst(%dma_wait3A_130 : memref<10000x128xf32, #tpu.memory_space<vmem_shared>>)
          tpu.yield
        }) : () -> ()
        %lt3A_101 = arith.constant 19 : i32
        %lt3A_102 = arith.cmpi slt, %scan3A_81, %lt3A_101 : i32
        %convert_element_type3A_103 = arith.extui %lt3A_102 : i1 to i32
        %cond3A_104 = arith.constant 0 : i32
        %cond3A_105 = arith.cmpi ne, %convert_element_type3A_103, %cond3A_104 : i32
        scf.if %cond3A_105 {
          %mul3A_118 = arith.constant 2 : i32
          %mul3A_119 = arith.muli %mul3A_118, %scan3A_81 : i32
          %add3A_120 = arith.constant 2 : i32
          %add3A_121 = arith.addi %mul3A_119, %add3A_120 : i32
          %dma_start3A_122 = arith.constant 0 : i32
          %dma_start3A_123 = tpu.memref_slice %arg9[%add3A_121, %dma_start3A_122] : memref<40x128xi32, #tpu.memory_space<vmem>> -> memref<1x128xi32, #tpu.memory_space<vmem>>
          %dma_start3A_124 = tpu.memref_squeeze %dma_start3A_123 : memref<1x128xi32, #tpu.memory_space<vmem>> -> memref<128xi32, #tpu.memory_space<vmem>>
          %dma_start3A_125 = arith.constant 0 : i32
          %dma_start3A_126 = arith.constant 0 : i32
          %dma_start3A_127 = tpu.memref_slice %arg2[%dma_start3A_125, %dma_start3A_126] : memref<10000x128xf32, #tpu.memory_space<hbm>> -> memref<10000x128xf32, #tpu.memory_space<hbm>>
          tpu.enqueue_indirect_dma source(%dma_start3A_127 : memref<10000x128xf32, #tpu.memory_space<hbm>>) target(%arg7 : memref<128x128xf32, #tpu.memory_space<vmem>>) offsets(%dma_start3A_124 : memref<128xi32, #tpu.memory_space<vmem>>) semaphore(%arg11 : memref<!tpu.dma_semaphore, #tpu.memory_space<semaphore_mem>>)
        } else {
        }
        %dma_wait3A_106 = arith.constant 0 : i32
        %dma_wait3A_107 = arith.constant 0 : i32
        %dma_wait3A_108 = tpu.memref_slice %arg9[%dma_wait3A_106, %dma_wait3A_107] : memref<40x128xi32, #tpu.memory_space<vmem>> -> memref<1x128xi32, #tpu.memory_space<vmem>>
        %dma_wait3A_109 = tpu.memref_squeeze %dma_wait3A_108 : memref<1x128xi32, #tpu.memory_space<vmem>> -> memref<128xi32, #tpu.memory_space<vmem>>
        %dma_wait3A_110 = arith.constant 0 : i32
        %dma_wait3A_111 = arith.constant 0 : i32
        %dma_wait3A_112 = tpu.memref_slice %arg2[%dma_wait3A_110, %dma_wait3A_111] : memref<10000x128xf32, #tpu.memory_space<hbm>> -> memref<10000x128xf32, #tpu.memory_space<hbm>>
        tpu.wait_indirect_dma semaphore(%arg12 : memref<!tpu.dma_semaphore, #tpu.memory_space<semaphore_mem>>) src(%dma_wait3A_112 : memref<10000x128xf32, #tpu.memory_space<hbm>>) dst(%arg8 : memref<128x128xf32, #tpu.memory_space<vmem>>)
        %mul3A_113 = arith.constant 2 : i32
        %mul3A_114 = arith.muli %mul3A_113, %scan3A_81 : i32
        %add3A_115 = arith.constant 1 : i32
        %add3A_116 = arith.addi %mul3A_114, %add3A_115 : i32
        "tpu.region"() ({
          %run_scoped3A_118 = tpu.sem_alloc : memref<!tpu.dma_semaphore, #tpu.memory_space<semaphore_mem>>
          %dma_start3A_119 = arith.constant 0 : i32
          %dma_start3A_120 = tpu.memref_slice %arg10[%add3A_116, %dma_start3A_119] : memref<40x128xi32, #tpu.memory_space<vmem>> -> memref<1x128xi32, #tpu.memory_space<vmem>>
          %dma_start3A_121 = tpu.memref_squeeze %dma_start3A_120 : memref<1x128xi32, #tpu.memory_space<vmem>> -> memref<128xi32, #tpu.memory_space<vmem>>
          %dma_start3A_122 = arith.constant 0 : i32
          %dma_start3A_123 = arith.constant 0 : i32
          %dma_start3A_124 = tpu.memref_slice %arg6[%dma_start3A_122, %dma_start3A_123] : memref<10000x128xf32, #tpu.memory_space<vmem_shared>> -> memref<10000x128xf32, #tpu.memory_space<vmem_shared>>
          tpu.enqueue_indirect_dma source(%arg8 : memref<128x128xf32, #tpu.memory_space<vmem>>) target(%dma_start3A_124 : memref<10000x128xf32, #tpu.memory_space<vmem_shared>>) offsets(%dma_start3A_121 : memref<128xi32, #tpu.memory_space<vmem>>) semaphore(%run_scoped3A_118 : memref<!tpu.dma_semaphore, #tpu.memory_space<semaphore_mem>>) {add = true}
          %dma_wait3A_125 = arith.constant 0 : i32
          %dma_wait3A_126 = tpu.memref_slice %arg10[%add3A_116, %dma_wait3A_125] : memref<40x128xi32, #tpu.memory_space<vmem>> -> memref<1x128xi32, #tpu.memory_space<vmem>>
          %dma_wait3A_127 = tpu.memref_squeeze %dma_wait3A_126 : memref<1x128xi32, #tpu.memory_space<vmem>> -> memref<128xi32, #tpu.memory_space<vmem>>
          %dma_wait3A_128 = arith.constant 0 : i32
          %dma_wait3A_129 = arith.constant 0 : i32
          %dma_wait3A_130 = tpu.memref_slice %arg6[%dma_wait3A_128, %dma_wait3A_129] : memref<10000x128xf32, #tpu.memory_space<vmem_shared>> -> memref<10000x128xf32, #tpu.memory_space<vmem_shared>>
          tpu.wait_indirect_dma semaphore(%run_scoped3A_118 : memref<!tpu.dma_semaphore, #tpu.memory_space<semaphore_mem>>) src(%arg8 : memref<128x128xf32, #tpu.memory_space<vmem>>) dst(%dma_wait3A_130 : memref<10000x128xf32, #tpu.memory_space<vmem_shared>>)
          tpu.yield
        }) : () -> ()
        %scan3A_117 = arith.constant 0 : i32
        scf.yield %scan3A_117 : i32
      }
      %scan3A_80 = arith.constant 20 : i32
    } else {
    }
    %eq3A = arith.constant 31 : i32
    %eq3A_29 = arith.cmpi eq, %add3A, %eq3A : i32
    %convert_element_type3A_30 = arith.extui %eq3A_29 : i1 to i32
    %cond3A_31 = arith.constant 0 : i32
    %cond3A_32 = arith.cmpi ne, %convert_element_type3A_30, %cond3A_31 : i32
    scf.if %cond3A_32 {
      %mul3A_43 = arith.constant 80 : i32
      %mul3A_44 = arith.muli %add3A, %mul3A_43 : i32
      %run_scoped3A = arith.constant 0 : i32
      "tpu.region"() ({
        %run_scoped3A_75 = tpu.sem_alloc : memref<!tpu.dma_semaphore, #tpu.memory_space<semaphore_mem>>
        %dma_start3A_76 = arith.constant 0 : i32
        %dma_start3A_77 = arith.constant 0 : i32
        %dma_start3A_78 = tpu.memref_slice %arg9[%dma_start3A_76, %dma_start3A_77] : memref<40x128xi32, #tpu.memory_space<vmem>> -> memref<16x128xi32, #tpu.memory_space<vmem>>
        %dma_start3A_79 = arith.constant 0 : i32
        %dma_start3A_80 = tpu.memref_slice %arg3[%run_scoped3A, %mul3A_44, %dma_start3A_79] : memref<2x2500x128xi32, #tpu.memory_space<hbm>> -> memref<1x16x128xi32, #tpu.memory_space<hbm>>
        %dma_start3A_81 = tpu.memref_squeeze %dma_start3A_80 : memref<1x16x128xi32, #tpu.memory_space<hbm>> -> memref<16x128xi32, #tpu.memory_space<hbm>>
        %dma_start3A_82 = arith.constant 0 : i32
        %dma_start3A_83 = arith.constant 0 : i32
        %dma_start3A_84 = tpu.memref_slice %arg9[%dma_start3A_82, %dma_start3A_83] : memref<40x128xi32, #tpu.memory_space<vmem>> -> memref<16x128xi32, #tpu.memory_space<vmem>>
        %dma_start3A_85 = arith.constant 0 : i32
        %dma_start3A_86 = tpu.memref_slice %arg3[%run_scoped3A, %mul3A_44, %dma_start3A_85] : memref<2x2500x128xi32, #tpu.memory_space<hbm>> -> memref<1x16x128xi32, #tpu.memory_space<hbm>>
        %dma_start3A_87 = tpu.memref_squeeze %dma_start3A_86 : memref<1x16x128xi32, #tpu.memory_space<hbm>> -> memref<16x128xi32, #tpu.memory_space<hbm>>
        tpu.enqueue_dma source(%dma_start3A_87 : memref<16x128xi32, #tpu.memory_space<hbm>>) target(%dma_start3A_84 : memref<16x128xi32, #tpu.memory_space<vmem>>) target_semaphore(%run_scoped3A_75 : memref<!tpu.dma_semaphore, #tpu.memory_space<semaphore_mem>>)
        %dma_wait3A = arith.constant 0 : i32
        %dma_wait3A_88 = arith.constant 0 : i32
        %dma_wait3A_89 = tpu.memref_slice %arg9[%dma_wait3A, %dma_wait3A_88] : memref<40x128xi32, #tpu.memory_space<vmem>> -> memref<16x128xi32, #tpu.memory_space<vmem>>
        %dma_wait3A_90 = arith.constant 0 : i32
        %dma_wait3A_91 = tpu.memref_slice %arg3[%run_scoped3A, %mul3A_44, %dma_wait3A_90] : memref<2x2500x128xi32, #tpu.memory_space<hbm>> -> memref<1x16x128xi32, #tpu.memory_space<hbm>>
        %dma_wait3A_92 = tpu.memref_squeeze %dma_wait3A_91 : memref<1x16x128xi32, #tpu.memory_space<hbm>> -> memref<16x128xi32, #tpu.memory_space<hbm>>
        %dma_wait3A_93 = arith.constant 0 : i32
        %dma_wait3A_94 = arith.constant 0 : i32
        %dma_wait3A_95 = tpu.memref_slice %arg9[%dma_wait3A_93, %dma_wait3A_94] : memref<40x128xi32, #tpu.memory_space<vmem>> -> memref<16x128xi32, #tpu.memory_space<vmem>>
        %dma_wait3A_96 = arith.constant 0 : i32
        %dma_wait3A_97 = tpu.memref_slice %arg3[%run_scoped3A, %mul3A_44, %dma_wait3A_96] : memref<2x2500x128xi32, #tpu.memory_space<hbm>> -> memref<1x16x128xi32, #tpu.memory_space<hbm>>
        %dma_wait3A_98 = tpu.memref_squeeze %dma_wait3A_97 : memref<1x16x128xi32, #tpu.memory_space<hbm>> -> memref<16x128xi32, #tpu.memory_space<hbm>>
        tpu.wait_dma2 semaphore(%run_scoped3A_75 : memref<!tpu.dma_semaphore, #tpu.memory_space<semaphore_mem>>) src(%dma_wait3A_98 : memref<16x128xi32, #tpu.memory_space<hbm>>) dst(%dma_wait3A_95 : memref<16x128xi32, #tpu.memory_space<vmem>>)
        tpu.yield
      }) : () -> ()
      %run_scoped3A_45 = arith.constant 1 : i32
      "tpu.region"() ({
        %run_scoped3A_75 = tpu.sem_alloc : memref<!tpu.dma_semaphore, #tpu.memory_space<semaphore_mem>>
        %dma_start3A_76 = arith.constant 0 : i32
        %dma_start3A_77 = arith.constant 0 : i32
        %dma_start3A_78 = tpu.memref_slice %arg10[%dma_start3A_76, %dma_start3A_77] : memref<40x128xi32, #tpu.memory_space<vmem>> -> memref<16x128xi32, #tpu.memory_space<vmem>>
        %dma_start3A_79 = arith.constant 0 : i32
        %dma_start3A_80 = tpu.memref_slice %arg3[%run_scoped3A_45, %mul3A_44, %dma_start3A_79] : memref<2x2500x128xi32, #tpu.memory_space<hbm>> -> memref<1x16x128xi32, #tpu.memory_space<hbm>>
        %dma_start3A_81 = tpu.memref_squeeze %dma_start3A_80 : memref<1x16x128xi32, #tpu.memory_space<hbm>> -> memref<16x128xi32, #tpu.memory_space<hbm>>
        %dma_start3A_82 = arith.constant 0 : i32
        %dma_start3A_83 = arith.constant 0 : i32
        %dma_start3A_84 = tpu.memref_slice %arg10[%dma_start3A_82, %dma_start3A_83] : memref<40x128xi32, #tpu.memory_space<vmem>> -> memref<16x128xi32, #tpu.memory_space<vmem>>
        %dma_start3A_85 = arith.constant 0 : i32
        %dma_start3A_86 = tpu.memref_slice %arg3[%run_scoped3A_45, %mul3A_44, %dma_start3A_85] : memref<2x2500x128xi32, #tpu.memory_space<hbm>> -> memref<1x16x128xi32, #tpu.memory_space<hbm>>
        %dma_start3A_87 = tpu.memref_squeeze %dma_start3A_86 : memref<1x16x128xi32, #tpu.memory_space<hbm>> -> memref<16x128xi32, #tpu.memory_space<hbm>>
        tpu.enqueue_dma source(%dma_start3A_87 : memref<16x128xi32, #tpu.memory_space<hbm>>) target(%dma_start3A_84 : memref<16x128xi32, #tpu.memory_space<vmem>>) target_semaphore(%run_scoped3A_75 : memref<!tpu.dma_semaphore, #tpu.memory_space<semaphore_mem>>)
        %dma_wait3A = arith.constant 0 : i32
        %dma_wait3A_88 = arith.constant 0 : i32
        %dma_wait3A_89 = tpu.memref_slice %arg10[%dma_wait3A, %dma_wait3A_88] : memref<40x128xi32, #tpu.memory_space<vmem>> -> memref<16x128xi32, #tpu.memory_space<vmem>>
        %dma_wait3A_90 = arith.constant 0 : i32
        %dma_wait3A_91 = tpu.memref_slice %arg3[%run_scoped3A_45, %mul3A_44, %dma_wait3A_90] : memref<2x2500x128xi32, #tpu.memory_space<hbm>> -> memref<1x16x128xi32, #tpu.memory_space<hbm>>
        %dma_wait3A_92 = tpu.memref_squeeze %dma_wait3A_91 : memref<1x16x128xi32, #tpu.memory_space<hbm>> -> memref<16x128xi32, #tpu.memory_space<hbm>>
        %dma_wait3A_93 = arith.constant 0 : i32
        %dma_wait3A_94 = arith.constant 0 : i32
        %dma_wait3A_95 = tpu.memref_slice %arg10[%dma_wait3A_93, %dma_wait3A_94] : memref<40x128xi32, #tpu.memory_space<vmem>> -> memref<16x128xi32, #tpu.memory_space<vmem>>
        %dma_wait3A_96 = arith.constant 0 : i32
        %dma_wait3A_97 = tpu.memref_slice %arg3[%run_scoped3A_45, %mul3A_44, %dma_wait3A_96] : memref<2x2500x128xi32, #tpu.memory_space<hbm>> -> memref<1x16x128xi32, #tpu.memory_space<hbm>>
        %dma_wait3A_98 = tpu.memref_squeeze %dma_wait3A_97 : memref<1x16x128xi32, #tpu.memory_space<hbm>> -> memref<16x128xi32, #tpu.memory_space<hbm>>
        tpu.wait_dma2 semaphore(%run_scoped3A_75 : memref<!tpu.dma_semaphore, #tpu.memory_space<semaphore_mem>>) src(%dma_wait3A_98 : memref<16x128xi32, #tpu.memory_space<hbm>>) dst(%dma_wait3A_95 : memref<16x128xi32, #tpu.memory_space<vmem>>)
        tpu.yield
      }) : () -> ()
      %run_scoped3A_46 = arith.constant 0 : i32
      %run_scoped3A_47 = arith.constant 16 : i32
      "tpu.region"() ({
        %run_scoped3A_75 = tpu.sem_alloc : memref<!tpu.dma_semaphore, #tpu.memory_space<semaphore_mem>>
        %dma_start3A_76 = arith.constant 0 : i32
        %dma_start3A_77 = tpu.memref_slice %arg9[%run_scoped3A_47, %dma_start3A_76] : memref<40x128xi32, #tpu.memory_space<vmem>> -> memref<1x128xi32, #tpu.memory_space<vmem>>
        %dma_start3A_78 = tpu.memref_squeeze %dma_start3A_77 : memref<1x128xi32, #tpu.memory_space<vmem>> -> memref<128xi32, #tpu.memory_space<vmem>>
        %dma_start3A_79 = arith.constant 319488 : i32
        %dma_start3A_80 = tpu.memref_slice %arg4[%run_scoped3A_46, %dma_start3A_79] : memref<2x320000xi32, #tpu.memory_space<hbm>> -> memref<1x128xi32, #tpu.memory_space<hbm>>
        %dma_start3A_81 = tpu.memref_squeeze %dma_start3A_80 : memref<1x128xi32, #tpu.memory_space<hbm>> -> memref<128xi32, #tpu.memory_space<hbm>>
        %dma_start3A_82 = arith.constant 0 : i32
        %dma_start3A_83 = tpu.memref_slice %arg9[%run_scoped3A_47, %dma_start3A_82] : memref<40x128xi32, #tpu.memory_space<vmem>> -> memref<1x128xi32, #tpu.memory_space<vmem>>
        %dma_start3A_84 = tpu.memref_squeeze %dma_start3A_83 : memref<1x128xi32, #tpu.memory_space<vmem>> -> memref<128xi32, #tpu.memory_space<vmem>>
        %dma_start3A_85 = arith.constant 319488 : i32
        %dma_start3A_86 = tpu.memref_slice %arg4[%run_scoped3A_46, %dma_start3A_85] : memref<2x320000xi32, #tpu.memory_space<hbm>> -> memref<1x128xi32, #tpu.memory_space<hbm>>
        %dma_start3A_87 = tpu.memref_squeeze %dma_start3A_86 : memref<1x128xi32, #tpu.memory_space<hbm>> -> memref<128xi32, #tpu.memory_space<hbm>>
        tpu.enqueue_dma source(%dma_start3A_87 : memref<128xi32, #tpu.memory_space<hbm>>) target(%dma_start3A_84 : memref<128xi32, #tpu.memory_space<vmem>>) target_semaphore(%run_scoped3A_75 : memref<!tpu.dma_semaphore, #tpu.memory_space<semaphore_mem>>)
        %dma_wait3A = arith.constant 0 : i32
        %dma_wait3A_88 = tpu.memref_slice %arg9[%run_scoped3A_47, %dma_wait3A] : memref<40x128xi32, #tpu.memory_space<vmem>> -> memref<1x128xi32, #tpu.memory_space<vmem>>
        %dma_wait3A_89 = tpu.memref_squeeze %dma_wait3A_88 : memref<1x128xi32, #tpu.memory_space<vmem>> -> memref<128xi32, #tpu.memory_space<vmem>>
        %dma_wait3A_90 = arith.constant 319488 : i32
        %dma_wait3A_91 = tpu.memref_slice %arg4[%run_scoped3A_46, %dma_wait3A_90] : memref<2x320000xi32, #tpu.memory_space<hbm>> -> memref<1x128xi32, #tpu.memory_space<hbm>>
        %dma_wait3A_92 = tpu.memref_squeeze %dma_wait3A_91 : memref<1x128xi32, #tpu.memory_space<hbm>> -> memref<128xi32, #tpu.memory_space<hbm>>
        %dma_wait3A_93 = arith.constant 0 : i32
        %dma_wait3A_94 = tpu.memref_slice %arg9[%run_scoped3A_47, %dma_wait3A_93] : memref<40x128xi32, #tpu.memory_space<vmem>> -> memref<1x128xi32, #tpu.memory_space<vmem>>
        %dma_wait3A_95 = tpu.memref_squeeze %dma_wait3A_94 : memref<1x128xi32, #tpu.memory_space<vmem>> -> memref<128xi32, #tpu.memory_space<vmem>>
        %dma_wait3A_96 = arith.constant 319488 : i32
        %dma_wait3A_97 = tpu.memref_slice %arg4[%run_scoped3A_46, %dma_wait3A_96] : memref<2x320000xi32, #tpu.memory_space<hbm>> -> memref<1x128xi32, #tpu.memory_space<hbm>>
        %dma_wait3A_98 = tpu.memref_squeeze %dma_wait3A_97 : memref<1x128xi32, #tpu.memory_space<hbm>> -> memref<128xi32, #tpu.memory_space<hbm>>
        tpu.wait_dma2 semaphore(%run_scoped3A_75 : memref<!tpu.dma_semaphore, #tpu.memory_space<semaphore_mem>>) src(%dma_wait3A_98 : memref<128xi32, #tpu.memory_space<hbm>>) dst(%dma_wait3A_95 : memref<128xi32, #tpu.memory_space<vmem>>)
        tpu.yield
      }) : () -> ()
      %run_scoped3A_48 = arith.constant 1 : i32
      %run_scoped3A_49 = arith.constant 16 : i32
      "tpu.region"() ({
        %run_scoped3A_75 = tpu.sem_alloc : memref<!tpu.dma_semaphore, #tpu.memory_space<semaphore_mem>>
        %dma_start3A_76 = arith.constant 0 : i32
        %dma_start3A_77 = tpu.memref_slice %arg10[%run_scoped3A_49, %dma_start3A_76] : memref<40x128xi32, #tpu.memory_space<vmem>> -> memref<1x128xi32, #tpu.memory_space<vmem>>
        %dma_start3A_78 = tpu.memref_squeeze %dma_start3A_77 : memref<1x128xi32, #tpu.memory_space<vmem>> -> memref<128xi32, #tpu.memory_space<vmem>>
        %dma_start3A_79 = arith.constant 319488 : i32
        %dma_start3A_80 = tpu.memref_slice %arg4[%run_scoped3A_48, %dma_start3A_79] : memref<2x320000xi32, #tpu.memory_space<hbm>> -> memref<1x128xi32, #tpu.memory_space<hbm>>
        %dma_start3A_81 = tpu.memref_squeeze %dma_start3A_80 : memref<1x128xi32, #tpu.memory_space<hbm>> -> memref<128xi32, #tpu.memory_space<hbm>>
        %dma_start3A_82 = arith.constant 0 : i32
        %dma_start3A_83 = tpu.memref_slice %arg10[%run_scoped3A_49, %dma_start3A_82] : memref<40x128xi32, #tpu.memory_space<vmem>> -> memref<1x128xi32, #tpu.memory_space<vmem>>
        %dma_start3A_84 = tpu.memref_squeeze %dma_start3A_83 : memref<1x128xi32, #tpu.memory_space<vmem>> -> memref<128xi32, #tpu.memory_space<vmem>>
        %dma_start3A_85 = arith.constant 319488 : i32
        %dma_start3A_86 = tpu.memref_slice %arg4[%run_scoped3A_48, %dma_start3A_85] : memref<2x320000xi32, #tpu.memory_space<hbm>> -> memref<1x128xi32, #tpu.memory_space<hbm>>
        %dma_start3A_87 = tpu.memref_squeeze %dma_start3A_86 : memref<1x128xi32, #tpu.memory_space<hbm>> -> memref<128xi32, #tpu.memory_space<hbm>>
        tpu.enqueue_dma source(%dma_start3A_87 : memref<128xi32, #tpu.memory_space<hbm>>) target(%dma_start3A_84 : memref<128xi32, #tpu.memory_space<vmem>>) target_semaphore(%run_scoped3A_75 : memref<!tpu.dma_semaphore, #tpu.memory_space<semaphore_mem>>)
        %dma_wait3A = arith.constant 0 : i32
        %dma_wait3A_88 = tpu.memref_slice %arg10[%run_scoped3A_49, %dma_wait3A] : memref<40x128xi32, #tpu.memory_space<vmem>> -> memref<1x128xi32, #tpu.memory_space<vmem>>
        %dma_wait3A_89 = tpu.memref_squeeze %dma_wait3A_88 : memref<1x128xi32, #tpu.memory_space<vmem>> -> memref<128xi32, #tpu.memory_space<vmem>>
        %dma_wait3A_90 = arith.constant 319488 : i32
        %dma_wait3A_91 = tpu.memref_slice %arg4[%run_scoped3A_48, %dma_wait3A_90] : memref<2x320000xi32, #tpu.memory_space<hbm>> -> memref<1x128xi32, #tpu.memory_space<hbm>>
        %dma_wait3A_92 = tpu.memref_squeeze %dma_wait3A_91 : memref<1x128xi32, #tpu.memory_space<hbm>> -> memref<128xi32, #tpu.memory_space<hbm>>
        %dma_wait3A_93 = arith.constant 0 : i32
        %dma_wait3A_94 = tpu.memref_slice %arg10[%run_scoped3A_49, %dma_wait3A_93] : memref<40x128xi32, #tpu.memory_space<vmem>> -> memref<1x128xi32, #tpu.memory_space<vmem>>
        %dma_wait3A_95 = tpu.memref_squeeze %dma_wait3A_94 : memref<1x128xi32, #tpu.memory_space<vmem>> -> memref<128xi32, #tpu.memory_space<vmem>>
        %dma_wait3A_96 = arith.constant 319488 : i32
        %dma_wait3A_97 = tpu.memref_slice %arg4[%run_scoped3A_48, %dma_wait3A_96] : memref<2x320000xi32, #tpu.memory_space<hbm>> -> memref<1x128xi32, #tpu.memory_space<hbm>>
        %dma_wait3A_98 = tpu.memref_squeeze %dma_wait3A_97 : memref<1x128xi32, #tpu.memory_space<hbm>> -> memref<128xi32, #tpu.memory_space<hbm>>
        tpu.wait_dma2 semaphore(%run_scoped3A_75 : memref<!tpu.dma_semaphore, #tpu.memory_space<semaphore_mem>>) src(%dma_wait3A_98 : memref<128xi32, #tpu.memory_space<hbm>>) dst(%dma_wait3A_95 : memref<128xi32, #tpu.memory_space<vmem>>)
        tpu.yield
      }) : () -> ()
      %run_scoped3A_50 = arith.constant 0 : i32
      %run_scoped3A_51 = arith.constant 17 : i32
      "tpu.region"() ({
        %run_scoped3A_75 = tpu.sem_alloc : memref<!tpu.dma_semaphore, #tpu.memory_space<semaphore_mem>>
        %dma_start3A_76 = arith.constant 0 : i32
        %dma_start3A_77 = tpu.memref_slice %arg9[%run_scoped3A_51, %dma_start3A_76] : memref<40x128xi32, #tpu.memory_space<vmem>> -> memref<1x128xi32, #tpu.memory_space<vmem>>
        %dma_start3A_78 = tpu.memref_squeeze %dma_start3A_77 : memref<1x128xi32, #tpu.memory_space<vmem>> -> memref<128xi32, #tpu.memory_space<vmem>>
        %dma_start3A_79 = arith.constant 319616 : i32
        %dma_start3A_80 = tpu.memref_slice %arg4[%run_scoped3A_50, %dma_start3A_79] : memref<2x320000xi32, #tpu.memory_space<hbm>> -> memref<1x128xi32, #tpu.memory_space<hbm>>
        %dma_start3A_81 = tpu.memref_squeeze %dma_start3A_80 : memref<1x128xi32, #tpu.memory_space<hbm>> -> memref<128xi32, #tpu.memory_space<hbm>>
        %dma_start3A_82 = arith.constant 0 : i32
        %dma_start3A_83 = tpu.memref_slice %arg9[%run_scoped3A_51, %dma_start3A_82] : memref<40x128xi32, #tpu.memory_space<vmem>> -> memref<1x128xi32, #tpu.memory_space<vmem>>
        %dma_start3A_84 = tpu.memref_squeeze %dma_start3A_83 : memref<1x128xi32, #tpu.memory_space<vmem>> -> memref<128xi32, #tpu.memory_space<vmem>>
        %dma_start3A_85 = arith.constant 319616 : i32
        %dma_start3A_86 = tpu.memref_slice %arg4[%run_scoped3A_50, %dma_start3A_85] : memref<2x320000xi32, #tpu.memory_space<hbm>> -> memref<1x128xi32, #tpu.memory_space<hbm>>
        %dma_start3A_87 = tpu.memref_squeeze %dma_start3A_86 : memref<1x128xi32, #tpu.memory_space<hbm>> -> memref<128xi32, #tpu.memory_space<hbm>>
        tpu.enqueue_dma source(%dma_start3A_87 : memref<128xi32, #tpu.memory_space<hbm>>) target(%dma_start3A_84 : memref<128xi32, #tpu.memory_space<vmem>>) target_semaphore(%run_scoped3A_75 : memref<!tpu.dma_semaphore, #tpu.memory_space<semaphore_mem>>)
        %dma_wait3A = arith.constant 0 : i32
        %dma_wait3A_88 = tpu.memref_slice %arg9[%run_scoped3A_51, %dma_wait3A] : memref<40x128xi32, #tpu.memory_space<vmem>> -> memref<1x128xi32, #tpu.memory_space<vmem>>
        %dma_wait3A_89 = tpu.memref_squeeze %dma_wait3A_88 : memref<1x128xi32, #tpu.memory_space<vmem>> -> memref<128xi32, #tpu.memory_space<vmem>>
        %dma_wait3A_90 = arith.constant 319616 : i32
        %dma_wait3A_91 = tpu.memref_slice %arg4[%run_scoped3A_50, %dma_wait3A_90] : memref<2x320000xi32, #tpu.memory_space<hbm>> -> memref<1x128xi32, #tpu.memory_space<hbm>>
        %dma_wait3A_92 = tpu.memref_squeeze %dma_wait3A_91 : memref<1x128xi32, #tpu.memory_space<hbm>> -> memref<128xi32, #tpu.memory_space<hbm>>
        %dma_wait3A_93 = arith.constant 0 : i32
        %dma_wait3A_94 = tpu.memref_slice %arg9[%run_scoped3A_51, %dma_wait3A_93] : memref<40x128xi32, #tpu.memory_space<vmem>> -> memref<1x128xi32, #tpu.memory_space<vmem>>
        %dma_wait3A_95 = tpu.memref_squeeze %dma_wait3A_94 : memref<1x128xi32, #tpu.memory_space<vmem>> -> memref<128xi32, #tpu.memory_space<vmem>>
        %dma_wait3A_96 = arith.constant 319616 : i32
        %dma_wait3A_97 = tpu.memref_slice %arg4[%run_scoped3A_50, %dma_wait3A_96] : memref<2x320000xi32, #tpu.memory_space<hbm>> -> memref<1x128xi32, #tpu.memory_space<hbm>>
        %dma_wait3A_98 = tpu.memref_squeeze %dma_wait3A_97 : memref<1x128xi32, #tpu.memory_space<hbm>> -> memref<128xi32, #tpu.memory_space<hbm>>
        tpu.wait_dma2 semaphore(%run_scoped3A_75 : memref<!tpu.dma_semaphore, #tpu.memory_space<semaphore_mem>>) src(%dma_wait3A_98 : memref<128xi32, #tpu.memory_space<hbm>>) dst(%dma_wait3A_95 : memref<128xi32, #tpu.memory_space<vmem>>)
        tpu.yield
      }) : () -> ()
      %run_scoped3A_52 = arith.constant 1 : i32
      %run_scoped3A_53 = arith.constant 17 : i32
      "tpu.region"() ({
        %run_scoped3A_75 = tpu.sem_alloc : memref<!tpu.dma_semaphore, #tpu.memory_space<semaphore_mem>>
        %dma_start3A_76 = arith.constant 0 : i32
        %dma_start3A_77 = tpu.memref_slice %arg10[%run_scoped3A_53, %dma_start3A_76] : memref<40x128xi32, #tpu.memory_space<vmem>> -> memref<1x128xi32, #tpu.memory_space<vmem>>
        %dma_start3A_78 = tpu.memref_squeeze %dma_start3A_77 : memref<1x128xi32, #tpu.memory_space<vmem>> -> memref<128xi32, #tpu.memory_space<vmem>>
        %dma_start3A_79 = arith.constant 319616 : i32
        %dma_start3A_80 = tpu.memref_slice %arg4[%run_scoped3A_52, %dma_start3A_79] : memref<2x320000xi32, #tpu.memory_space<hbm>> -> memref<1x128xi32, #tpu.memory_space<hbm>>
        %dma_start3A_81 = tpu.memref_squeeze %dma_start3A_80 : memref<1x128xi32, #tpu.memory_space<hbm>> -> memref<128xi32, #tpu.memory_space<hbm>>
        %dma_start3A_82 = arith.constant 0 : i32
        %dma_start3A_83 = tpu.memref_slice %arg10[%run_scoped3A_53, %dma_start3A_82] : memref<40x128xi32, #tpu.memory_space<vmem>> -> memref<1x128xi32, #tpu.memory_space<vmem>>
        %dma_start3A_84 = tpu.memref_squeeze %dma_start3A_83 : memref<1x128xi32, #tpu.memory_space<vmem>> -> memref<128xi32, #tpu.memory_space<vmem>>
        %dma_start3A_85 = arith.constant 319616 : i32
        %dma_start3A_86 = tpu.memref_slice %arg4[%run_scoped3A_52, %dma_start3A_85] : memref<2x320000xi32, #tpu.memory_space<hbm>> -> memref<1x128xi32, #tpu.memory_space<hbm>>
        %dma_start3A_87 = tpu.memref_squeeze %dma_start3A_86 : memref<1x128xi32, #tpu.memory_space<hbm>> -> memref<128xi32, #tpu.memory_space<hbm>>
        tpu.enqueue_dma source(%dma_start3A_87 : memref<128xi32, #tpu.memory_space<hbm>>) target(%dma_start3A_84 : memref<128xi32, #tpu.memory_space<vmem>>) target_semaphore(%run_scoped3A_75 : memref<!tpu.dma_semaphore, #tpu.memory_space<semaphore_mem>>)
        %dma_wait3A = arith.constant 0 : i32
        %dma_wait3A_88 = tpu.memref_slice %arg10[%run_scoped3A_53, %dma_wait3A] : memref<40x128xi32, #tpu.memory_space<vmem>> -> memref<1x128xi32, #tpu.memory_space<vmem>>
        %dma_wait3A_89 = tpu.memref_squeeze %dma_wait3A_88 : memref<1x128xi32, #tpu.memory_space<vmem>> -> memref<128xi32, #tpu.memory_space<vmem>>
        %dma_wait3A_90 = arith.constant 319616 : i32
        %dma_wait3A_91 = tpu.memref_slice %arg4[%run_scoped3A_52, %dma_wait3A_90] : memref<2x320000xi32, #tpu.memory_space<hbm>> -> memref<1x128xi32, #tpu.memory_space<hbm>>
        %dma_wait3A_92 = tpu.memref_squeeze %dma_wait3A_91 : memref<1x128xi32, #tpu.memory_space<hbm>> -> memref<128xi32, #tpu.memory_space<hbm>>
        %dma_wait3A_93 = arith.constant 0 : i32
        %dma_wait3A_94 = tpu.memref_slice %arg10[%run_scoped3A_53, %dma_wait3A_93] : memref<40x128xi32, #tpu.memory_space<vmem>> -> memref<1x128xi32, #tpu.memory_space<vmem>>
        %dma_wait3A_95 = tpu.memref_squeeze %dma_wait3A_94 : memref<1x128xi32, #tpu.memory_space<vmem>> -> memref<128xi32, #tpu.memory_space<vmem>>
        %dma_wait3A_96 = arith.constant 319616 : i32
        %dma_wait3A_97 = tpu.memref_slice %arg4[%run_scoped3A_52, %dma_wait3A_96] : memref<2x320000xi32, #tpu.memory_space<hbm>> -> memref<1x128xi32, #tpu.memory_space<hbm>>
        %dma_wait3A_98 = tpu.memref_squeeze %dma_wait3A_97 : memref<1x128xi32, #tpu.memory_space<hbm>> -> memref<128xi32, #tpu.memory_space<hbm>>
        tpu.wait_dma2 semaphore(%run_scoped3A_75 : memref<!tpu.dma_semaphore, #tpu.memory_space<semaphore_mem>>) src(%dma_wait3A_98 : memref<128xi32, #tpu.memory_space<hbm>>) dst(%dma_wait3A_95 : memref<128xi32, #tpu.memory_space<vmem>>)
        tpu.yield
      }) : () -> ()
      %run_scoped3A_54 = arith.constant 0 : i32
      %run_scoped3A_55 = arith.constant 18 : i32
      "tpu.region"() ({
        %run_scoped3A_75 = tpu.sem_alloc : memref<!tpu.dma_semaphore, #tpu.memory_space<semaphore_mem>>
        %dma_start3A_76 = arith.constant 0 : i32
        %dma_start3A_77 = tpu.memref_slice %arg9[%run_scoped3A_55, %dma_start3A_76] : memref<40x128xi32, #tpu.memory_space<vmem>> -> memref<1x128xi32, #tpu.memory_space<vmem>>
        %dma_start3A_78 = tpu.memref_squeeze %dma_start3A_77 : memref<1x128xi32, #tpu.memory_space<vmem>> -> memref<128xi32, #tpu.memory_space<vmem>>
        %dma_start3A_79 = arith.constant 319744 : i32
        %dma_start3A_80 = tpu.memref_slice %arg4[%run_scoped3A_54, %dma_start3A_79] : memref<2x320000xi32, #tpu.memory_space<hbm>> -> memref<1x128xi32, #tpu.memory_space<hbm>>
        %dma_start3A_81 = tpu.memref_squeeze %dma_start3A_80 : memref<1x128xi32, #tpu.memory_space<hbm>> -> memref<128xi32, #tpu.memory_space<hbm>>
        %dma_start3A_82 = arith.constant 0 : i32
        %dma_start3A_83 = tpu.memref_slice %arg9[%run_scoped3A_55, %dma_start3A_82] : memref<40x128xi32, #tpu.memory_space<vmem>> -> memref<1x128xi32, #tpu.memory_space<vmem>>
        %dma_start3A_84 = tpu.memref_squeeze %dma_start3A_83 : memref<1x128xi32, #tpu.memory_space<vmem>> -> memref<128xi32, #tpu.memory_space<vmem>>
        %dma_start3A_85 = arith.constant 319744 : i32
        %dma_start3A_86 = tpu.memref_slice %arg4[%run_scoped3A_54, %dma_start3A_85] : memref<2x320000xi32, #tpu.memory_space<hbm>> -> memref<1x128xi32, #tpu.memory_space<hbm>>
        %dma_start3A_87 = tpu.memref_squeeze %dma_start3A_86 : memref<1x128xi32, #tpu.memory_space<hbm>> -> memref<128xi32, #tpu.memory_space<hbm>>
        tpu.enqueue_dma source(%dma_start3A_87 : memref<128xi32, #tpu.memory_space<hbm>>) target(%dma_start3A_84 : memref<128xi32, #tpu.memory_space<vmem>>) target_semaphore(%run_scoped3A_75 : memref<!tpu.dma_semaphore, #tpu.memory_space<semaphore_mem>>)
        %dma_wait3A = arith.constant 0 : i32
        %dma_wait3A_88 = tpu.memref_slice %arg9[%run_scoped3A_55, %dma_wait3A] : memref<40x128xi32, #tpu.memory_space<vmem>> -> memref<1x128xi32, #tpu.memory_space<vmem>>
        %dma_wait3A_89 = tpu.memref_squeeze %dma_wait3A_88 : memref<1x128xi32, #tpu.memory_space<vmem>> -> memref<128xi32, #tpu.memory_space<vmem>>
        %dma_wait3A_90 = arith.constant 319744 : i32
        %dma_wait3A_91 = tpu.memref_slice %arg4[%run_scoped3A_54, %dma_wait3A_90] : memref<2x320000xi32, #tpu.memory_space<hbm>> -> memref<1x128xi32, #tpu.memory_space<hbm>>
        %dma_wait3A_92 = tpu.memref_squeeze %dma_wait3A_91 : memref<1x128xi32, #tpu.memory_space<hbm>> -> memref<128xi32, #tpu.memory_space<hbm>>
        %dma_wait3A_93 = arith.constant 0 : i32
        %dma_wait3A_94 = tpu.memref_slice %arg9[%run_scoped3A_55, %dma_wait3A_93] : memref<40x128xi32, #tpu.memory_space<vmem>> -> memref<1x128xi32, #tpu.memory_space<vmem>>
        %dma_wait3A_95 = tpu.memref_squeeze %dma_wait3A_94 : memref<1x128xi32, #tpu.memory_space<vmem>> -> memref<128xi32, #tpu.memory_space<vmem>>
        %dma_wait3A_96 = arith.constant 319744 : i32
        %dma_wait3A_97 = tpu.memref_slice %arg4[%run_scoped3A_54, %dma_wait3A_96] : memref<2x320000xi32, #tpu.memory_space<hbm>> -> memref<1x128xi32, #tpu.memory_space<hbm>>
        %dma_wait3A_98 = tpu.memref_squeeze %dma_wait3A_97 : memref<1x128xi32, #tpu.memory_space<hbm>> -> memref<128xi32, #tpu.memory_space<hbm>>
        tpu.wait_dma2 semaphore(%run_scoped3A_75 : memref<!tpu.dma_semaphore, #tpu.memory_space<semaphore_mem>>) src(%dma_wait3A_98 : memref<128xi32, #tpu.memory_space<hbm>>) dst(%dma_wait3A_95 : memref<128xi32, #tpu.memory_space<vmem>>)
        tpu.yield
      }) : () -> ()
      %run_scoped3A_56 = arith.constant 1 : i32
      %run_scoped3A_57 = arith.constant 18 : i32
      "tpu.region"() ({
        %run_scoped3A_75 = tpu.sem_alloc : memref<!tpu.dma_semaphore, #tpu.memory_space<semaphore_mem>>
        %dma_start3A_76 = arith.constant 0 : i32
        %dma_start3A_77 = tpu.memref_slice %arg10[%run_scoped3A_57, %dma_start3A_76] : memref<40x128xi32, #tpu.memory_space<vmem>> -> memref<1x128xi32, #tpu.memory_space<vmem>>
        %dma_start3A_78 = tpu.memref_squeeze %dma_start3A_77 : memref<1x128xi32, #tpu.memory_space<vmem>> -> memref<128xi32, #tpu.memory_space<vmem>>
        %dma_start3A_79 = arith.constant 319744 : i32
        %dma_start3A_80 = tpu.memref_slice %arg4[%run_scoped3A_56, %dma_start3A_79] : memref<2x320000xi32, #tpu.memory_space<hbm>> -> memref<1x128xi32, #tpu.memory_space<hbm>>
        %dma_start3A_81 = tpu.memref_squeeze %dma_start3A_80 : memref<1x128xi32, #tpu.memory_space<hbm>> -> memref<128xi32, #tpu.memory_space<hbm>>
        %dma_start3A_82 = arith.constant 0 : i32
        %dma_start3A_83 = tpu.memref_slice %arg10[%run_scoped3A_57, %dma_start3A_82] : memref<40x128xi32, #tpu.memory_space<vmem>> -> memref<1x128xi32, #tpu.memory_space<vmem>>
        %dma_start3A_84 = tpu.memref_squeeze %dma_start3A_83 : memref<1x128xi32, #tpu.memory_space<vmem>> -> memref<128xi32, #tpu.memory_space<vmem>>
        %dma_start3A_85 = arith.constant 319744 : i32
        %dma_start3A_86 = tpu.memref_slice %arg4[%run_scoped3A_56, %dma_start3A_85] : memref<2x320000xi32, #tpu.memory_space<hbm>> -> memref<1x128xi32, #tpu.memory_space<hbm>>
        %dma_start3A_87 = tpu.memref_squeeze %dma_start3A_86 : memref<1x128xi32, #tpu.memory_space<hbm>> -> memref<128xi32, #tpu.memory_space<hbm>>
        tpu.enqueue_dma source(%dma_start3A_87 : memref<128xi32, #tpu.memory_space<hbm>>) target(%dma_start3A_84 : memref<128xi32, #tpu.memory_space<vmem>>) target_semaphore(%run_scoped3A_75 : memref<!tpu.dma_semaphore, #tpu.memory_space<semaphore_mem>>)
        %dma_wait3A = arith.constant 0 : i32
        %dma_wait3A_88 = tpu.memref_slice %arg10[%run_scoped3A_57, %dma_wait3A] : memref<40x128xi32, #tpu.memory_space<vmem>> -> memref<1x128xi32, #tpu.memory_space<vmem>>
        %dma_wait3A_89 = tpu.memref_squeeze %dma_wait3A_88 : memref<1x128xi32, #tpu.memory_space<vmem>> -> memref<128xi32, #tpu.memory_space<vmem>>
        %dma_wait3A_90 = arith.constant 319744 : i32
        %dma_wait3A_91 = tpu.memref_slice %arg4[%run_scoped3A_56, %dma_wait3A_90] : memref<2x320000xi32, #tpu.memory_space<hbm>> -> memref<1x128xi32, #tpu.memory_space<hbm>>
        %dma_wait3A_92 = tpu.memref_squeeze %dma_wait3A_91 : memref<1x128xi32, #tpu.memory_space<hbm>> -> memref<128xi32, #tpu.memory_space<hbm>>
        %dma_wait3A_93 = arith.constant 0 : i32
        %dma_wait3A_94 = tpu.memref_slice %arg10[%run_scoped3A_57, %dma_wait3A_93] : memref<40x128xi32, #tpu.memory_space<vmem>> -> memref<1x128xi32, #tpu.memory_space<vmem>>
        %dma_wait3A_95 = tpu.memref_squeeze %dma_wait3A_94 : memref<1x128xi32, #tpu.memory_space<vmem>> -> memref<128xi32, #tpu.memory_space<vmem>>
        %dma_wait3A_96 = arith.constant 319744 : i32
        %dma_wait3A_97 = tpu.memref_slice %arg4[%run_scoped3A_56, %dma_wait3A_96] : memref<2x320000xi32, #tpu.memory_space<hbm>> -> memref<1x128xi32, #tpu.memory_space<hbm>>
        %dma_wait3A_98 = tpu.memref_squeeze %dma_wait3A_97 : memref<1x128xi32, #tpu.memory_space<hbm>> -> memref<128xi32, #tpu.memory_space<hbm>>
        tpu.wait_dma2 semaphore(%run_scoped3A_75 : memref<!tpu.dma_semaphore, #tpu.memory_space<semaphore_mem>>) src(%dma_wait3A_98 : memref<128xi32, #tpu.memory_space<hbm>>) dst(%dma_wait3A_95 : memref<128xi32, #tpu.memory_space<vmem>>)
        tpu.yield
      }) : () -> ()
      %run_scoped3A_58 = arith.constant 0 : i32
      %run_scoped3A_59 = arith.constant 19 : i32
      "tpu.region"() ({
        %run_scoped3A_75 = tpu.sem_alloc : memref<!tpu.dma_semaphore, #tpu.memory_space<semaphore_mem>>
        %dma_start3A_76 = arith.constant 0 : i32
        %dma_start3A_77 = tpu.memref_slice %arg9[%run_scoped3A_59, %dma_start3A_76] : memref<40x128xi32, #tpu.memory_space<vmem>> -> memref<1x128xi32, #tpu.memory_space<vmem>>
        %dma_start3A_78 = tpu.memref_squeeze %dma_start3A_77 : memref<1x128xi32, #tpu.memory_space<vmem>> -> memref<128xi32, #tpu.memory_space<vmem>>
        %dma_start3A_79 = arith.constant 319872 : i32
        %dma_start3A_80 = tpu.memref_slice %arg4[%run_scoped3A_58, %dma_start3A_79] : memref<2x320000xi32, #tpu.memory_space<hbm>> -> memref<1x128xi32, #tpu.memory_space<hbm>>
        %dma_start3A_81 = tpu.memref_squeeze %dma_start3A_80 : memref<1x128xi32, #tpu.memory_space<hbm>> -> memref<128xi32, #tpu.memory_space<hbm>>
        %dma_start3A_82 = arith.constant 0 : i32
        %dma_start3A_83 = tpu.memref_slice %arg9[%run_scoped3A_59, %dma_start3A_82] : memref<40x128xi32, #tpu.memory_space<vmem>> -> memref<1x128xi32, #tpu.memory_space<vmem>>
        %dma_start3A_84 = tpu.memref_squeeze %dma_start3A_83 : memref<1x128xi32, #tpu.memory_space<vmem>> -> memref<128xi32, #tpu.memory_space<vmem>>
        %dma_start3A_85 = arith.constant 319872 : i32
        %dma_start3A_86 = tpu.memref_slice %arg4[%run_scoped3A_58, %dma_start3A_85] : memref<2x320000xi32, #tpu.memory_space<hbm>> -> memref<1x128xi32, #tpu.memory_space<hbm>>
        %dma_start3A_87 = tpu.memref_squeeze %dma_start3A_86 : memref<1x128xi32, #tpu.memory_space<hbm>> -> memref<128xi32, #tpu.memory_space<hbm>>
        tpu.enqueue_dma source(%dma_start3A_87 : memref<128xi32, #tpu.memory_space<hbm>>) target(%dma_start3A_84 : memref<128xi32, #tpu.memory_space<vmem>>) target_semaphore(%run_scoped3A_75 : memref<!tpu.dma_semaphore, #tpu.memory_space<semaphore_mem>>)
        %dma_wait3A = arith.constant 0 : i32
        %dma_wait3A_88 = tpu.memref_slice %arg9[%run_scoped3A_59, %dma_wait3A] : memref<40x128xi32, #tpu.memory_space<vmem>> -> memref<1x128xi32, #tpu.memory_space<vmem>>
        %dma_wait3A_89 = tpu.memref_squeeze %dma_wait3A_88 : memref<1x128xi32, #tpu.memory_space<vmem>> -> memref<128xi32, #tpu.memory_space<vmem>>
        %dma_wait3A_90 = arith.constant 319872 : i32
        %dma_wait3A_91 = tpu.memref_slice %arg4[%run_scoped3A_58, %dma_wait3A_90] : memref<2x320000xi32, #tpu.memory_space<hbm>> -> memref<1x128xi32, #tpu.memory_space<hbm>>
        %dma_wait3A_92 = tpu.memref_squeeze %dma_wait3A_91 : memref<1x128xi32, #tpu.memory_space<hbm>> -> memref<128xi32, #tpu.memory_space<hbm>>
        %dma_wait3A_93 = arith.constant 0 : i32
        %dma_wait3A_94 = tpu.memref_slice %arg9[%run_scoped3A_59, %dma_wait3A_93] : memref<40x128xi32, #tpu.memory_space<vmem>> -> memref<1x128xi32, #tpu.memory_space<vmem>>
        %dma_wait3A_95 = tpu.memref_squeeze %dma_wait3A_94 : memref<1x128xi32, #tpu.memory_space<vmem>> -> memref<128xi32, #tpu.memory_space<vmem>>
        %dma_wait3A_96 = arith.constant 319872 : i32
        %dma_wait3A_97 = tpu.memref_slice %arg4[%run_scoped3A_58, %dma_wait3A_96] : memref<2x320000xi32, #tpu.memory_space<hbm>> -> memref<1x128xi32, #tpu.memory_space<hbm>>
        %dma_wait3A_98 = tpu.memref_squeeze %dma_wait3A_97 : memref<1x128xi32, #tpu.memory_space<hbm>> -> memref<128xi32, #tpu.memory_space<hbm>>
        tpu.wait_dma2 semaphore(%run_scoped3A_75 : memref<!tpu.dma_semaphore, #tpu.memory_space<semaphore_mem>>) src(%dma_wait3A_98 : memref<128xi32, #tpu.memory_space<hbm>>) dst(%dma_wait3A_95 : memref<128xi32, #tpu.memory_space<vmem>>)
        tpu.yield
      }) : () -> ()
      %run_scoped3A_60 = arith.constant 1 : i32
      %run_scoped3A_61 = arith.constant 19 : i32
      "tpu.region"() ({
        %run_scoped3A_75 = tpu.sem_alloc : memref<!tpu.dma_semaphore, #tpu.memory_space<semaphore_mem>>
        %dma_start3A_76 = arith.constant 0 : i32
        %dma_start3A_77 = tpu.memref_slice %arg10[%run_scoped3A_61, %dma_start3A_76] : memref<40x128xi32, #tpu.memory_space<vmem>> -> memref<1x128xi32, #tpu.memory_space<vmem>>
        %dma_start3A_78 = tpu.memref_squeeze %dma_start3A_77 : memref<1x128xi32, #tpu.memory_space<vmem>> -> memref<128xi32, #tpu.memory_space<vmem>>
        %dma_start3A_79 = arith.constant 319872 : i32
        %dma_start3A_80 = tpu.memref_slice %arg4[%run_scoped3A_60, %dma_start3A_79] : memref<2x320000xi32, #tpu.memory_space<hbm>> -> memref<1x128xi32, #tpu.memory_space<hbm>>
        %dma_start3A_81 = tpu.memref_squeeze %dma_start3A_80 : memref<1x128xi32, #tpu.memory_space<hbm>> -> memref<128xi32, #tpu.memory_space<hbm>>
        %dma_start3A_82 = arith.constant 0 : i32
        %dma_start3A_83 = tpu.memref_slice %arg10[%run_scoped3A_61, %dma_start3A_82] : memref<40x128xi32, #tpu.memory_space<vmem>> -> memref<1x128xi32, #tpu.memory_space<vmem>>
        %dma_start3A_84 = tpu.memref_squeeze %dma_start3A_83 : memref<1x128xi32, #tpu.memory_space<vmem>> -> memref<128xi32, #tpu.memory_space<vmem>>
        %dma_start3A_85 = arith.constant 319872 : i32
        %dma_start3A_86 = tpu.memref_slice %arg4[%run_scoped3A_60, %dma_start3A_85] : memref<2x320000xi32, #tpu.memory_space<hbm>> -> memref<1x128xi32, #tpu.memory_space<hbm>>
        %dma_start3A_87 = tpu.memref_squeeze %dma_start3A_86 : memref<1x128xi32, #tpu.memory_space<hbm>> -> memref<128xi32, #tpu.memory_space<hbm>>
        tpu.enqueue_dma source(%dma_start3A_87 : memref<128xi32, #tpu.memory_space<hbm>>) target(%dma_start3A_84 : memref<128xi32, #tpu.memory_space<vmem>>) target_semaphore(%run_scoped3A_75 : memref<!tpu.dma_semaphore, #tpu.memory_space<semaphore_mem>>)
        %dma_wait3A = arith.constant 0 : i32
        %dma_wait3A_88 = tpu.memref_slice %arg10[%run_scoped3A_61, %dma_wait3A] : memref<40x128xi32, #tpu.memory_space<vmem>> -> memref<1x128xi32, #tpu.memory_space<vmem>>
        %dma_wait3A_89 = tpu.memref_squeeze %dma_wait3A_88 : memref<1x128xi32, #tpu.memory_space<vmem>> -> memref<128xi32, #tpu.memory_space<vmem>>
        %dma_wait3A_90 = arith.constant 319872 : i32
        %dma_wait3A_91 = tpu.memref_slice %arg4[%run_scoped3A_60, %dma_wait3A_90] : memref<2x320000xi32, #tpu.memory_space<hbm>> -> memref<1x128xi32, #tpu.memory_space<hbm>>
        %dma_wait3A_92 = tpu.memref_squeeze %dma_wait3A_91 : memref<1x128xi32, #tpu.memory_space<hbm>> -> memref<128xi32, #tpu.memory_space<hbm>>
        %dma_wait3A_93 = arith.constant 0 : i32
        %dma_wait3A_94 = tpu.memref_slice %arg10[%run_scoped3A_61, %dma_wait3A_93] : memref<40x128xi32, #tpu.memory_space<vmem>> -> memref<1x128xi32, #tpu.memory_space<vmem>>
        %dma_wait3A_95 = tpu.memref_squeeze %dma_wait3A_94 : memref<1x128xi32, #tpu.memory_space<vmem>> -> memref<128xi32, #tpu.memory_space<vmem>>
        %dma_wait3A_96 = arith.constant 319872 : i32
        %dma_wait3A_97 = tpu.memref_slice %arg4[%run_scoped3A_60, %dma_wait3A_96] : memref<2x320000xi32, #tpu.memory_space<hbm>> -> memref<1x128xi32, #tpu.memory_space<hbm>>
        %dma_wait3A_98 = tpu.memref_squeeze %dma_wait3A_97 : memref<1x128xi32, #tpu.memory_space<hbm>> -> memref<128xi32, #tpu.memory_space<hbm>>
        tpu.wait_dma2 semaphore(%run_scoped3A_75 : memref<!tpu.dma_semaphore, #tpu.memory_space<semaphore_mem>>) src(%dma_wait3A_98 : memref<128xi32, #tpu.memory_space<hbm>>) dst(%dma_wait3A_95 : memref<128xi32, #tpu.memory_space<vmem>>)
        tpu.yield
      }) : () -> ()
      %dma_start3A = arith.constant 0 : i32
      %dma_start3A_62 = arith.constant 0 : i32
      %dma_start3A_63 = tpu.memref_slice %arg9[%dma_start3A, %dma_start3A_62] : memref<40x128xi32, #tpu.memory_space<vmem>> -> memref<1x128xi32, #tpu.memory_space<vmem>>
      %dma_start3A_64 = tpu.memref_squeeze %dma_start3A_63 : memref<1x128xi32, #tpu.memory_space<vmem>> -> memref<128xi32, #tpu.memory_space<vmem>>
      %dma_start3A_65 = arith.constant 0 : i32
      %dma_start3A_66 = arith.constant 0 : i32
      %dma_start3A_67 = tpu.memref_slice %arg2[%dma_start3A_65, %dma_start3A_66] : memref<10000x128xf32, #tpu.memory_space<hbm>> -> memref<10000x128xf32, #tpu.memory_space<hbm>>
      tpu.enqueue_indirect_dma source(%dma_start3A_67 : memref<10000x128xf32, #tpu.memory_space<hbm>>) target(%arg7 : memref<128x128xf32, #tpu.memory_space<vmem>>) offsets(%dma_start3A_64 : memref<128xi32, #tpu.memory_space<vmem>>) semaphore(%arg11 : memref<!tpu.dma_semaphore, #tpu.memory_space<semaphore_mem>>)
      %scan3A_68 = arith.constant 0 : i32
      %scan3A_69 = arith.constant 0 : i32
      %scan3A_70 = arith.constant 10 : i32
      %scan3A_71 = arith.addi %scan3A_69, %scan3A_70 : i32
      %scan3A_72 = arith.constant 1 : i32
      %scan3A_73 = scf.for %scan3A_75 = %scan3A_69 to %scan3A_71 step %scan3A_72 iter_args(%scan3A_76 = %scan3A_68) -> (i32)  : i32 {
        %mul3A_77 = arith.constant 2 : i32
        %mul3A_78 = arith.muli %mul3A_77, %scan3A_75 : i32
        %add3A_79 = arith.constant 1 : i32
        %add3A_80 = arith.addi %mul3A_78, %add3A_79 : i32
        %dma_start3A_81 = arith.constant 0 : i32
        %dma_start3A_82 = tpu.memref_slice %arg9[%add3A_80, %dma_start3A_81] : memref<40x128xi32, #tpu.memory_space<vmem>> -> memref<1x128xi32, #tpu.memory_space<vmem>>
        %dma_start3A_83 = tpu.memref_squeeze %dma_start3A_82 : memref<1x128xi32, #tpu.memory_space<vmem>> -> memref<128xi32, #tpu.memory_space<vmem>>
        %dma_start3A_84 = arith.constant 0 : i32
        %dma_start3A_85 = arith.constant 0 : i32
        %dma_start3A_86 = tpu.memref_slice %arg2[%dma_start3A_84, %dma_start3A_85] : memref<10000x128xf32, #tpu.memory_space<hbm>> -> memref<10000x128xf32, #tpu.memory_space<hbm>>
        tpu.enqueue_indirect_dma source(%dma_start3A_86 : memref<10000x128xf32, #tpu.memory_space<hbm>>) target(%arg8 : memref<128x128xf32, #tpu.memory_space<vmem>>) offsets(%dma_start3A_83 : memref<128xi32, #tpu.memory_space<vmem>>) semaphore(%arg12 : memref<!tpu.dma_semaphore, #tpu.memory_space<semaphore_mem>>)
        %dma_wait3A = arith.constant 0 : i32
        %dma_wait3A_87 = arith.constant 0 : i32
        %dma_wait3A_88 = tpu.memref_slice %arg9[%dma_wait3A, %dma_wait3A_87] : memref<40x128xi32, #tpu.memory_space<vmem>> -> memref<1x128xi32, #tpu.memory_space<vmem>>
        %dma_wait3A_89 = tpu.memref_squeeze %dma_wait3A_88 : memref<1x128xi32, #tpu.memory_space<vmem>> -> memref<128xi32, #tpu.memory_space<vmem>>
        %dma_wait3A_90 = arith.constant 0 : i32
        %dma_wait3A_91 = arith.constant 0 : i32
        %dma_wait3A_92 = tpu.memref_slice %arg2[%dma_wait3A_90, %dma_wait3A_91] : memref<10000x128xf32, #tpu.memory_space<hbm>> -> memref<10000x128xf32, #tpu.memory_space<hbm>>
        tpu.wait_indirect_dma semaphore(%arg11 : memref<!tpu.dma_semaphore, #tpu.memory_space<semaphore_mem>>) src(%dma_wait3A_92 : memref<10000x128xf32, #tpu.memory_space<hbm>>) dst(%arg7 : memref<128x128xf32, #tpu.memory_space<vmem>>)
        %mul3A_93 = arith.constant 2 : i32
        %mul3A_94 = arith.muli %mul3A_93, %scan3A_75 : i32
        "tpu.region"() ({
          %run_scoped3A_112 = tpu.sem_alloc : memref<!tpu.dma_semaphore, #tpu.memory_space<semaphore_mem>>
          %dma_start3A_113 = arith.constant 0 : i32
          %dma_start3A_114 = tpu.memref_slice %arg10[%mul3A_94, %dma_start3A_113] : memref<40x128xi32, #tpu.memory_space<vmem>> -> memref<1x128xi32, #tpu.memory_space<vmem>>
          %dma_start3A_115 = tpu.memref_squeeze %dma_start3A_114 : memref<1x128xi32, #tpu.memory_space<vmem>> -> memref<128xi32, #tpu.memory_space<vmem>>
          %dma_start3A_116 = arith.constant 0 : i32
          %dma_start3A_117 = arith.constant 0 : i32
          %dma_start3A_118 = tpu.memref_slice %arg6[%dma_start3A_116, %dma_start3A_117] : memref<10000x128xf32, #tpu.memory_space<vmem_shared>> -> memref<10000x128xf32, #tpu.memory_space<vmem_shared>>
          tpu.enqueue_indirect_dma source(%arg7 : memref<128x128xf32, #tpu.memory_space<vmem>>) target(%dma_start3A_118 : memref<10000x128xf32, #tpu.memory_space<vmem_shared>>) offsets(%dma_start3A_115 : memref<128xi32, #tpu.memory_space<vmem>>) semaphore(%run_scoped3A_112 : memref<!tpu.dma_semaphore, #tpu.memory_space<semaphore_mem>>) {add = true}
          %dma_wait3A_119 = arith.constant 0 : i32
          %dma_wait3A_120 = tpu.memref_slice %arg10[%mul3A_94, %dma_wait3A_119] : memref<40x128xi32, #tpu.memory_space<vmem>> -> memref<1x128xi32, #tpu.memory_space<vmem>>
          %dma_wait3A_121 = tpu.memref_squeeze %dma_wait3A_120 : memref<1x128xi32, #tpu.memory_space<vmem>> -> memref<128xi32, #tpu.memory_space<vmem>>
          %dma_wait3A_122 = arith.constant 0 : i32
          %dma_wait3A_123 = arith.constant 0 : i32
          %dma_wait3A_124 = tpu.memref_slice %arg6[%dma_wait3A_122, %dma_wait3A_123] : memref<10000x128xf32, #tpu.memory_space<vmem_shared>> -> memref<10000x128xf32, #tpu.memory_space<vmem_shared>>
          tpu.wait_indirect_dma semaphore(%run_scoped3A_112 : memref<!tpu.dma_semaphore, #tpu.memory_space<semaphore_mem>>) src(%arg7 : memref<128x128xf32, #tpu.memory_space<vmem>>) dst(%dma_wait3A_124 : memref<10000x128xf32, #tpu.memory_space<vmem_shared>>)
          tpu.yield
        }) : () -> ()
        %lt3A_95 = arith.constant 9 : i32
        %lt3A_96 = arith.cmpi slt, %scan3A_75, %lt3A_95 : i32
        %convert_element_type3A_97 = arith.extui %lt3A_96 : i1 to i32
        %cond3A_98 = arith.constant 0 : i32
        %cond3A_99 = arith.cmpi ne, %convert_element_type3A_97, %cond3A_98 : i32
        scf.if %cond3A_99 {
          %mul3A_112 = arith.constant 2 : i32
          %mul3A_113 = arith.muli %mul3A_112, %scan3A_75 : i32
          %add3A_114 = arith.constant 2 : i32
          %add3A_115 = arith.addi %mul3A_113, %add3A_114 : i32
          %dma_start3A_116 = arith.constant 0 : i32
          %dma_start3A_117 = tpu.memref_slice %arg9[%add3A_115, %dma_start3A_116] : memref<40x128xi32, #tpu.memory_space<vmem>> -> memref<1x128xi32, #tpu.memory_space<vmem>>
          %dma_start3A_118 = tpu.memref_squeeze %dma_start3A_117 : memref<1x128xi32, #tpu.memory_space<vmem>> -> memref<128xi32, #tpu.memory_space<vmem>>
          %dma_start3A_119 = arith.constant 0 : i32
          %dma_start3A_120 = arith.constant 0 : i32
          %dma_start3A_121 = tpu.memref_slice %arg2[%dma_start3A_119, %dma_start3A_120] : memref<10000x128xf32, #tpu.memory_space<hbm>> -> memref<10000x128xf32, #tpu.memory_space<hbm>>
          tpu.enqueue_indirect_dma source(%dma_start3A_121 : memref<10000x128xf32, #tpu.memory_space<hbm>>) target(%arg7 : memref<128x128xf32, #tpu.memory_space<vmem>>) offsets(%dma_start3A_118 : memref<128xi32, #tpu.memory_space<vmem>>) semaphore(%arg11 : memref<!tpu.dma_semaphore, #tpu.memory_space<semaphore_mem>>)
        } else {
        }
        %dma_wait3A_100 = arith.constant 0 : i32
        %dma_wait3A_101 = arith.constant 0 : i32
        %dma_wait3A_102 = tpu.memref_slice %arg9[%dma_wait3A_100, %dma_wait3A_101] : memref<40x128xi32, #tpu.memory_space<vmem>> -> memref<1x128xi32, #tpu.memory_space<vmem>>
        %dma_wait3A_103 = tpu.memref_squeeze %dma_wait3A_102 : memref<1x128xi32, #tpu.memory_space<vmem>> -> memref<128xi32, #tpu.memory_space<vmem>>
        %dma_wait3A_104 = arith.constant 0 : i32
        %dma_wait3A_105 = arith.constant 0 : i32
        %dma_wait3A_106 = tpu.memref_slice %arg2[%dma_wait3A_104, %dma_wait3A_105] : memref<10000x128xf32, #tpu.memory_space<hbm>> -> memref<10000x128xf32, #tpu.memory_space<hbm>>
        tpu.wait_indirect_dma semaphore(%arg12 : memref<!tpu.dma_semaphore, #tpu.memory_space<semaphore_mem>>) src(%dma_wait3A_106 : memref<10000x128xf32, #tpu.memory_space<hbm>>) dst(%arg8 : memref<128x128xf32, #tpu.memory_space<vmem>>)
        %mul3A_107 = arith.constant 2 : i32
        %mul3A_108 = arith.muli %mul3A_107, %scan3A_75 : i32
        %add3A_109 = arith.constant 1 : i32
        %add3A_110 = arith.addi %mul3A_108, %add3A_109 : i32
        "tpu.region"() ({
          %run_scoped3A_112 = tpu.sem_alloc : memref<!tpu.dma_semaphore, #tpu.memory_space<semaphore_mem>>
          %dma_start3A_113 = arith.constant 0 : i32
          %dma_start3A_114 = tpu.memref_slice %arg10[%add3A_110, %dma_start3A_113] : memref<40x128xi32, #tpu.memory_space<vmem>> -> memref<1x128xi32, #tpu.memory_space<vmem>>
          %dma_start3A_115 = tpu.memref_squeeze %dma_start3A_114 : memref<1x128xi32, #tpu.memory_space<vmem>> -> memref<128xi32, #tpu.memory_space<vmem>>
          %dma_start3A_116 = arith.constant 0 : i32
          %dma_start3A_117 = arith.constant 0 : i32
          %dma_start3A_118 = tpu.memref_slice %arg6[%dma_start3A_116, %dma_start3A_117] : memref<10000x128xf32, #tpu.memory_space<vmem_shared>> -> memref<10000x128xf32, #tpu.memory_space<vmem_shared>>
          tpu.enqueue_indirect_dma source(%arg8 : memref<128x128xf32, #tpu.memory_space<vmem>>) target(%dma_start3A_118 : memref<10000x128xf32, #tpu.memory_space<vmem_shared>>) offsets(%dma_start3A_115 : memref<128xi32, #tpu.memory_space<vmem>>) semaphore(%run_scoped3A_112 : memref<!tpu.dma_semaphore, #tpu.memory_space<semaphore_mem>>) {add = true}
          %dma_wait3A_119 = arith.constant 0 : i32
          %dma_wait3A_120 = tpu.memref_slice %arg10[%add3A_110, %dma_wait3A_119] : memref<40x128xi32, #tpu.memory_space<vmem>> -> memref<1x128xi32, #tpu.memory_space<vmem>>
          %dma_wait3A_121 = tpu.memref_squeeze %dma_wait3A_120 : memref<1x128xi32, #tpu.memory_space<vmem>> -> memref<128xi32, #tpu.memory_space<vmem>>
          %dma_wait3A_122 = arith.constant 0 : i32
          %dma_wait3A_123 = arith.constant 0 : i32
          %dma_wait3A_124 = tpu.memref_slice %arg6[%dma_wait3A_122, %dma_wait3A_123] : memref<10000x128xf32, #tpu.memory_space<vmem_shared>> -> memref<10000x128xf32, #tpu.memory_space<vmem_shared>>
          tpu.wait_indirect_dma semaphore(%run_scoped3A_112 : memref<!tpu.dma_semaphore, #tpu.memory_space<semaphore_mem>>) src(%arg8 : memref<128x128xf32, #tpu.memory_space<vmem>>) dst(%dma_wait3A_124 : memref<10000x128xf32, #tpu.memory_space<vmem_shared>>)
          tpu.yield
        }) : () -> ()
        %scan3A_111 = arith.constant 0 : i32
        scf.yield %scan3A_111 : i32
      }
      %scan3A_74 = arith.constant 10 : i32
    } else {
    }
    %barrier3A_33 = arith.constant 0 : index
    tpu.barrier barrier_id(%barrier3A_33)
    %mul3A_34 = arith.constant 624 : i32
    %mul3A_35 = arith.muli %arg1, %mul3A_34 : i32
    %mul3A_36 = arith.constant 624 : i32
    %mul3A_37 = arith.muli %arg1, %mul3A_36 : i32
    "tpu.region"() ({
      %run_scoped3A = tpu.sem_alloc : memref<!tpu.dma_semaphore, #tpu.memory_space<semaphore_mem>>
      %dma_start3A = arith.constant 0 : i32
      %dma_start3A_43 = tpu.memref_slice %arg5[%arg0, %mul3A_37, %dma_start3A] : memref<2x10000x128xf32, #tpu.memory_space<hbm>> -> memref<1x624x128xf32, #tpu.memory_space<hbm>>
      %dma_start3A_44 = tpu.memref_squeeze %dma_start3A_43 : memref<1x624x128xf32, #tpu.memory_space<hbm>> -> memref<624x128xf32, #tpu.memory_space<hbm>>
      %dma_start3A_45 = arith.constant 0 : i32
      %dma_start3A_46 = tpu.memref_slice %arg6[%mul3A_35, %dma_start3A_45] : memref<10000x128xf32, #tpu.memory_space<vmem_shared>> -> memref<624x128xf32, #tpu.memory_space<vmem_shared>>
      tpu.enqueue_dma source(%dma_start3A_46 : memref<624x128xf32, #tpu.memory_space<vmem_shared>>) target(%dma_start3A_44 : memref<624x128xf32, #tpu.memory_space<hbm>>) target_semaphore(%run_scoped3A : memref<!tpu.dma_semaphore, #tpu.memory_space<semaphore_mem>>)
      %dma_wait3A = arith.constant 0 : i32
      %dma_wait3A_47 = tpu.memref_slice %arg5[%arg0, %mul3A_37, %dma_wait3A] : memref<2x10000x128xf32, #tpu.memory_space<hbm>> -> memref<1x624x128xf32, #tpu.memory_space<hbm>>
      %dma_wait3A_48 = tpu.memref_squeeze %dma_wait3A_47 : memref<1x624x128xf32, #tpu.memory_space<hbm>> -> memref<624x128xf32, #tpu.memory_space<hbm>>
      %dma_wait3A_49 = arith.constant 0 : i32
      %dma_wait3A_50 = tpu.memref_slice %arg6[%mul3A_35, %dma_wait3A_49] : memref<10000x128xf32, #tpu.memory_space<vmem_shared>> -> memref<624x128xf32, #tpu.memory_space<vmem_shared>>
      tpu.wait_dma2 semaphore(%run_scoped3A : memref<!tpu.dma_semaphore, #tpu.memory_space<semaphore_mem>>) src(%dma_wait3A_50 : memref<624x128xf32, #tpu.memory_space<vmem_shared>>) dst(%dma_wait3A_48 : memref<624x128xf32, #tpu.memory_space<hbm>>)
      tpu.yield
    }) : () -> ()
    %eq3A_38 = arith.constant 0 : i32
    %eq3A_39 = arith.cmpi eq, %arg1, %eq3A_38 : i32
    %convert_element_type3A_40 = arith.extui %eq3A_39 : i1 to i32
    %cond3A_41 = arith.constant 0 : i32
    %cond3A_42 = arith.cmpi ne, %convert_element_type3A_40, %cond3A_41 : i32
    scf.if %cond3A_42 {
      "tpu.region"() ({
        %run_scoped3A = tpu.sem_alloc : memref<!tpu.dma_semaphore, #tpu.memory_space<semaphore_mem>>
        %dma_start3A = arith.constant 9984 : i32
        %dma_start3A_43 = arith.constant 0 : i32
        %dma_start3A_44 = tpu.memref_slice %arg5[%arg0, %dma_start3A, %dma_start3A_43] : memref<2x10000x128xf32, #tpu.memory_space<hbm>> -> memref<1x16x128xf32, #tpu.memory_space<hbm>>
        %dma_start3A_45 = tpu.memref_squeeze %dma_start3A_44 : memref<1x16x128xf32, #tpu.memory_space<hbm>> -> memref<16x128xf32, #tpu.memory_space<hbm>>
        %dma_start3A_46 = arith.constant 9984 : i32
        %dma_start3A_47 = arith.constant 0 : i32
        %dma_start3A_48 = tpu.memref_slice %arg6[%dma_start3A_46, %dma_start3A_47] : memref<10000x128xf32, #tpu.memory_space<vmem_shared>> -> memref<16x128xf32, #tpu.memory_space<vmem_shared>>
        tpu.enqueue_dma source(%dma_start3A_48 : memref<16x128xf32, #tpu.memory_space<vmem_shared>>) target(%dma_start3A_45 : memref<16x128xf32, #tpu.memory_space<hbm>>) target_semaphore(%run_scoped3A : memref<!tpu.dma_semaphore, #tpu.memory_space<semaphore_mem>>)
        %dma_wait3A = arith.constant 9984 : i32
        %dma_wait3A_49 = arith.constant 0 : i32
        %dma_wait3A_50 = tpu.memref_slice %arg5[%arg0, %dma_wait3A, %dma_wait3A_49] : memref<2x10000x128xf32, #tpu.memory_space<hbm>> -> memref<1x16x128xf32, #tpu.memory_space<hbm>>
        %dma_wait3A_51 = tpu.memref_squeeze %dma_wait3A_50 : memref<1x16x128xf32, #tpu.memory_space<hbm>> -> memref<16x128xf32, #tpu.memory_space<hbm>>
        %dma_wait3A_52 = arith.constant 9984 : i32
        %dma_wait3A_53 = arith.constant 0 : i32
        %dma_wait3A_54 = tpu.memref_slice %arg6[%dma_wait3A_52, %dma_wait3A_53] : memref<10000x128xf32, #tpu.memory_space<vmem_shared>> -> memref<16x128xf32, #tpu.memory_space<vmem_shared>>
        tpu.wait_dma2 semaphore(%run_scoped3A : memref<!tpu.dma_semaphore, #tpu.memory_space<semaphore_mem>>) src(%dma_wait3A_54 : memref<16x128xf32, #tpu.memory_space<vmem_shared>>) dst(%dma_wait3A_51 : memref<16x128xf32, #tpu.memory_space<hbm>>)
        tpu.yield
      }) : () -> ()
    } else {
    }
    return
  }
}

#map = affine_map<(d0, d1) -> (0, 0, 0)>
#map1 = affine_map<(d0, d1) -> (0, 0)>
module attributes {stable_mosaic.version = 14 : i64} {
  func.func @_deg_body(%arg0: i32, %arg1: i32, %arg2: memref<2x2500x128xi32, #tpu.memory_space<hbm>>, %arg3: memref<2x320000xi32, #tpu.memory_space<hbm>>, %arg4: memref<32x10000xf32, #tpu.memory_space<hbm>>, %arg5: memref<10000xf32, #tpu.memory_space<vmem>>, %arg6: memref<80x128xi32, #tpu.memory_space<vmem>>) attributes {dimension_semantics = [#tpu.dimension_semantics<core_parallel>, #tpu.dimension_semantics<subcore_parallel>], iteration_bounds = array<i64: 2, 16>, scalar_prefetch = 0 : i64, scratch_operands = 2 : i64, tpu.core_type = #tpu.core_type<sc_vector_subcore>, window_params = [{transform_indices = #map}, {transform_indices = #map1}, {transform_indices = #map1}]} {
    %mul3A = arith.constant 16 : i32
    %mul3A_0 = arith.muli %arg0, %mul3A : i32
    %add3A = arith.addi %mul3A_0, %arg1 : i32
    %scan3A = arith.constant 0 : i32
    %scan3A_1 = arith.constant 0 : i32
    %scan3A_2 = arith.constant 624 : i32
    %scan3A_3 = arith.addi %scan3A_1, %scan3A_2 : i32
    %scan3A_4 = arith.constant 8 : i32
    %scan3A_5 = scf.for %scan3A_22 = %scan3A_1 to %scan3A_3 step %scan3A_4 iter_args(%scan3A_23 = %scan3A) -> (i32)  : i32 {
      %broadcast_in_dim3A_24 = arith.constant 0.000000e+00 : f32
      %broadcast_in_dim3A_25 = vector.broadcast %broadcast_in_dim3A_24 : f32 to vector<16xf32>
      %mul3A_26 = arith.constant 16 : i32
      %mul3A_27 = arith.muli %mul3A_26, %scan3A_22 : i32
      %swap3A_28 = arith.index_cast %mul3A_27 : i32 to index
      %swap3A_29 = tpu.vector_load %arg5[%swap3A_28] {strides = array<i32>} : memref<10000xf32, #tpu.memory_space<vmem>>, vector<16xf32>,
      tpu.vector_store %arg5[%swap3A_28], %broadcast_in_dim3A_25 {strides = array<i32>} : memref<10000xf32, #tpu.memory_space<vmem>>, vector<16xf32>,
      %scan3A_30 = arith.constant 0 : i32
      %scan3A_31 = arith.constant 1 : i32
      %scan3A_32 = arith.addi %scan3A_22, %scan3A_31 : i32
      %broadcast_in_dim3A_33 = arith.constant 0.000000e+00 : f32
      %broadcast_in_dim3A_34 = vector.broadcast %broadcast_in_dim3A_33 : f32 to vector<16xf32>
      %mul3A_35 = arith.constant 16 : i32
      %mul3A_36 = arith.muli %mul3A_35, %scan3A_32 : i32
      %swap3A_37 = arith.index_cast %mul3A_36 : i32 to index
      %swap3A_38 = tpu.vector_load %arg5[%swap3A_37] {strides = array<i32>} : memref<10000xf32, #tpu.memory_space<vmem>>, vector<16xf32>,
      tpu.vector_store %arg5[%swap3A_37], %broadcast_in_dim3A_34 {strides = array<i32>} : memref<10000xf32, #tpu.memory_space<vmem>>, vector<16xf32>,
      %scan3A_39 = arith.constant 0 : i32
      %scan3A_40 = arith.constant 2 : i32
      %scan3A_41 = arith.addi %scan3A_22, %scan3A_40 : i32
      %broadcast_in_dim3A_42 = arith.constant 0.000000e+00 : f32
      %broadcast_in_dim3A_43 = vector.broadcast %broadcast_in_dim3A_42 : f32 to vector<16xf32>
      %mul3A_44 = arith.constant 16 : i32
      %mul3A_45 = arith.muli %mul3A_44, %scan3A_41 : i32
      %swap3A_46 = arith.index_cast %mul3A_45 : i32 to index
      %swap3A_47 = tpu.vector_load %arg5[%swap3A_46] {strides = array<i32>} : memref<10000xf32, #tpu.memory_space<vmem>>, vector<16xf32>,
      tpu.vector_store %arg5[%swap3A_46], %broadcast_in_dim3A_43 {strides = array<i32>} : memref<10000xf32, #tpu.memory_space<vmem>>, vector<16xf32>,
      %scan3A_48 = arith.constant 0 : i32
      %scan3A_49 = arith.constant 3 : i32
      %scan3A_50 = arith.addi %scan3A_22, %scan3A_49 : i32
      %broadcast_in_dim3A_51 = arith.constant 0.000000e+00 : f32
      %broadcast_in_dim3A_52 = vector.broadcast %broadcast_in_dim3A_51 : f32 to vector<16xf32>
      %mul3A_53 = arith.constant 16 : i32
      %mul3A_54 = arith.muli %mul3A_53, %scan3A_50 : i32
      %swap3A_55 = arith.index_cast %mul3A_54 : i32 to index
      %swap3A_56 = tpu.vector_load %arg5[%swap3A_55] {strides = array<i32>} : memref<10000xf32, #tpu.memory_space<vmem>>, vector<16xf32>,
      tpu.vector_store %arg5[%swap3A_55], %broadcast_in_dim3A_52 {strides = array<i32>} : memref<10000xf32, #tpu.memory_space<vmem>>, vector<16xf32>,
      %scan3A_57 = arith.constant 0 : i32
      %scan3A_58 = arith.constant 4 : i32
      %scan3A_59 = arith.addi %scan3A_22, %scan3A_58 : i32
      %broadcast_in_dim3A_60 = arith.constant 0.000000e+00 : f32
      %broadcast_in_dim3A_61 = vector.broadcast %broadcast_in_dim3A_60 : f32 to vector<16xf32>
      %mul3A_62 = arith.constant 16 : i32
      %mul3A_63 = arith.muli %mul3A_62, %scan3A_59 : i32
      %swap3A_64 = arith.index_cast %mul3A_63 : i32 to index
      %swap3A_65 = tpu.vector_load %arg5[%swap3A_64] {strides = array<i32>} : memref<10000xf32, #tpu.memory_space<vmem>>, vector<16xf32>,
      tpu.vector_store %arg5[%swap3A_64], %broadcast_in_dim3A_61 {strides = array<i32>} : memref<10000xf32, #tpu.memory_space<vmem>>, vector<16xf32>,
      %scan3A_66 = arith.constant 0 : i32
      %scan3A_67 = arith.constant 5 : i32
      %scan3A_68 = arith.addi %scan3A_22, %scan3A_67 : i32
      %broadcast_in_dim3A_69 = arith.constant 0.000000e+00 : f32
      %broadcast_in_dim3A_70 = vector.broadcast %broadcast_in_dim3A_69 : f32 to vector<16xf32>
      %mul3A_71 = arith.constant 16 : i32
      %mul3A_72 = arith.muli %mul3A_71, %scan3A_68 : i32
      %swap3A_73 = arith.index_cast %mul3A_72 : i32 to index
      %swap3A_74 = tpu.vector_load %arg5[%swap3A_73] {strides = array<i32>} : memref<10000xf32, #tpu.memory_space<vmem>>, vector<16xf32>,
      tpu.vector_store %arg5[%swap3A_73], %broadcast_in_dim3A_70 {strides = array<i32>} : memref<10000xf32, #tpu.memory_space<vmem>>, vector<16xf32>,
      %scan3A_75 = arith.constant 0 : i32
      %scan3A_76 = arith.constant 6 : i32
      %scan3A_77 = arith.addi %scan3A_22, %scan3A_76 : i32
      %broadcast_in_dim3A_78 = arith.constant 0.000000e+00 : f32
      %broadcast_in_dim3A_79 = vector.broadcast %broadcast_in_dim3A_78 : f32 to vector<16xf32>
      %mul3A_80 = arith.constant 16 : i32
      %mul3A_81 = arith.muli %mul3A_80, %scan3A_77 : i32
      %swap3A_82 = arith.index_cast %mul3A_81 : i32 to index
      %swap3A_83 = tpu.vector_load %arg5[%swap3A_82] {strides = array<i32>} : memref<10000xf32, #tpu.memory_space<vmem>>, vector<16xf32>,
      tpu.vector_store %arg5[%swap3A_82], %broadcast_in_dim3A_79 {strides = array<i32>} : memref<10000xf32, #tpu.memory_space<vmem>>, vector<16xf32>,
      %scan3A_84 = arith.constant 0 : i32
      %scan3A_85 = arith.constant 7 : i32
      %scan3A_86 = arith.addi %scan3A_22, %scan3A_85 : i32
      %broadcast_in_dim3A_87 = arith.constant 0.000000e+00 : f32
      %broadcast_in_dim3A_88 = vector.broadcast %broadcast_in_dim3A_87 : f32 to vector<16xf32>
      %mul3A_89 = arith.constant 16 : i32
      %mul3A_90 = arith.muli %mul3A_89, %scan3A_86 : i32
      %swap3A_91 = arith.index_cast %mul3A_90 : i32 to index
      %swap3A_92 = tpu.vector_load %arg5[%swap3A_91] {strides = array<i32>} : memref<10000xf32, #tpu.memory_space<vmem>>, vector<16xf32>,
      tpu.vector_store %arg5[%swap3A_91], %broadcast_in_dim3A_88 {strides = array<i32>} : memref<10000xf32, #tpu.memory_space<vmem>>, vector<16xf32>,
      %scan3A_93 = arith.constant 0 : i32
      scf.yield %scan3A_93 : i32
    }
    %scan3A_6 = arith.constant 624 : i32
    %scan3A_7 = arith.addi %scan3A_1, %scan3A_6 : i32
    %broadcast_in_dim3A = arith.constant 0.000000e+00 : f32
    %broadcast_in_dim3A_8 = vector.broadcast %broadcast_in_dim3A : f32 to vector<16xf32>
    %mul3A_9 = arith.constant 16 : i32
    %mul3A_10 = arith.muli %mul3A_9, %scan3A_7 : i32
    %swap3A = arith.index_cast %mul3A_10 : i32 to index
    %swap3A_11 = tpu.vector_load %arg5[%swap3A] {strides = array<i32>} : memref<10000xf32, #tpu.memory_space<vmem>>, vector<16xf32>,
    tpu.vector_store %arg5[%swap3A], %broadcast_in_dim3A_8 {strides = array<i32>} : memref<10000xf32, #tpu.memory_space<vmem>>, vector<16xf32>,
    %scan3A_12 = arith.constant 0 : i32
    %scan3A_13 = arith.constant 625 : i32
    %broadcast_in_dim3A_14 = arith.constant 1.000000e+00 : f32
    %broadcast_in_dim3A_15 = vector.broadcast %broadcast_in_dim3A_14 : f32 to vector<16xf32>
    %lt3A = arith.constant 31 : i32
    %lt3A_16 = arith.cmpi slt, %add3A, %lt3A : i32
    %convert_element_type3A = arith.extui %lt3A_16 : i1 to i32
    %cond3A = arith.constant 0 : i32
    %cond3A_17 = arith.cmpi ne, %convert_element_type3A, %cond3A : i32
    scf.if %cond3A_17 {
      %mul3A_22 = arith.constant 80 : i32
      %mul3A_23 = arith.muli %add3A, %mul3A_22 : i32
      %run_scoped3A = arith.constant 1 : i32
      "tpu.region"() ({
        %run_scoped3A_31 = tpu.sem_alloc : memref<!tpu.dma_semaphore, #tpu.memory_space<semaphore_mem>>
        %dma_start3A = arith.constant 0 : i32
        %dma_start3A_32 = tpu.memref_slice %arg2[%run_scoped3A, %mul3A_23, %dma_start3A] : memref<2x2500x128xi32, #tpu.memory_space<hbm>> -> memref<1x80x128xi32, #tpu.memory_space<hbm>>
        %dma_start3A_33 = tpu.memref_squeeze %dma_start3A_32 : memref<1x80x128xi32, #tpu.memory_space<hbm>> -> memref<80x128xi32, #tpu.memory_space<hbm>>
        %dma_start3A_34 = arith.constant 0 : i32
        %dma_start3A_35 = tpu.memref_slice %arg2[%run_scoped3A, %mul3A_23, %dma_start3A_34] : memref<2x2500x128xi32, #tpu.memory_space<hbm>> -> memref<1x80x128xi32, #tpu.memory_space<hbm>>
        %dma_start3A_36 = tpu.memref_squeeze %dma_start3A_35 : memref<1x80x128xi32, #tpu.memory_space<hbm>> -> memref<80x128xi32, #tpu.memory_space<hbm>>
        tpu.enqueue_dma source(%dma_start3A_36 : memref<80x128xi32, #tpu.memory_space<hbm>>) target(%arg6 : memref<80x128xi32, #tpu.memory_space<vmem>>) target_semaphore(%run_scoped3A_31 : memref<!tpu.dma_semaphore, #tpu.memory_space<semaphore_mem>>)
        %dma_wait3A = arith.constant 0 : i32
        %dma_wait3A_37 = tpu.memref_slice %arg2[%run_scoped3A, %mul3A_23, %dma_wait3A] : memref<2x2500x128xi32, #tpu.memory_space<hbm>> -> memref<1x80x128xi32, #tpu.memory_space<hbm>>
        %dma_wait3A_38 = tpu.memref_squeeze %dma_wait3A_37 : memref<1x80x128xi32, #tpu.memory_space<hbm>> -> memref<80x128xi32, #tpu.memory_space<hbm>>
        %dma_wait3A_39 = arith.constant 0 : i32
        %dma_wait3A_40 = tpu.memref_slice %arg2[%run_scoped3A, %mul3A_23, %dma_wait3A_39] : memref<2x2500x128xi32, #tpu.memory_space<hbm>> -> memref<1x80x128xi32, #tpu.memory_space<hbm>>
        %dma_wait3A_41 = tpu.memref_squeeze %dma_wait3A_40 : memref<1x80x128xi32, #tpu.memory_space<hbm>> -> memref<80x128xi32, #tpu.memory_space<hbm>>
        tpu.wait_dma2 semaphore(%run_scoped3A_31 : memref<!tpu.dma_semaphore, #tpu.memory_space<semaphore_mem>>) src(%dma_wait3A_41 : memref<80x128xi32, #tpu.memory_space<hbm>>) dst(%arg6 : memref<80x128xi32, #tpu.memory_space<vmem>>)
        tpu.yield
      }) : () -> ()
      %scan3A_24 = arith.constant 0 : i32
      %scan3A_25 = arith.constant 0 : i32
      %scan3A_26 = arith.constant 80 : i32
      %scan3A_27 = arith.addi %scan3A_25, %scan3A_26 : i32
      %scan3A_28 = arith.constant 2 : i32
      %scan3A_29 = scf.for %scan3A_31 = %scan3A_25 to %scan3A_27 step %scan3A_28 iter_args(%scan3A_32 = %scan3A_24) -> (i32)  : i32 {
        %get3A = arith.index_cast %scan3A_31 : i32 to index
        %get3A_33 = arith.constant 0 : index
        %get3A_34 = tpu.vector_load %arg6[%get3A, %get3A_33] {strides = array<i32>} : memref<80x128xi32, #tpu.memory_space<vmem>>, vector<16xi32>,
        tpu.vector_store_idx %arg5[%get3A_34], %broadcast_in_dim3A_15 {add = true} : memref<10000xf32, #tpu.memory_space<vmem>>[vector<16xi32>], vector<16xf32>,
        %get3A_35 = arith.index_cast %scan3A_31 : i32 to index
        %get3A_36 = arith.constant 16 : index
        %get3A_37 = tpu.vector_load %arg6[%get3A_35, %get3A_36] {strides = array<i32>} : memref<80x128xi32, #tpu.memory_space<vmem>>, vector<16xi32>,
        tpu.vector_store_idx %arg5[%get3A_37], %broadcast_in_dim3A_15 {add = true} : memref<10000xf32, #tpu.memory_space<vmem>>[vector<16xi32>], vector<16xf32>,
        %get3A_38 = arith.index_cast %scan3A_31 : i32 to index
        %get3A_39 = arith.constant 32 : index
        %get3A_40 = tpu.vector_load %arg6[%get3A_38, %get3A_39] {strides = array<i32>} : memref<80x128xi32, #tpu.memory_space<vmem>>, vector<16xi32>,
        tpu.vector_store_idx %arg5[%get3A_40], %broadcast_in_dim3A_15 {add = true} : memref<10000xf32, #tpu.memory_space<vmem>>[vector<16xi32>], vector<16xf32>,
        %get3A_41 = arith.index_cast %scan3A_31 : i32 to index
        %get3A_42 = arith.constant 48 : index
        %get3A_43 = tpu.vector_load %arg6[%get3A_41, %get3A_42] {strides = array<i32>} : memref<80x128xi32, #tpu.memory_space<vmem>>, vector<16xi32>,
        tpu.vector_store_idx %arg5[%get3A_43], %broadcast_in_dim3A_15 {add = true} : memref<10000xf32, #tpu.memory_space<vmem>>[vector<16xi32>], vector<16xf32>,
        %get3A_44 = arith.index_cast %scan3A_31 : i32 to index
        %get3A_45 = arith.constant 64 : index
        %get3A_46 = tpu.vector_load %arg6[%get3A_44, %get3A_45] {strides = array<i32>} : memref<80x128xi32, #tpu.memory_space<vmem>>, vector<16xi32>,
        tpu.vector_store_idx %arg5[%get3A_46], %broadcast_in_dim3A_15 {add = true} : memref<10000xf32, #tpu.memory_space<vmem>>[vector<16xi32>], vector<16xf32>,
        %get3A_47 = arith.index_cast %scan3A_31 : i32 to index
        %get3A_48 = arith.constant 80 : index
        %get3A_49 = tpu.vector_load %arg6[%get3A_47, %get3A_48] {strides = array<i32>} : memref<80x128xi32, #tpu.memory_space<vmem>>, vector<16xi32>,
        tpu.vector_store_idx %arg5[%get3A_49], %broadcast_in_dim3A_15 {add = true} : memref<10000xf32, #tpu.memory_space<vmem>>[vector<16xi32>], vector<16xf32>,
        %get3A_50 = arith.index_cast %scan3A_31 : i32 to index
        %get3A_51 = arith.constant 96 : index
        %get3A_52 = tpu.vector_load %arg6[%get3A_50, %get3A_51] {strides = array<i32>} : memref<80x128xi32, #tpu.memory_space<vmem>>, vector<16xi32>,
        tpu.vector_store_idx %arg5[%get3A_52], %broadcast_in_dim3A_15 {add = true} : memref<10000xf32, #tpu.memory_space<vmem>>[vector<16xi32>], vector<16xf32>,
        %get3A_53 = arith.index_cast %scan3A_31 : i32 to index
        %get3A_54 = arith.constant 112 : index
        %get3A_55 = tpu.vector_load %arg6[%get3A_53, %get3A_54] {strides = array<i32>} : memref<80x128xi32, #tpu.memory_space<vmem>>, vector<16xi32>,
        tpu.vector_store_idx %arg5[%get3A_55], %broadcast_in_dim3A_15 {add = true} : memref<10000xf32, #tpu.memory_space<vmem>>[vector<16xi32>], vector<16xf32>,
        %scan3A_56 = arith.constant 0 : i32
        %scan3A_57 = arith.constant 1 : i32
        %scan3A_58 = arith.addi %scan3A_31, %scan3A_57 : i32
        %get3A_59 = arith.index_cast %scan3A_58 : i32 to index
        %get3A_60 = arith.constant 0 : index
        %get3A_61 = tpu.vector_load %arg6[%get3A_59, %get3A_60] {strides = array<i32>} : memref<80x128xi32, #tpu.memory_space<vmem>>, vector<16xi32>,
        tpu.vector_store_idx %arg5[%get3A_61], %broadcast_in_dim3A_15 {add = true} : memref<10000xf32, #tpu.memory_space<vmem>>[vector<16xi32>], vector<16xf32>,
        %get3A_62 = arith.index_cast %scan3A_58 : i32 to index
        %get3A_63 = arith.constant 16 : index
        %get3A_64 = tpu.vector_load %arg6[%get3A_62, %get3A_63] {strides = array<i32>} : memref<80x128xi32, #tpu.memory_space<vmem>>, vector<16xi32>,
        tpu.vector_store_idx %arg5[%get3A_64], %broadcast_in_dim3A_15 {add = true} : memref<10000xf32, #tpu.memory_space<vmem>>[vector<16xi32>], vector<16xf32>,
        %get3A_65 = arith.index_cast %scan3A_58 : i32 to index
        %get3A_66 = arith.constant 32 : index
        %get3A_67 = tpu.vector_load %arg6[%get3A_65, %get3A_66] {strides = array<i32>} : memref<80x128xi32, #tpu.memory_space<vmem>>, vector<16xi32>,
        tpu.vector_store_idx %arg5[%get3A_67], %broadcast_in_dim3A_15 {add = true} : memref<10000xf32, #tpu.memory_space<vmem>>[vector<16xi32>], vector<16xf32>,
        %get3A_68 = arith.index_cast %scan3A_58 : i32 to index
        %get3A_69 = arith.constant 48 : index
        %get3A_70 = tpu.vector_load %arg6[%get3A_68, %get3A_69] {strides = array<i32>} : memref<80x128xi32, #tpu.memory_space<vmem>>, vector<16xi32>,
        tpu.vector_store_idx %arg5[%get3A_70], %broadcast_in_dim3A_15 {add = true} : memref<10000xf32, #tpu.memory_space<vmem>>[vector<16xi32>], vector<16xf32>,
        %get3A_71 = arith.index_cast %scan3A_58 : i32 to index
        %get3A_72 = arith.constant 64 : index
        %get3A_73 = tpu.vector_load %arg6[%get3A_71, %get3A_72] {strides = array<i32>} : memref<80x128xi32, #tpu.memory_space<vmem>>, vector<16xi32>,
        tpu.vector_store_idx %arg5[%get3A_73], %broadcast_in_dim3A_15 {add = true} : memref<10000xf32, #tpu.memory_space<vmem>>[vector<16xi32>], vector<16xf32>,
        %get3A_74 = arith.index_cast %scan3A_58 : i32 to index
        %get3A_75 = arith.constant 80 : index
        %get3A_76 = tpu.vector_load %arg6[%get3A_74, %get3A_75] {strides = array<i32>} : memref<80x128xi32, #tpu.memory_space<vmem>>, vector<16xi32>,
        tpu.vector_store_idx %arg5[%get3A_76], %broadcast_in_dim3A_15 {add = true} : memref<10000xf32, #tpu.memory_space<vmem>>[vector<16xi32>], vector<16xf32>,
        %get3A_77 = arith.index_cast %scan3A_58 : i32 to index
        %get3A_78 = arith.constant 96 : index
        %get3A_79 = tpu.vector_load %arg6[%get3A_77, %get3A_78] {strides = array<i32>} : memref<80x128xi32, #tpu.memory_space<vmem>>, vector<16xi32>,
        tpu.vector_store_idx %arg5[%get3A_79], %broadcast_in_dim3A_15 {add = true} : memref<10000xf32, #tpu.memory_space<vmem>>[vector<16xi32>], vector<16xf32>,
        %get3A_80 = arith.index_cast %scan3A_58 : i32 to index
        %get3A_81 = arith.constant 112 : index
        %get3A_82 = tpu.vector_load %arg6[%get3A_80, %get3A_81] {strides = array<i32>} : memref<80x128xi32, #tpu.memory_space<vmem>>, vector<16xi32>,
        tpu.vector_store_idx %arg5[%get3A_82], %broadcast_in_dim3A_15 {add = true} : memref<10000xf32, #tpu.memory_space<vmem>>[vector<16xi32>], vector<16xf32>,
        %scan3A_83 = arith.constant 0 : i32
        scf.yield %scan3A_83 : i32
      }
      %scan3A_30 = arith.constant 80 : i32
    } else {
    }
    %eq3A = arith.constant 31 : i32
    %eq3A_18 = arith.cmpi eq, %add3A, %eq3A : i32
    %convert_element_type3A_19 = arith.extui %eq3A_18 : i1 to i32
    %cond3A_20 = arith.constant 0 : i32
    %cond3A_21 = arith.cmpi ne, %convert_element_type3A_19, %cond3A_20 : i32
    scf.if %cond3A_21 {
      %mul3A_22 = arith.constant 80 : i32
      %mul3A_23 = arith.muli %add3A, %mul3A_22 : i32
      %run_scoped3A = arith.constant 1 : i32
      "tpu.region"() ({
        %run_scoped3A_39 = tpu.sem_alloc : memref<!tpu.dma_semaphore, #tpu.memory_space<semaphore_mem>>
        %dma_start3A = arith.constant 0 : i32
        %dma_start3A_40 = arith.constant 0 : i32
        %dma_start3A_41 = tpu.memref_slice %arg6[%dma_start3A, %dma_start3A_40] : memref<80x128xi32, #tpu.memory_space<vmem>> -> memref<16x128xi32, #tpu.memory_space<vmem>>
        %dma_start3A_42 = arith.constant 0 : i32
        %dma_start3A_43 = tpu.memref_slice %arg2[%run_scoped3A, %mul3A_23, %dma_start3A_42] : memref<2x2500x128xi32, #tpu.memory_space<hbm>> -> memref<1x16x128xi32, #tpu.memory_space<hbm>>
        %dma_start3A_44 = tpu.memref_squeeze %dma_start3A_43 : memref<1x16x128xi32, #tpu.memory_space<hbm>> -> memref<16x128xi32, #tpu.memory_space<hbm>>
        %dma_start3A_45 = arith.constant 0 : i32
        %dma_start3A_46 = arith.constant 0 : i32
        %dma_start3A_47 = tpu.memref_slice %arg6[%dma_start3A_45, %dma_start3A_46] : memref<80x128xi32, #tpu.memory_space<vmem>> -> memref<16x128xi32, #tpu.memory_space<vmem>>
        %dma_start3A_48 = arith.constant 0 : i32
        %dma_start3A_49 = tpu.memref_slice %arg2[%run_scoped3A, %mul3A_23, %dma_start3A_48] : memref<2x2500x128xi32, #tpu.memory_space<hbm>> -> memref<1x16x128xi32, #tpu.memory_space<hbm>>
        %dma_start3A_50 = tpu.memref_squeeze %dma_start3A_49 : memref<1x16x128xi32, #tpu.memory_space<hbm>> -> memref<16x128xi32, #tpu.memory_space<hbm>>
        tpu.enqueue_dma source(%dma_start3A_50 : memref<16x128xi32, #tpu.memory_space<hbm>>) target(%dma_start3A_47 : memref<16x128xi32, #tpu.memory_space<vmem>>) target_semaphore(%run_scoped3A_39 : memref<!tpu.dma_semaphore, #tpu.memory_space<semaphore_mem>>)
        %dma_wait3A = arith.constant 0 : i32
        %dma_wait3A_51 = arith.constant 0 : i32
        %dma_wait3A_52 = tpu.memref_slice %arg6[%dma_wait3A, %dma_wait3A_51] : memref<80x128xi32, #tpu.memory_space<vmem>> -> memref<16x128xi32, #tpu.memory_space<vmem>>
        %dma_wait3A_53 = arith.constant 0 : i32
        %dma_wait3A_54 = tpu.memref_slice %arg2[%run_scoped3A, %mul3A_23, %dma_wait3A_53] : memref<2x2500x128xi32, #tpu.memory_space<hbm>> -> memref<1x16x128xi32, #tpu.memory_space<hbm>>
        %dma_wait3A_55 = tpu.memref_squeeze %dma_wait3A_54 : memref<1x16x128xi32, #tpu.memory_space<hbm>> -> memref<16x128xi32, #tpu.memory_space<hbm>>
        %dma_wait3A_56 = arith.constant 0 : i32
        %dma_wait3A_57 = arith.constant 0 : i32
        %dma_wait3A_58 = tpu.memref_slice %arg6[%dma_wait3A_56, %dma_wait3A_57] : memref<80x128xi32, #tpu.memory_space<vmem>> -> memref<16x128xi32, #tpu.memory_space<vmem>>
        %dma_wait3A_59 = arith.constant 0 : i32
        %dma_wait3A_60 = tpu.memref_slice %arg2[%run_scoped3A, %mul3A_23, %dma_wait3A_59] : memref<2x2500x128xi32, #tpu.memory_space<hbm>> -> memref<1x16x128xi32, #tpu.memory_space<hbm>>
        %dma_wait3A_61 = tpu.memref_squeeze %dma_wait3A_60 : memref<1x16x128xi32, #tpu.memory_space<hbm>> -> memref<16x128xi32, #tpu.memory_space<hbm>>
        tpu.wait_dma2 semaphore(%run_scoped3A_39 : memref<!tpu.dma_semaphore, #tpu.memory_space<semaphore_mem>>) src(%dma_wait3A_61 : memref<16x128xi32, #tpu.memory_space<hbm>>) dst(%dma_wait3A_58 : memref<16x128xi32, #tpu.memory_space<vmem>>)
        tpu.yield
      }) : () -> ()
      %run_scoped3A_24 = arith.constant 1 : i32
      %run_scoped3A_25 = arith.constant 16 : i32
      "tpu.region"() ({
        %run_scoped3A_39 = tpu.sem_alloc : memref<!tpu.dma_semaphore, #tpu.memory_space<semaphore_mem>>
        %dma_start3A = arith.constant 0 : i32
        %dma_start3A_40 = tpu.memref_slice %arg6[%run_scoped3A_25, %dma_start3A] : memref<80x128xi32, #tpu.memory_space<vmem>> -> memref<1x128xi32, #tpu.memory_space<vmem>>
        %dma_start3A_41 = tpu.memref_squeeze %dma_start3A_40 : memref<1x128xi32, #tpu.memory_space<vmem>> -> memref<128xi32, #tpu.memory_space<vmem>>
        %dma_start3A_42 = arith.constant 319488 : i32
        %dma_start3A_43 = tpu.memref_slice %arg3[%run_scoped3A_24, %dma_start3A_42] : memref<2x320000xi32, #tpu.memory_space<hbm>> -> memref<1x128xi32, #tpu.memory_space<hbm>>
        %dma_start3A_44 = tpu.memref_squeeze %dma_start3A_43 : memref<1x128xi32, #tpu.memory_space<hbm>> -> memref<128xi32, #tpu.memory_space<hbm>>
        %dma_start3A_45 = arith.constant 0 : i32
        %dma_start3A_46 = tpu.memref_slice %arg6[%run_scoped3A_25, %dma_start3A_45] : memref<80x128xi32, #tpu.memory_space<vmem>> -> memref<1x128xi32, #tpu.memory_space<vmem>>
        %dma_start3A_47 = tpu.memref_squeeze %dma_start3A_46 : memref<1x128xi32, #tpu.memory_space<vmem>> -> memref<128xi32, #tpu.memory_space<vmem>>
        %dma_start3A_48 = arith.constant 319488 : i32
        %dma_start3A_49 = tpu.memref_slice %arg3[%run_scoped3A_24, %dma_start3A_48] : memref<2x320000xi32, #tpu.memory_space<hbm>> -> memref<1x128xi32, #tpu.memory_space<hbm>>
        %dma_start3A_50 = tpu.memref_squeeze %dma_start3A_49 : memref<1x128xi32, #tpu.memory_space<hbm>> -> memref<128xi32, #tpu.memory_space<hbm>>
        tpu.enqueue_dma source(%dma_start3A_50 : memref<128xi32, #tpu.memory_space<hbm>>) target(%dma_start3A_47 : memref<128xi32, #tpu.memory_space<vmem>>) target_semaphore(%run_scoped3A_39 : memref<!tpu.dma_semaphore, #tpu.memory_space<semaphore_mem>>)
        %dma_wait3A = arith.constant 0 : i32
        %dma_wait3A_51 = tpu.memref_slice %arg6[%run_scoped3A_25, %dma_wait3A] : memref<80x128xi32, #tpu.memory_space<vmem>> -> memref<1x128xi32, #tpu.memory_space<vmem>>
        %dma_wait3A_52 = tpu.memref_squeeze %dma_wait3A_51 : memref<1x128xi32, #tpu.memory_space<vmem>> -> memref<128xi32, #tpu.memory_space<vmem>>
        %dma_wait3A_53 = arith.constant 319488 : i32
        %dma_wait3A_54 = tpu.memref_slice %arg3[%run_scoped3A_24, %dma_wait3A_53] : memref<2x320000xi32, #tpu.memory_space<hbm>> -> memref<1x128xi32, #tpu.memory_space<hbm>>
        %dma_wait3A_55 = tpu.memref_squeeze %dma_wait3A_54 : memref<1x128xi32, #tpu.memory_space<hbm>> -> memref<128xi32, #tpu.memory_space<hbm>>
        %dma_wait3A_56 = arith.constant 0 : i32
        %dma_wait3A_57 = tpu.memref_slice %arg6[%run_scoped3A_25, %dma_wait3A_56] : memref<80x128xi32, #tpu.memory_space<vmem>> -> memref<1x128xi32, #tpu.memory_space<vmem>>
        %dma_wait3A_58 = tpu.memref_squeeze %dma_wait3A_57 : memref<1x128xi32, #tpu.memory_space<vmem>> -> memref<128xi32, #tpu.memory_space<vmem>>
        %dma_wait3A_59 = arith.constant 319488 : i32
        %dma_wait3A_60 = tpu.memref_slice %arg3[%run_scoped3A_24, %dma_wait3A_59] : memref<2x320000xi32, #tpu.memory_space<hbm>> -> memref<1x128xi32, #tpu.memory_space<hbm>>
        %dma_wait3A_61 = tpu.memref_squeeze %dma_wait3A_60 : memref<1x128xi32, #tpu.memory_space<hbm>> -> memref<128xi32, #tpu.memory_space<hbm>>
        tpu.wait_dma2 semaphore(%run_scoped3A_39 : memref<!tpu.dma_semaphore, #tpu.memory_space<semaphore_mem>>) src(%dma_wait3A_61 : memref<128xi32, #tpu.memory_space<hbm>>) dst(%dma_wait3A_58 : memref<128xi32, #tpu.memory_space<vmem>>)
        tpu.yield
      }) : () -> ()
      %run_scoped3A_26 = arith.constant 1 : i32
      %run_scoped3A_27 = arith.constant 17 : i32
      "tpu.region"() ({
        %run_scoped3A_39 = tpu.sem_alloc : memref<!tpu.dma_semaphore, #tpu.memory_space<semaphore_mem>>
        %dma_start3A = arith.constant 0 : i32
        %dma_start3A_40 = tpu.memref_slice %arg6[%run_scoped3A_27, %dma_start3A] : memref<80x128xi32, #tpu.memory_space<vmem>> -> memref<1x128xi32, #tpu.memory_space<vmem>>
        %dma_start3A_41 = tpu.memref_squeeze %dma_start3A_40 : memref<1x128xi32, #tpu.memory_space<vmem>> -> memref<128xi32, #tpu.memory_space<vmem>>
        %dma_start3A_42 = arith.constant 319616 : i32
        %dma_start3A_43 = tpu.memref_slice %arg3[%run_scoped3A_26, %dma_start3A_42] : memref<2x320000xi32, #tpu.memory_space<hbm>> -> memref<1x128xi32, #tpu.memory_space<hbm>>
        %dma_start3A_44 = tpu.memref_squeeze %dma_start3A_43 : memref<1x128xi32, #tpu.memory_space<hbm>> -> memref<128xi32, #tpu.memory_space<hbm>>
        %dma_start3A_45 = arith.constant 0 : i32
        %dma_start3A_46 = tpu.memref_slice %arg6[%run_scoped3A_27, %dma_start3A_45] : memref<80x128xi32, #tpu.memory_space<vmem>> -> memref<1x128xi32, #tpu.memory_space<vmem>>
        %dma_start3A_47 = tpu.memref_squeeze %dma_start3A_46 : memref<1x128xi32, #tpu.memory_space<vmem>> -> memref<128xi32, #tpu.memory_space<vmem>>
        %dma_start3A_48 = arith.constant 319616 : i32
        %dma_start3A_49 = tpu.memref_slice %arg3[%run_scoped3A_26, %dma_start3A_48] : memref<2x320000xi32, #tpu.memory_space<hbm>> -> memref<1x128xi32, #tpu.memory_space<hbm>>
        %dma_start3A_50 = tpu.memref_squeeze %dma_start3A_49 : memref<1x128xi32, #tpu.memory_space<hbm>> -> memref<128xi32, #tpu.memory_space<hbm>>
        tpu.enqueue_dma source(%dma_start3A_50 : memref<128xi32, #tpu.memory_space<hbm>>) target(%dma_start3A_47 : memref<128xi32, #tpu.memory_space<vmem>>) target_semaphore(%run_scoped3A_39 : memref<!tpu.dma_semaphore, #tpu.memory_space<semaphore_mem>>)
        %dma_wait3A = arith.constant 0 : i32
        %dma_wait3A_51 = tpu.memref_slice %arg6[%run_scoped3A_27, %dma_wait3A] : memref<80x128xi32, #tpu.memory_space<vmem>> -> memref<1x128xi32, #tpu.memory_space<vmem>>
        %dma_wait3A_52 = tpu.memref_squeeze %dma_wait3A_51 : memref<1x128xi32, #tpu.memory_space<vmem>> -> memref<128xi32, #tpu.memory_space<vmem>>
        %dma_wait3A_53 = arith.constant 319616 : i32
        %dma_wait3A_54 = tpu.memref_slice %arg3[%run_scoped3A_26, %dma_wait3A_53] : memref<2x320000xi32, #tpu.memory_space<hbm>> -> memref<1x128xi32, #tpu.memory_space<hbm>>
        %dma_wait3A_55 = tpu.memref_squeeze %dma_wait3A_54 : memref<1x128xi32, #tpu.memory_space<hbm>> -> memref<128xi32, #tpu.memory_space<hbm>>
        %dma_wait3A_56 = arith.constant 0 : i32
        %dma_wait3A_57 = tpu.memref_slice %arg6[%run_scoped3A_27, %dma_wait3A_56] : memref<80x128xi32, #tpu.memory_space<vmem>> -> memref<1x128xi32, #tpu.memory_space<vmem>>
        %dma_wait3A_58 = tpu.memref_squeeze %dma_wait3A_57 : memref<1x128xi32, #tpu.memory_space<vmem>> -> memref<128xi32, #tpu.memory_space<vmem>>
        %dma_wait3A_59 = arith.constant 319616 : i32
        %dma_wait3A_60 = tpu.memref_slice %arg3[%run_scoped3A_26, %dma_wait3A_59] : memref<2x320000xi32, #tpu.memory_space<hbm>> -> memref<1x128xi32, #tpu.memory_space<hbm>>
        %dma_wait3A_61 = tpu.memref_squeeze %dma_wait3A_60 : memref<1x128xi32, #tpu.memory_space<hbm>> -> memref<128xi32, #tpu.memory_space<hbm>>
        tpu.wait_dma2 semaphore(%run_scoped3A_39 : memref<!tpu.dma_semaphore, #tpu.memory_space<semaphore_mem>>) src(%dma_wait3A_61 : memref<128xi32, #tpu.memory_space<hbm>>) dst(%dma_wait3A_58 : memref<128xi32, #tpu.memory_space<vmem>>)
        tpu.yield
      }) : () -> ()
      %run_scoped3A_28 = arith.constant 1 : i32
      %run_scoped3A_29 = arith.constant 18 : i32
      "tpu.region"() ({
        %run_scoped3A_39 = tpu.sem_alloc : memref<!tpu.dma_semaphore, #tpu.memory_space<semaphore_mem>>
        %dma_start3A = arith.constant 0 : i32
        %dma_start3A_40 = tpu.memref_slice %arg6[%run_scoped3A_29, %dma_start3A] : memref<80x128xi32, #tpu.memory_space<vmem>> -> memref<1x128xi32, #tpu.memory_space<vmem>>
        %dma_start3A_41 = tpu.memref_squeeze %dma_start3A_40 : memref<1x128xi32, #tpu.memory_space<vmem>> -> memref<128xi32, #tpu.memory_space<vmem>>
        %dma_start3A_42 = arith.constant 319744 : i32
        %dma_start3A_43 = tpu.memref_slice %arg3[%run_scoped3A_28, %dma_start3A_42] : memref<2x320000xi32, #tpu.memory_space<hbm>> -> memref<1x128xi32, #tpu.memory_space<hbm>>
        %dma_start3A_44 = tpu.memref_squeeze %dma_start3A_43 : memref<1x128xi32, #tpu.memory_space<hbm>> -> memref<128xi32, #tpu.memory_space<hbm>>
        %dma_start3A_45 = arith.constant 0 : i32
        %dma_start3A_46 = tpu.memref_slice %arg6[%run_scoped3A_29, %dma_start3A_45] : memref<80x128xi32, #tpu.memory_space<vmem>> -> memref<1x128xi32, #tpu.memory_space<vmem>>
        %dma_start3A_47 = tpu.memref_squeeze %dma_start3A_46 : memref<1x128xi32, #tpu.memory_space<vmem>> -> memref<128xi32, #tpu.memory_space<vmem>>
        %dma_start3A_48 = arith.constant 319744 : i32
        %dma_start3A_49 = tpu.memref_slice %arg3[%run_scoped3A_28, %dma_start3A_48] : memref<2x320000xi32, #tpu.memory_space<hbm>> -> memref<1x128xi32, #tpu.memory_space<hbm>>
        %dma_start3A_50 = tpu.memref_squeeze %dma_start3A_49 : memref<1x128xi32, #tpu.memory_space<hbm>> -> memref<128xi32, #tpu.memory_space<hbm>>
        tpu.enqueue_dma source(%dma_start3A_50 : memref<128xi32, #tpu.memory_space<hbm>>) target(%dma_start3A_47 : memref<128xi32, #tpu.memory_space<vmem>>) target_semaphore(%run_scoped3A_39 : memref<!tpu.dma_semaphore, #tpu.memory_space<semaphore_mem>>)
        %dma_wait3A = arith.constant 0 : i32
        %dma_wait3A_51 = tpu.memref_slice %arg6[%run_scoped3A_29, %dma_wait3A] : memref<80x128xi32, #tpu.memory_space<vmem>> -> memref<1x128xi32, #tpu.memory_space<vmem>>
        %dma_wait3A_52 = tpu.memref_squeeze %dma_wait3A_51 : memref<1x128xi32, #tpu.memory_space<vmem>> -> memref<128xi32, #tpu.memory_space<vmem>>
        %dma_wait3A_53 = arith.constant 319744 : i32
        %dma_wait3A_54 = tpu.memref_slice %arg3[%run_scoped3A_28, %dma_wait3A_53] : memref<2x320000xi32, #tpu.memory_space<hbm>> -> memref<1x128xi32, #tpu.memory_space<hbm>>
        %dma_wait3A_55 = tpu.memref_squeeze %dma_wait3A_54 : memref<1x128xi32, #tpu.memory_space<hbm>> -> memref<128xi32, #tpu.memory_space<hbm>>
        %dma_wait3A_56 = arith.constant 0 : i32
        %dma_wait3A_57 = tpu.memref_slice %arg6[%run_scoped3A_29, %dma_wait3A_56] : memref<80x128xi32, #tpu.memory_space<vmem>> -> memref<1x128xi32, #tpu.memory_space<vmem>>
        %dma_wait3A_58 = tpu.memref_squeeze %dma_wait3A_57 : memref<1x128xi32, #tpu.memory_space<vmem>> -> memref<128xi32, #tpu.memory_space<vmem>>
        %dma_wait3A_59 = arith.constant 319744 : i32
        %dma_wait3A_60 = tpu.memref_slice %arg3[%run_scoped3A_28, %dma_wait3A_59] : memref<2x320000xi32, #tpu.memory_space<hbm>> -> memref<1x128xi32, #tpu.memory_space<hbm>>
        %dma_wait3A_61 = tpu.memref_squeeze %dma_wait3A_60 : memref<1x128xi32, #tpu.memory_space<hbm>> -> memref<128xi32, #tpu.memory_space<hbm>>
        tpu.wait_dma2 semaphore(%run_scoped3A_39 : memref<!tpu.dma_semaphore, #tpu.memory_space<semaphore_mem>>) src(%dma_wait3A_61 : memref<128xi32, #tpu.memory_space<hbm>>) dst(%dma_wait3A_58 : memref<128xi32, #tpu.memory_space<vmem>>)
        tpu.yield
      }) : () -> ()
      %run_scoped3A_30 = arith.constant 1 : i32
      %run_scoped3A_31 = arith.constant 19 : i32
      "tpu.region"() ({
        %run_scoped3A_39 = tpu.sem_alloc : memref<!tpu.dma_semaphore, #tpu.memory_space<semaphore_mem>>
        %dma_start3A = arith.constant 0 : i32
        %dma_start3A_40 = tpu.memref_slice %arg6[%run_scoped3A_31, %dma_start3A] : memref<80x128xi32, #tpu.memory_space<vmem>> -> memref<1x128xi32, #tpu.memory_space<vmem>>
        %dma_start3A_41 = tpu.memref_squeeze %dma_start3A_40 : memref<1x128xi32, #tpu.memory_space<vmem>> -> memref<128xi32, #tpu.memory_space<vmem>>
        %dma_start3A_42 = arith.constant 319872 : i32
        %dma_start3A_43 = tpu.memref_slice %arg3[%run_scoped3A_30, %dma_start3A_42] : memref<2x320000xi32, #tpu.memory_space<hbm>> -> memref<1x128xi32, #tpu.memory_space<hbm>>
        %dma_start3A_44 = tpu.memref_squeeze %dma_start3A_43 : memref<1x128xi32, #tpu.memory_space<hbm>> -> memref<128xi32, #tpu.memory_space<hbm>>
        %dma_start3A_45 = arith.constant 0 : i32
        %dma_start3A_46 = tpu.memref_slice %arg6[%run_scoped3A_31, %dma_start3A_45] : memref<80x128xi32, #tpu.memory_space<vmem>> -> memref<1x128xi32, #tpu.memory_space<vmem>>
        %dma_start3A_47 = tpu.memref_squeeze %dma_start3A_46 : memref<1x128xi32, #tpu.memory_space<vmem>> -> memref<128xi32, #tpu.memory_space<vmem>>
        %dma_start3A_48 = arith.constant 319872 : i32
        %dma_start3A_49 = tpu.memref_slice %arg3[%run_scoped3A_30, %dma_start3A_48] : memref<2x320000xi32, #tpu.memory_space<hbm>> -> memref<1x128xi32, #tpu.memory_space<hbm>>
        %dma_start3A_50 = tpu.memref_squeeze %dma_start3A_49 : memref<1x128xi32, #tpu.memory_space<hbm>> -> memref<128xi32, #tpu.memory_space<hbm>>
        tpu.enqueue_dma source(%dma_start3A_50 : memref<128xi32, #tpu.memory_space<hbm>>) target(%dma_start3A_47 : memref<128xi32, #tpu.memory_space<vmem>>) target_semaphore(%run_scoped3A_39 : memref<!tpu.dma_semaphore, #tpu.memory_space<semaphore_mem>>)
        %dma_wait3A = arith.constant 0 : i32
        %dma_wait3A_51 = tpu.memref_slice %arg6[%run_scoped3A_31, %dma_wait3A] : memref<80x128xi32, #tpu.memory_space<vmem>> -> memref<1x128xi32, #tpu.memory_space<vmem>>
        %dma_wait3A_52 = tpu.memref_squeeze %dma_wait3A_51 : memref<1x128xi32, #tpu.memory_space<vmem>> -> memref<128xi32, #tpu.memory_space<vmem>>
        %dma_wait3A_53 = arith.constant 319872 : i32
        %dma_wait3A_54 = tpu.memref_slice %arg3[%run_scoped3A_30, %dma_wait3A_53] : memref<2x320000xi32, #tpu.memory_space<hbm>> -> memref<1x128xi32, #tpu.memory_space<hbm>>
        %dma_wait3A_55 = tpu.memref_squeeze %dma_wait3A_54 : memref<1x128xi32, #tpu.memory_space<hbm>> -> memref<128xi32, #tpu.memory_space<hbm>>
        %dma_wait3A_56 = arith.constant 0 : i32
        %dma_wait3A_57 = tpu.memref_slice %arg6[%run_scoped3A_31, %dma_wait3A_56] : memref<80x128xi32, #tpu.memory_space<vmem>> -> memref<1x128xi32, #tpu.memory_space<vmem>>
        %dma_wait3A_58 = tpu.memref_squeeze %dma_wait3A_57 : memref<1x128xi32, #tpu.memory_space<vmem>> -> memref<128xi32, #tpu.memory_space<vmem>>
        %dma_wait3A_59 = arith.constant 319872 : i32
        %dma_wait3A_60 = tpu.memref_slice %arg3[%run_scoped3A_30, %dma_wait3A_59] : memref<2x320000xi32, #tpu.memory_space<hbm>> -> memref<1x128xi32, #tpu.memory_space<hbm>>
        %dma_wait3A_61 = tpu.memref_squeeze %dma_wait3A_60 : memref<1x128xi32, #tpu.memory_space<hbm>> -> memref<128xi32, #tpu.memory_space<hbm>>
        tpu.wait_dma2 semaphore(%run_scoped3A_39 : memref<!tpu.dma_semaphore, #tpu.memory_space<semaphore_mem>>) src(%dma_wait3A_61 : memref<128xi32, #tpu.memory_space<hbm>>) dst(%dma_wait3A_58 : memref<128xi32, #tpu.memory_space<vmem>>)
        tpu.yield
      }) : () -> ()
      %scan3A_32 = arith.constant 0 : i32
      %scan3A_33 = arith.constant 0 : i32
      %scan3A_34 = arith.constant 20 : i32
      %scan3A_35 = arith.addi %scan3A_33, %scan3A_34 : i32
      %scan3A_36 = arith.constant 2 : i32
      %scan3A_37 = scf.for %scan3A_39 = %scan3A_33 to %scan3A_35 step %scan3A_36 iter_args(%scan3A_40 = %scan3A_32) -> (i32)  : i32 {
        %get3A = arith.index_cast %scan3A_39 : i32 to index
        %get3A_41 = arith.constant 0 : index
        %get3A_42 = tpu.vector_load %arg6[%get3A, %get3A_41] {strides = array<i32>} : memref<80x128xi32, #tpu.memory_space<vmem>>, vector<16xi32>,
        tpu.vector_store_idx %arg5[%get3A_42], %broadcast_in_dim3A_15 {add = true} : memref<10000xf32, #tpu.memory_space<vmem>>[vector<16xi32>], vector<16xf32>,
        %get3A_43 = arith.index_cast %scan3A_39 : i32 to index
        %get3A_44 = arith.constant 16 : index
        %get3A_45 = tpu.vector_load %arg6[%get3A_43, %get3A_44] {strides = array<i32>} : memref<80x128xi32, #tpu.memory_space<vmem>>, vector<16xi32>,
        tpu.vector_store_idx %arg5[%get3A_45], %broadcast_in_dim3A_15 {add = true} : memref<10000xf32, #tpu.memory_space<vmem>>[vector<16xi32>], vector<16xf32>,
        %get3A_46 = arith.index_cast %scan3A_39 : i32 to index
        %get3A_47 = arith.constant 32 : index
        %get3A_48 = tpu.vector_load %arg6[%get3A_46, %get3A_47] {strides = array<i32>} : memref<80x128xi32, #tpu.memory_space<vmem>>, vector<16xi32>,
        tpu.vector_store_idx %arg5[%get3A_48], %broadcast_in_dim3A_15 {add = true} : memref<10000xf32, #tpu.memory_space<vmem>>[vector<16xi32>], vector<16xf32>,
        %get3A_49 = arith.index_cast %scan3A_39 : i32 to index
        %get3A_50 = arith.constant 48 : index
        %get3A_51 = tpu.vector_load %arg6[%get3A_49, %get3A_50] {strides = array<i32>} : memref<80x128xi32, #tpu.memory_space<vmem>>, vector<16xi32>,
        tpu.vector_store_idx %arg5[%get3A_51], %broadcast_in_dim3A_15 {add = true} : memref<10000xf32, #tpu.memory_space<vmem>>[vector<16xi32>], vector<16xf32>,
        %get3A_52 = arith.index_cast %scan3A_39 : i32 to index
        %get3A_53 = arith.constant 64 : index
        %get3A_54 = tpu.vector_load %arg6[%get3A_52, %get3A_53] {strides = array<i32>} : memref<80x128xi32, #tpu.memory_space<vmem>>, vector<16xi32>,
        tpu.vector_store_idx %arg5[%get3A_54], %broadcast_in_dim3A_15 {add = true} : memref<10000xf32, #tpu.memory_space<vmem>>[vector<16xi32>], vector<16xf32>,
        %get3A_55 = arith.index_cast %scan3A_39 : i32 to index
        %get3A_56 = arith.constant 80 : index
        %get3A_57 = tpu.vector_load %arg6[%get3A_55, %get3A_56] {strides = array<i32>} : memref<80x128xi32, #tpu.memory_space<vmem>>, vector<16xi32>,
        tpu.vector_store_idx %arg5[%get3A_57], %broadcast_in_dim3A_15 {add = true} : memref<10000xf32, #tpu.memory_space<vmem>>[vector<16xi32>], vector<16xf32>,
        %get3A_58 = arith.index_cast %scan3A_39 : i32 to index
        %get3A_59 = arith.constant 96 : index
        %get3A_60 = tpu.vector_load %arg6[%get3A_58, %get3A_59] {strides = array<i32>} : memref<80x128xi32, #tpu.memory_space<vmem>>, vector<16xi32>,
        tpu.vector_store_idx %arg5[%get3A_60], %broadcast_in_dim3A_15 {add = true} : memref<10000xf32, #tpu.memory_space<vmem>>[vector<16xi32>], vector<16xf32>,
        %get3A_61 = arith.index_cast %scan3A_39 : i32 to index
        %get3A_62 = arith.constant 112 : index
        %get3A_63 = tpu.vector_load %arg6[%get3A_61, %get3A_62] {strides = array<i32>} : memref<80x128xi32, #tpu.memory_space<vmem>>, vector<16xi32>,
        tpu.vector_store_idx %arg5[%get3A_63], %broadcast_in_dim3A_15 {add = true} : memref<10000xf32, #tpu.memory_space<vmem>>[vector<16xi32>], vector<16xf32>,
        %scan3A_64 = arith.constant 0 : i32
        %scan3A_65 = arith.constant 1 : i32
        %scan3A_66 = arith.addi %scan3A_39, %scan3A_65 : i32
        %get3A_67 = arith.index_cast %scan3A_66 : i32 to index
        %get3A_68 = arith.constant 0 : index
        %get3A_69 = tpu.vector_load %arg6[%get3A_67, %get3A_68] {strides = array<i32>} : memref<80x128xi32, #tpu.memory_space<vmem>>, vector<16xi32>,
        tpu.vector_store_idx %arg5[%get3A_69], %broadcast_in_dim3A_15 {add = true} : memref<10000xf32, #tpu.memory_space<vmem>>[vector<16xi32>], vector<16xf32>,
        %get3A_70 = arith.index_cast %scan3A_66 : i32 to index
        %get3A_71 = arith.constant 16 : index
        %get3A_72 = tpu.vector_load %arg6[%get3A_70, %get3A_71] {strides = array<i32>} : memref<80x128xi32, #tpu.memory_space<vmem>>, vector<16xi32>,
        tpu.vector_store_idx %arg5[%get3A_72], %broadcast_in_dim3A_15 {add = true} : memref<10000xf32, #tpu.memory_space<vmem>>[vector<16xi32>], vector<16xf32>,
        %get3A_73 = arith.index_cast %scan3A_66 : i32 to index
        %get3A_74 = arith.constant 32 : index
        %get3A_75 = tpu.vector_load %arg6[%get3A_73, %get3A_74] {strides = array<i32>} : memref<80x128xi32, #tpu.memory_space<vmem>>, vector<16xi32>,
        tpu.vector_store_idx %arg5[%get3A_75], %broadcast_in_dim3A_15 {add = true} : memref<10000xf32, #tpu.memory_space<vmem>>[vector<16xi32>], vector<16xf32>,
        %get3A_76 = arith.index_cast %scan3A_66 : i32 to index
        %get3A_77 = arith.constant 48 : index
        %get3A_78 = tpu.vector_load %arg6[%get3A_76, %get3A_77] {strides = array<i32>} : memref<80x128xi32, #tpu.memory_space<vmem>>, vector<16xi32>,
        tpu.vector_store_idx %arg5[%get3A_78], %broadcast_in_dim3A_15 {add = true} : memref<10000xf32, #tpu.memory_space<vmem>>[vector<16xi32>], vector<16xf32>,
        %get3A_79 = arith.index_cast %scan3A_66 : i32 to index
        %get3A_80 = arith.constant 64 : index
        %get3A_81 = tpu.vector_load %arg6[%get3A_79, %get3A_80] {strides = array<i32>} : memref<80x128xi32, #tpu.memory_space<vmem>>, vector<16xi32>,
        tpu.vector_store_idx %arg5[%get3A_81], %broadcast_in_dim3A_15 {add = true} : memref<10000xf32, #tpu.memory_space<vmem>>[vector<16xi32>], vector<16xf32>,
        %get3A_82 = arith.index_cast %scan3A_66 : i32 to index
        %get3A_83 = arith.constant 80 : index
        %get3A_84 = tpu.vector_load %arg6[%get3A_82, %get3A_83] {strides = array<i32>} : memref<80x128xi32, #tpu.memory_space<vmem>>, vector<16xi32>,
        tpu.vector_store_idx %arg5[%get3A_84], %broadcast_in_dim3A_15 {add = true} : memref<10000xf32, #tpu.memory_space<vmem>>[vector<16xi32>], vector<16xf32>,
        %get3A_85 = arith.index_cast %scan3A_66 : i32 to index
        %get3A_86 = arith.constant 96 : index
        %get3A_87 = tpu.vector_load %arg6[%get3A_85, %get3A_86] {strides = array<i32>} : memref<80x128xi32, #tpu.memory_space<vmem>>, vector<16xi32>,
        tpu.vector_store_idx %arg5[%get3A_87], %broadcast_in_dim3A_15 {add = true} : memref<10000xf32, #tpu.memory_space<vmem>>[vector<16xi32>], vector<16xf32>,
        %get3A_88 = arith.index_cast %scan3A_66 : i32 to index
        %get3A_89 = arith.constant 112 : index
        %get3A_90 = tpu.vector_load %arg6[%get3A_88, %get3A_89] {strides = array<i32>} : memref<80x128xi32, #tpu.memory_space<vmem>>, vector<16xi32>,
        tpu.vector_store_idx %arg5[%get3A_90], %broadcast_in_dim3A_15 {add = true} : memref<10000xf32, #tpu.memory_space<vmem>>[vector<16xi32>], vector<16xf32>,
        %scan3A_91 = arith.constant 0 : i32
        scf.yield %scan3A_91 : i32
      }
      %scan3A_38 = arith.constant 20 : i32
    } else {
    }
    "tpu.region"() ({
      %run_scoped3A = tpu.sem_alloc : memref<!tpu.dma_semaphore, #tpu.memory_space<semaphore_mem>>
      %dma_start3A = arith.constant 0 : i32
      %dma_start3A_22 = tpu.memref_slice %arg4[%add3A, %dma_start3A] : memref<32x10000xf32, #tpu.memory_space<hbm>> -> memref<1x10000xf32, #tpu.memory_space<hbm>>
      %dma_start3A_23 = tpu.memref_squeeze %dma_start3A_22 : memref<1x10000xf32, #tpu.memory_space<hbm>> -> memref<10000xf32, #tpu.memory_space<hbm>>
      %dma_start3A_24 = arith.constant 0 : i32
      %dma_start3A_25 = tpu.memref_slice %arg4[%add3A, %dma_start3A_24] : memref<32x10000xf32, #tpu.memory_space<hbm>> -> memref<1x10000xf32, #tpu.memory_space<hbm>>
      %dma_start3A_26 = tpu.memref_squeeze %dma_start3A_25 : memref<1x10000xf32, #tpu.memory_space<hbm>> -> memref<10000xf32, #tpu.memory_space<hbm>>
      tpu.enqueue_dma source(%arg5 : memref<10000xf32, #tpu.memory_space<vmem>>) target(%dma_start3A_26 : memref<10000xf32, #tpu.memory_space<hbm>>) target_semaphore(%run_scoped3A : memref<!tpu.dma_semaphore, #tpu.memory_space<semaphore_mem>>)
      %dma_wait3A = arith.constant 0 : i32
      %dma_wait3A_27 = tpu.memref_slice %arg4[%add3A, %dma_wait3A] : memref<32x10000xf32, #tpu.memory_space<hbm>> -> memref<1x10000xf32, #tpu.memory_space<hbm>>
      %dma_wait3A_28 = tpu.memref_squeeze %dma_wait3A_27 : memref<1x10000xf32, #tpu.memory_space<hbm>> -> memref<10000xf32, #tpu.memory_space<hbm>>
      %dma_wait3A_29 = arith.constant 0 : i32
      %dma_wait3A_30 = tpu.memref_slice %arg4[%add3A, %dma_wait3A_29] : memref<32x10000xf32, #tpu.memory_space<hbm>> -> memref<1x10000xf32, #tpu.memory_space<hbm>>
      %dma_wait3A_31 = tpu.memref_squeeze %dma_wait3A_30 : memref<1x10000xf32, #tpu.memory_space<hbm>> -> memref<10000xf32, #tpu.memory_space<hbm>>
      tpu.wait_dma2 semaphore(%run_scoped3A : memref<!tpu.dma_semaphore, #tpu.memory_space<semaphore_mem>>) src(%arg5 : memref<10000xf32, #tpu.memory_space<vmem>>) dst(%dma_wait3A_31 : memref<10000xf32, #tpu.memory_space<hbm>>)
      tpu.yield
    }) : () -> ()
    return
  }
}

module attributes {stable_mosaic.version = 14 : i64} {
  func.func @_fin_body(%arg0: i32, %arg1: i32, %arg2: memref<2x2000x128xf32, #tpu.memory_space<vmem>>, %arg3: memref<2000x128xf32, #tpu.memory_space<vmem>>, %arg4: memref<2000x1xf32, #tpu.memory_space<vmem>>, %arg5: memref<1x128xf32, #tpu.memory_space<vmem>>, %arg6: memref<1x128xf32, #tpu.memory_space<vmem>>, %arg7: memref<2000x128xf32, #tpu.memory_space<vmem>>, %arg8: memref<10000x128xf32, #tpu.memory_space<vmem>>, %arg9: memref<1x128xf32, #tpu.memory_space<vmem>>, %arg10: memref<1x128xf32, #tpu.memory_space<vmem>>) attributes {dimension_semantics = [#tpu.dimension_semantics<arbitrary>, #tpu.dimension_semantics<arbitrary>], iteration_bounds = array<i64: 2, 5>, scalar_prefetch = 0 : i64, scratch_operands = 3 : i64, tpu.core_type = #tpu.core_type<tc>, window_params = [{transform_indices = @transform_0, window_bounds = array<i64: 2, 2000, 128>}, {transform_indices = @transform_1, window_bounds = array<i64: 2000, 128>}, {transform_indices = @transform_2, window_bounds = array<i64: 2000, 1>}, {pipeline_mode = #tpu.pipeline_mode<synchronous>, transform_indices = @transform_3, window_bounds = array<i64: 1, 128>}, {pipeline_mode = #tpu.pipeline_mode<synchronous>, transform_indices = @transform_4, window_bounds = array<i64: 1, 128>}, {transform_indices = @transform_5, window_bounds = array<i64: 2000, 128>}]} {
    %eq3A = arith.constant 0 : i32
    %eq3A_0 = arith.cmpi eq, %arg0, %eq3A : i32
    %convert_element_type3A = arith.extui %eq3A_0 : i1 to i32
    %cond3A = arith.constant 0 : i32
    %cond3A_1 = arith.cmpi ne, %convert_element_type3A, %cond3A : i32
    scf.if %cond3A_1 {
      %get3A = arith.constant 0 : index
      %get3A_7 = arith.constant 0 : index
      %get3A_8 = arith.constant 0 : index
      %get3A_9 = vector.load %arg2[%get3A, %get3A_7, %get3A_8] : memref<2x2000x128xf32, #tpu.memory_space<vmem>>, vector<2x2000x128xf32>
      %get3A_10 = arith.constant 0 : index
      %get3A_11 = arith.constant 0 : index
      %get3A_12 = vector.load %arg4[%get3A_10, %get3A_11] : memref<2000x1xf32, #tpu.memory_space<vmem>>, vector<2000x1xf32>
      %slice3A = vector.extract_strided_slice %get3A_9 {offsets = [0, 0, 0], sizes = [1, 2000, 128], strides = [1, 1, 1]} : vector<2x2000x128xf32> to vector<1x2000x128xf32>
      %squeeze3A = vector.shape_cast %slice3A : vector<1x2000x128xf32> to vector<2000x128xf32>
      %slice3A_13 = vector.extract_strided_slice %get3A_9 {offsets = [1, 0, 0], sizes = [1, 2000, 128], strides = [1, 1, 1]} : vector<2x2000x128xf32> to vector<1x2000x128xf32>
      %squeeze3A_14 = vector.shape_cast %slice3A_13 : vector<1x2000x128xf32> to vector<2000x128xf32>
      %add3A = arith.addf %squeeze3A, %squeeze3A_14 : vector<2000x128xf32>
      %get3A_15 = arith.constant 0 : index
      %get3A_16 = arith.constant 0 : index
      %get3A_17 = vector.load %arg3[%get3A_15, %get3A_16] : memref<2000x128xf32, #tpu.memory_space<vmem>>, vector<2000x128xf32>
      %add3A_18 = arith.addf %add3A, %get3A_17 : vector<2000x128xf32>
      %mul3A = vector.broadcast %get3A_12 : vector<2000x1xf32> to vector<2000x128xf32>
      %mul3A_19 = arith.mulf %mul3A, %add3A_18 : vector<2000x128xf32>
      %tanh3A = math.tanh %mul3A_19 : vector<2000x128xf32>
      %mul3A_20 = arith.constant 2000 : i32
      %mul3A_21 = arith.muli %arg1, %mul3A_20 : i32
      %swap3A = arith.index_cast %mul3A_21 : i32 to index
      %swap3A_22 = arith.constant 0 : index
      %swap3A_23 = vector.load %arg8[%swap3A, %swap3A_22] : memref<10000x128xf32, #tpu.memory_space<vmem>>, vector<2000x128xf32>
      tpu.vector_store %arg8[%swap3A, %swap3A_22], %tanh3A {strides = array<i32>} : memref<10000x128xf32, #tpu.memory_space<vmem>>, vector<2000x128xf32>,
      %eq3A_24 = arith.constant 0 : i32
      %eq3A_25 = arith.cmpi eq, %arg1, %eq3A_24 : i32
      %convert_element_type3A_26 = arith.extui %eq3A_25 : i1 to i32
      %cond3A_27 = arith.constant 0 : i32
      %cond3A_28 = arith.cmpi ne, %convert_element_type3A_26, %cond3A_27 : i32
      scf.if %cond3A_28 {
        %broadcast_in_dim3A_48 = arith.constant 0.000000e+00 : f32
        %broadcast_in_dim3A_49 = vector.broadcast %broadcast_in_dim3A_48 : f32 to vector<1x128xf32>
        %swap3A_50 = arith.constant 0 : index
        %swap3A_51 = arith.constant 0 : index
        %swap3A_52 = vector.load %arg9[%swap3A_50, %swap3A_51] : memref<1x128xf32, #tpu.memory_space<vmem>>, vector<1x128xf32>
        tpu.vector_store %arg9[%swap3A_50, %swap3A_51], %broadcast_in_dim3A_49 {strides = array<i32>} : memref<1x128xf32, #tpu.memory_space<vmem>>, vector<1x128xf32>,
        %broadcast_in_dim3A_53 = arith.constant 0.000000e+00 : f32
        %broadcast_in_dim3A_54 = vector.broadcast %broadcast_in_dim3A_53 : f32 to vector<1x128xf32>
        %swap3A_55 = arith.constant 0 : index
        %swap3A_56 = arith.constant 0 : index
        %swap3A_57 = vector.load %arg10[%swap3A_55, %swap3A_56] : memref<1x128xf32, #tpu.memory_space<vmem>>, vector<1x128xf32>
        tpu.vector_store %arg10[%swap3A_55, %swap3A_56], %broadcast_in_dim3A_54 {strides = array<i32>} : memref<1x128xf32, #tpu.memory_space<vmem>>, vector<1x128xf32>,
      } else {
      }
      %get3A_29 = arith.constant 0 : index
      %get3A_30 = arith.constant 0 : index
      %get3A_31 = vector.load %arg9[%get3A_29, %get3A_30] : memref<1x128xf32, #tpu.memory_space<vmem>>, vector<1x128xf32>
      %reduce_sum3A = arith.constant dense<0.000000e+00> : vector<128xf32>
      %reduce_sum3A_32 = vector.multi_reduction <add>, %tanh3A, %reduce_sum3A [0] : vector<2000x128xf32> to vector<128xf32>
      %broadcast_in_dim3A = vector.shape_cast %reduce_sum3A_32 : vector<128xf32> to vector<1x128xf32>
      %add3A_33 = arith.addf %get3A_31, %broadcast_in_dim3A : vector<1x128xf32>
      %swap3A_34 = arith.constant 0 : index
      %swap3A_35 = arith.constant 0 : index
      %swap3A_36 = vector.load %arg9[%swap3A_34, %swap3A_35] : memref<1x128xf32, #tpu.memory_space<vmem>>, vector<1x128xf32>
      tpu.vector_store %arg9[%swap3A_34, %swap3A_35], %add3A_33 {strides = array<i32>} : memref<1x128xf32, #tpu.memory_space<vmem>>, vector<1x128xf32>,
      %get3A_37 = arith.constant 0 : index
      %get3A_38 = arith.constant 0 : index
      %get3A_39 = vector.load %arg10[%get3A_37, %get3A_38] : memref<1x128xf32, #tpu.memory_space<vmem>>, vector<1x128xf32>
      %mul3A_40 = arith.mulf %tanh3A, %tanh3A : vector<2000x128xf32>
      %reduce_sum3A_41 = arith.constant dense<0.000000e+00> : vector<128xf32>
      %reduce_sum3A_42 = vector.multi_reduction <add>, %mul3A_40, %reduce_sum3A_41 [0] : vector<2000x128xf32> to vector<128xf32>
      %broadcast_in_dim3A_43 = vector.shape_cast %reduce_sum3A_42 : vector<128xf32> to vector<1x128xf32>
      %add3A_44 = arith.addf %get3A_39, %broadcast_in_dim3A_43 : vector<1x128xf32>
      %swap3A_45 = arith.constant 0 : index
      %swap3A_46 = arith.constant 0 : index
      %swap3A_47 = vector.load %arg10[%swap3A_45, %swap3A_46] : memref<1x128xf32, #tpu.memory_space<vmem>>, vector<1x128xf32>
      tpu.vector_store %arg10[%swap3A_45, %swap3A_46], %add3A_44 {strides = array<i32>} : memref<1x128xf32, #tpu.memory_space<vmem>>, vector<1x128xf32>,
    } else {
    }
    %eq3A_2 = arith.constant 1 : i32
    %eq3A_3 = arith.cmpi eq, %arg0, %eq3A_2 : i32
    %convert_element_type3A_4 = arith.extui %eq3A_3 : i1 to i32
    %cond3A_5 = arith.constant 0 : i32
    %cond3A_6 = arith.cmpi ne, %convert_element_type3A_4, %cond3A_5 : i32
    scf.if %cond3A_6 {
      %get3A = arith.constant 0 : index
      %get3A_7 = arith.constant 0 : index
      %get3A_8 = vector.load %arg9[%get3A, %get3A_7] : memref<1x128xf32, #tpu.memory_space<vmem>>, vector<1x128xf32>
      %mul3A = arith.constant 9.99999974E-5 : f32
      %mul3A_9 = vector.broadcast %mul3A : f32 to vector<1x128xf32>
      %mul3A_10 = arith.mulf %get3A_8, %mul3A_9 : vector<1x128xf32>
      %get3A_11 = arith.constant 0 : index
      %get3A_12 = arith.constant 0 : index
      %get3A_13 = vector.load %arg10[%get3A_11, %get3A_12] : memref<1x128xf32, #tpu.memory_space<vmem>>, vector<1x128xf32>
      %mul3A_14 = arith.constant 9.99999974E-5 : f32
      %mul3A_15 = vector.broadcast %mul3A_14 : f32 to vector<1x128xf32>
      %mul3A_16 = arith.mulf %get3A_13, %mul3A_15 : vector<1x128xf32>
      %mul3A_17 = arith.mulf %mul3A_10, %mul3A_10 : vector<1x128xf32>
      %sub3A = arith.subf %mul3A_16, %mul3A_17 : vector<1x128xf32>
      %add3A = arith.constant 9.99999974E-6 : f32
      %add3A_18 = vector.broadcast %add3A : f32 to vector<1x128xf32>
      %add3A_19 = arith.addf %sub3A, %add3A_18 : vector<1x128xf32>
      %rsqrt3A = math.rsqrt %add3A_19 : vector<1x128xf32>
      %mul3A_20 = arith.constant 2000 : i32
      %mul3A_21 = arith.muli %arg1, %mul3A_20 : i32
      %get3A_22 = arith.index_cast %mul3A_21 : i32 to index
      %get3A_23 = arith.constant 0 : index
      %get3A_24 = vector.load %arg8[%get3A_22, %get3A_23] : memref<10000x128xf32, #tpu.memory_space<vmem>>, vector<2000x128xf32>
      %sub3A_25 = vector.broadcast %mul3A_10 : vector<1x128xf32> to vector<2000x128xf32>
      %sub3A_26 = arith.subf %get3A_24, %sub3A_25 : vector<2000x128xf32>
      %get3A_27 = arith.constant 0 : index
      %get3A_28 = arith.constant 0 : index
      %get3A_29 = vector.load %arg5[%get3A_27, %get3A_28] : memref<1x128xf32, #tpu.memory_space<vmem>>, vector<1x128xf32>
      %mul3A_30 = arith.mulf %rsqrt3A, %get3A_29 : vector<1x128xf32>
      %mul3A_31 = vector.broadcast %mul3A_30 : vector<1x128xf32> to vector<2000x128xf32>
      %mul3A_32 = arith.mulf %sub3A_26, %mul3A_31 : vector<2000x128xf32>
      %get3A_33 = arith.constant 0 : index
      %get3A_34 = arith.constant 0 : index
      %get3A_35 = vector.load %arg6[%get3A_33, %get3A_34] : memref<1x128xf32, #tpu.memory_space<vmem>>, vector<1x128xf32>
      %add3A_36 = vector.broadcast %get3A_35 : vector<1x128xf32> to vector<2000x128xf32>
      %add3A_37 = arith.addf %mul3A_32, %add3A_36 : vector<2000x128xf32>
      %swap3A = arith.constant 0 : index
      %swap3A_38 = arith.constant 0 : index
      %swap3A_39 = vector.load %arg7[%swap3A, %swap3A_38] : memref<2000x128xf32, #tpu.memory_space<vmem>>, vector<2000x128xf32>
      tpu.vector_store %arg7[%swap3A, %swap3A_38], %add3A_37 {strides = array<i32>} : memref<2000x128xf32, #tpu.memory_space<vmem>>, vector<2000x128xf32>,
    } else {
    }
    return
  }
  func.func @transform_0(%arg0: i32, %arg1: i32) -> (i32, i32, i32) {
    %sub3A = arith.constant 1 : i32
    %sub3A_0 = arith.subi %sub3A, %arg0 : i32
    %mul3A = arith.muli %arg1, %sub3A_0 : i32
    %mul3A_1 = arith.constant 4 : i32
    %mul3A_2 = arith.muli %mul3A_1, %arg0 : i32
    %add3A = arith.addi %mul3A, %mul3A_2 : i32
    %c0_i32 = arith.constant 0 : i32
    %c0_i32_3 = arith.constant 0 : i32
    %c0_i32_4 = arith.constant 0 : i32
    return %c0_i32, %add3A, %c0_i32_3 : i32, i32, i32
  }
  func.func @transform_1(%arg0: i32, %arg1: i32) -> (i32, i32) {
    %sub3A = arith.constant 1 : i32
    %sub3A_0 = arith.subi %sub3A, %arg0 : i32
    %mul3A = arith.muli %arg1, %sub3A_0 : i32
    %mul3A_1 = arith.constant 4 : i32
    %mul3A_2 = arith.muli %mul3A_1, %arg0 : i32
    %add3A = arith.addi %mul3A, %mul3A_2 : i32
    %c0_i32 = arith.constant 0 : i32
    %c0_i32_3 = arith.constant 0 : i32
    return %add3A, %c0_i32 : i32, i32
  }
  func.func @transform_2(%arg0: i32, %arg1: i32) -> (i32, i32) {
    %sub3A = arith.constant 1 : i32
    %sub3A_0 = arith.subi %sub3A, %arg0 : i32
    %mul3A = arith.muli %arg1, %sub3A_0 : i32
    %mul3A_1 = arith.constant 4 : i32
    %mul3A_2 = arith.muli %mul3A_1, %arg0 : i32
    %add3A = arith.addi %mul3A, %mul3A_2 : i32
    %c0_i32 = arith.constant 0 : i32
    %c0_i32_3 = arith.constant 0 : i32
    return %add3A, %c0_i32 : i32, i32
  }
  func.func @transform_3(%arg0: i32, %arg1: i32) -> (i32, i32) {
    %c0_i32 = arith.constant 0 : i32
    %c0_i32_0 = arith.constant 0 : i32
    %c0_i32_1 = arith.constant 0 : i32
    return %c0_i32, %c0_i32_0 : i32, i32
  }
  func.func @transform_4(%arg0: i32, %arg1: i32) -> (i32, i32) {
    %c0_i32 = arith.constant 0 : i32
    %c0_i32_0 = arith.constant 0 : i32
    %c0_i32_1 = arith.constant 0 : i32
    return %c0_i32, %c0_i32_0 : i32, i32
  }
  func.func @transform_5(%arg0: i32, %arg1: i32) -> (i32, i32) {
    %c0_i32 = arith.constant 0 : i32
    %c0_i32_0 = arith.constant 0 : i32
    return %arg1, %c0_i32 : i32, i32
  }
}

module attributes {stable_mosaic.version = 14 : i64} {
  func.func @_lin_body(%arg0: memref<10000x128xf32, #tpu.memory_space<vmem>>, %arg1: memref<128x128xf32, #tpu.memory_space<vmem>>, %arg2: memref<1x128xf32, #tpu.memory_space<vmem>>, %arg3: memref<32x10000xf32, #tpu.memory_space<vmem>>, %arg4: memref<10000x128xf32, #tpu.memory_space<vmem>>, %arg5: memref<10000x1xf32, #tpu.memory_space<vmem>>) attributes {dimension_semantics = [], scalar_prefetch = 0 : i64, scratch_operands = 0 : i64, tpu.core_type = #tpu.core_type<tc>} {
    %broadcast_in_dim3A = arith.constant 1.000000e+00 : f32
    %broadcast_in_dim3A_0 = vector.broadcast %broadcast_in_dim3A : f32 to vector<32x1xf32>
    %get3A = arith.constant 0 : index
    %get3A_1 = arith.constant 0 : index
    %get3A_2 = vector.load %arg3[%get3A, %get3A_1] : memref<32x10000xf32, #tpu.memory_space<vmem>>, vector<32x10000xf32>
    %dot_general3A = arith.constant dense<0.000000e+00> : vector<10000x1xf32>
    %dot_general3A_3 = tpu.matmul %get3A_2, %broadcast_in_dim3A_0, %dot_general3A {dimension_numbers = #tpu.dot_dimension_numbers<[0], [0], [1], [1], [0, 1, 1, 1], [], []>, transpose_lhs_hint = false} : vector<32x10000xf32>, vector<32x1xf32>, vector<10000x1xf32> -> vector<10000x1xf32>
    %add3A = arith.constant 1.000000e+00 : f32
    %add3A_4 = vector.broadcast %add3A : f32 to vector<10000x1xf32>
    %add3A_5 = arith.addf %dot_general3A_3, %add3A_4 : vector<10000x1xf32>
    %rsqrt3A = math.rsqrt %add3A_5 : vector<10000x1xf32>
    %get3A_6 = arith.constant 0 : index
    %get3A_7 = arith.constant 0 : index
    %get3A_8 = vector.load %arg0[%get3A_6, %get3A_7] : memref<10000x128xf32, #tpu.memory_space<vmem>>, vector<10000x128xf32>
    %get3A_9 = arith.constant 0 : index
    %get3A_10 = arith.constant 0 : index
    %get3A_11 = vector.load %arg1[%get3A_9, %get3A_10] : memref<128x128xf32, #tpu.memory_space<vmem>>, vector<128x128xf32>
    %dot_general3A_12 = arith.constant dense<0.000000e+00> : vector<10000x128xf32>
    %dot_general3A_13 = tpu.matmul %get3A_8, %get3A_11, %dot_general3A_12 {dimension_numbers = #tpu.dot_dimension_numbers<[1], [0], [0], [1], [0, 0, 1, 1], [], []>, transpose_lhs_hint = false} : vector<10000x128xf32>, vector<128x128xf32>, vector<10000x128xf32> -> vector<10000x128xf32>
    %get3A_14 = arith.constant 0 : index
    %get3A_15 = arith.constant 0 : index
    %get3A_16 = vector.load %arg2[%get3A_14, %get3A_15] : memref<1x128xf32, #tpu.memory_space<vmem>>, vector<1x128xf32>
    %add3A_17 = vector.broadcast %get3A_16 : vector<1x128xf32> to vector<10000x128xf32>
    %add3A_18 = arith.addf %dot_general3A_13, %add3A_17 : vector<10000x128xf32>
    %mul3A = vector.broadcast %rsqrt3A : vector<10000x1xf32> to vector<10000x128xf32>
    %mul3A_19 = arith.mulf %add3A_18, %mul3A : vector<10000x128xf32>
    %swap3A = arith.constant 0 : index
    %swap3A_20 = arith.constant 0 : index
    %swap3A_21 = vector.load %arg4[%swap3A, %swap3A_20] : memref<10000x128xf32, #tpu.memory_space<vmem>>, vector<10000x128xf32>
    tpu.vector_store %arg4[%swap3A, %swap3A_20], %mul3A_19 {strides = array<i32>} : memref<10000x128xf32, #tpu.memory_space<vmem>>, vector<10000x128xf32>,
    %swap3A_22 = arith.constant 0 : index
    %swap3A_23 = arith.constant 0 : index
    %swap3A_24 = vector.load %arg5[%swap3A_22, %swap3A_23] : memref<10000x1xf32, #tpu.memory_space<vmem>>, vector<10000x1xf32>
    tpu.vector_store %arg5[%swap3A_22, %swap3A_23], %rsqrt3A {strides = array<i32>} : memref<10000x1xf32, #tpu.memory_space<vmem>>, vector<10000x1xf32>,
    return
  }
}

</mosaic_0001>

<sc_bundles>
// kernel: kernel.6.cloned.1.call-start
scs
__scs_entry_jumppad:
0x0: {  	(pc) =	sbr.rel $0x88, $3  }
0x1: {  	(tag) =	ssettag $0x0;
	lr =	simm.s32 $0x1  }
0x2: {  	[smem:$0x3F9B] =	sst lr;
	_ =	strace $0xD0000000  }
0x3: {  	_ = 	snop  }
0x4: {  	_ = 	snop  }
0x5: {  	_ = 	snop  }
0x6: {  	_ = 	snop  }
0x7: {  	_ = 	snop  }
__scs_overlays_trampoline_lowered:
0x8: {  	[smem:$0x3FAA] =	sst s0  }
0x9: {  	[smem:$0x3FAB] =	sst s1  }
0xa: {  	[smem:$0x3FAC] =	sst s2  }
0xb: {  	[smem:$0x3FAD] =	sst s3  }
0xc: {  	[smem:$0x3FAE] =	sst s4  }
0xd: {  	[smem:$0x3FAF] =	sst s5  }
0xe: {  	[smem:$0x3FB0] =	sst s6  }
0xf: {  	[smem:$0x3FB1] =	sst s7  }
0x10: {  	[smem:$0x3FB2] =	sst s8  }
0x11: {  	[smem:$0x3FB3] =	sst s9;
	s0 =	simm.s32 @!p0 $0x0  }
0x12: {  	s1 =	sld [smem:$0x3F99];
	s0 =	simm.s32 @p0 $0x1  }
0x13: {  	[smem:$0x3FB4] =	sst s0;
	s0 =	simm.s32 @!p1 $0x0  }
0x14: {  	s2 =	sld [smem:$0x3F98];
	s0 =	simm.s32 @p1 $0x1  }
0x15: {  	[smem:$0x3FB5] =	sst s0;
	s0 =	simm.s32 @!p2 $0x0  }
0x16: {  	s3 =	sld [smem:$0x3FDB];
	s0 =	simm.s32 @p2 $0x1  }
0x17: {  	s4 =	simm.s32 $0x1BF5;
	[smem:$0x3FB7] =	sst s0  }
0x18: {  	s0 =	sld [smem:$0x3F9A];
	_ =	swait.ge [sflag:s4], $0x0  }
0x19: {  	s7 =	sld [smem:$0x3F9B]  }
0x1a: {  	s8 =	sadd.s32 $0xFFFFE003, lr  }
0x1b: {  	s9 =	sadd.s32 $0xFFFFFEF7, lr;
	s5 =	simm.s32 $0xFFFFFFFF;
	p2 =	slt.u32 s8, $0xFFFFF086  }
0x1c: {  	p1 =	slt.u32 s9, $0xF7A;
	s5 =	simm.s32 @!p2 $0x0  }
0x1d: {  	s5 =	simm.s32 @p1 $0x1;
	p0 =	seq.s32 s7, s2  }
0x1e: {  	s7 =	smul.u32 @!p0 $0xF7A, s2;
	p2 =	seq.s32 @!p0 s5, $0x0  }
0x1f: {  	s9 =	smul.u32 $0xF7A, s1;
	s8 =	simm.s32 @!p0 $0x1BF5;
	p2 =	por !p2, p0  }
0x20: {  	[sflag:s8] =	ssyncset.s32 @!p0 $0xFFFFF086;
	s6 =	sadd.s32 @!p0 s3, s7;
	s7 =	simm.s32 @!p0 $0x108  }
0x21: {  	s3 =	sadd.s32 s3, s9;
	s6 =	sadd.s32 @!p0 $0x88, s6;
	s7 =	simm.s32 @p2 $0x1082  }
0x22: {  	[simem:s7], [sflag:s8] =	dma.local @!p0 [hbm:s6], $0xF7A  }
0x23: {  	s9 =	sor.u32 $0xD0000000, s2;
	s6 =	simm.s32 $0x108;
	_ =	swait.ge @!p0 [sflag:s8], $0x0  }
0x24: {  	s3 =	sadd.s32 $0x88, s3;
	s6 =	simm.s32 @!p1 $0x1082;
	[sflag:s4] =	ssyncset.s32 $0xFFFFF086  }
0x25: {  	[simem:s6], [sflag:s4] =	dma.local [hbm:s3], $0xF7A  }
0x26: {  	[smem:$0x3F9B] =	sst s1;
	(tag) =	ssettag s2;
	_ =	strace s9  }
0x27: {  	s1 =	sld [smem:$0x3FAB]  }
0x28: {  	s2 =	sld [smem:$0x3FAC]  }
0x29: {  	s4 =	sld [smem:$0x3FAE]  }
0x2a: {  	p0 =	seq.s32 s5, $0x0;
	s5 =	sld [smem:$0x3FAF]  }
0x2b: {  	s6 =	sld [smem:$0x3FB0]  }
0x2c: {  	s7 =	sld [smem:$0x3FB1]  }
0x2d: {  	s3 =	simm.s32 $0x108;
	s8 =	sld [smem:$0x3FB2]  }
0x2e: {  	s3 =	simm.s32 @!p0 $0x1082;
	s9 =	sld [smem:$0x3FB3]  }
0x2f: {  	lr =	sadd.s32 s0, s3;
	s0 =	sld [smem:$0x3FAA]  }
0x30: {  	s3 =	sld [smem:$0x3FAD]  }
0x31: {  	[smem:$0x3FB6] =	sst s10  }
0x32: {  	s10 =	sld [smem:$0x3FB4];
	_ =	sdelay $0x3  }
0x33: {  	p0 =	seq.s32 s10, $0x1;
	s10 =	sld [smem:$0x3FB6];
	_ =	sdelay $0x3  }
0x34: {  	[smem:$0x3FB6] =	sst s10  }
0x35: {  	s10 =	sld [smem:$0x3FB5];
	_ =	sdelay $0x3  }
0x36: {  	p1 =	seq.s32 s10, $0x1;
	s10 =	sld [smem:$0x3FB6];
	_ =	sdelay $0x3  }
0x37: {  	[smem:$0x3FB6] =	sst s10  }
0x38: {  	s10 =	sld [smem:$0x3FB7]  }
0x39: {  	_ = 	snop;
	(pc) =	sbr.ind lr, $3  }
0x3a: {  	_ = 	snop  }
0x3b: {  	_ = 	snop  }
0x3c: {  	p2 =	seq.s32 s10, $0x1;
	s10 =	sld [smem:$0x3FB6]  }
0x3d: {  	_ =	shalt  }
0x3e: {  	_ =	shalt  }
0x3f: {  	_ =	shalt  }
0x40: {  	_ =	shalt  }
0x41: {  	_ =	shalt  }
0x42: {  	_ =	shalt  }
0x43: {  	_ =	shalt  }
0x44: {  	_ =	shalt  }
0x45: {  	_ =	shalt  }
0x46: {  	_ =	shalt  }
0x47: {  	_ =	shalt  }
0x48: {  	_ =	shalt  }
0x49: {  	_ =	shalt  }
0x4a: {  	_ =	shalt  }
0x4b: {  	_ =	shalt  }
0x4c: {  	_ =	shalt  }
0x4d: {  	_ =	shalt  }
0x4e: {  	_ =	shalt  }
0x4f: {  	_ =	shalt  }
0x50: {  	_ =	shalt  }
0x51: {  	_ =	shalt  }
0x52: {  	_ =	shalt  }
0x53: {  	_ =	shalt  }
0x54: {  	_ =	shalt  }
0x55: {  	_ =	shalt  }
0x56: {  	_ =	shalt  }
0x57: {  	_ =	shalt  }
0x58: {  	_ =	shalt  }
0x59: {  	_ =	shalt  }
0x5a: {  	_ =	shalt  }
0x5b: {  	_ =	shalt  }
0x5c: {  	_ =	shalt  }
0x5d: {  	_ =	shalt  }
0x5e: {  	_ =	shalt  }
0x5f: {  	_ =	shalt  }
0x60: {  	_ =	shalt  }
0x61: {  	_ =	shalt  }
0x62: {  	_ =	shalt  }
0x63: {  	_ =	shalt  }
0x64: {  	_ =	shalt  }
0x65: {  	_ =	shalt  }
0x66: {  	_ =	shalt  }
0x67: {  	_ =	shalt  }
0x68: {  	_ =	shalt  }
0x69: {  	_ =	shalt  }
0x6a: {  	_ =	shalt  }
0x6b: {  	_ =	shalt  }
0x6c: {  	_ =	shalt  }
0x6d: {  	_ =	shalt  }
0x6e: {  	_ =	shalt  }
0x6f: {  	_ =	shalt  }
0x70: {  	_ =	shalt  }
0x71: {  	_ =	shalt  }
0x72: {  	_ =	shalt  }
0x73: {  	_ =	shalt  }
0x74: {  	_ =	shalt  }
0x75: {  	_ =	shalt  }
0x76: {  	_ =	shalt  }
0x77: {  	_ =	shalt  }
0x78: {  	_ =	shalt  }
0x79: {  	_ =	shalt  }
0x7a: {  	_ =	shalt  }
0x7b: {  	_ =	shalt  }
0x7c: {  	_ =	shalt  }
0x7d: {  	_ =	shalt  }
0x7e: {  	_ =	shalt  }
0x7f: {  	_ =	shalt  }
0x80: {  	_ =	shalt  }
0x81: {  	_ =	shalt  }
0x82: {  	_ =	shalt  }
0x83: {  	_ =	shalt  }
0x84: {  	_ =	shalt  }
0x85: {  	_ =	shalt  }
0x86: {  	_ =	shalt  }
0x87: {  	_ =	shalt  }
.Lfunc_end0:
.L_simem_size_0:
called_computation_lowered:
.L_overlay_start_0:
0x88: {  	s2 =	sld [smem:$0x3FD9]  }
0x89: {  	s3 =	sld [smem:$0x3FFE];
	_ =	sdelay $0x1  }
0x8a: {  	s1 =	srdreg.scid  }
0x8b: {  	s0 =	sand.u32 $0x1, s1  }
0x8c: {  	s17 =	sshll.u32 s0, $0xA;
	s2 =	sadd.s32 s3, s2  }
0x8d: {  	s2 =	sadd.s32 s2, s17  }
0x8e: {  	[smem:$0x3FC2] =	sst s2  }
0x8f: {  	_ = 	snop  }
0x90: {  	s2 =	sld [smem:$0x3FC8]  }
0x91: {  	s18 =	sld [smem:$0x3FD0];
	(tm) =	ssettm $0x1  }
0x92: {  	s4 =	sld [smem:$0x3FFB];
	_ =	sdelay $0x3  }
0x93: {  	_ =	strace s4  }
0x94: {  	s4 =	sld [smem:$0x3FFC];
	_ =	sdelay $0x3  }
0x95: {  	_ =	strace s4  }
0x96: {  	s4 =	sld [smem:$0x3FFD];
	_ =	sdelay $0x3  }
0x97: {  	_ =	strace s4  }
0x98: {  	_ =	strace $0x8FFFFFFF  }
0x99: {  	s19 =	sld [smem:$0x3FDB];
	_ =	sdelay $0x1  }
0x9a: {  	s5 =	simm.s32 $_scs_section_size  }
0x9b: {  	s6 =	simm.s32 $_size__tile_overlayer_lowered;
	s7 =	simm.s32 $_tile_overlayer_lowered  }
0x9c: {  	s22 =	simm.s32 $0x1BFF;
	s21 =	sshll.u32 s7, $0x1;
	s4 =	sadd.s32 s5, s19  }
0x9d: {  	s8 =	simm.s32 $0x0;
	s20 =	sshll.u32 s6, $0x1;
	s6 =	sadd.s32 s21, s4  }
0x9e: {  	[timem:s8], [sflag:s22] =	dma.local [hbm:s6], s20  }
0x9f: {  	_ =	swait.ge [sflag:s22], s20  }
0xa0: {  	s5 =	ssub.s32 $0x0, s20;
	[sflag:s22] =	ssyncset.done $0x0  }
0xa1: {  	[sflag:s22] =	ssyncadd.s32 s5;
	_ =	sdelay $0x1  }
0xa2: {  	s23 =	simm.s32 $0x1B8B  }
0xa3: {  	_ =	swait.ge [sflag:s23], $0x1  }
0xa4: {  	[sflag:s23] =	ssyncset.done $0x0  }
0xa5: {  	s25 =	simm.s32 $0x1B8E;
	s24 =	sld [smem:$0x3FFE];
	[sflag:s23] =	ssyncadd.s32 $0xFFFFFFFF  }
0xa6: {  	s26 =	simm.s32 $execute0_lowered;
	[smem:$0x3FD2] =	sst s25  }
0xa7: {  	s6 =	sshll.u32 s26, $0x1;
	_ =	strace $0x80000046;
	[dreg:$0x1] =	wrdreg $0xFFFFFFFF  }
0xa8: {  	s28 =	simm.s32 $_size_execute0_lowered;
	s4 =	sadd.s32 s4, s6;
	[dreg:$0x0] =	wrdreg $0x0  }
0xa9: {  	s6 =	sshll.u32 s28, $0x1;
	[dreg:$0x2] =	wrdreg s4  }
0xaa: {  	[dreg:$0x3] =	wrdreg s6  }
0xab: {  	[dreg:$0x4] =	wrdreg $0xC0  }
0xac: {  	_ =	task [dreg:s8], $0x5FFFF  }
0xad: {  	[dreg:$0x1] =	wrdreg $0xFFFFFFFF  }
0xae: {  	[dreg:$0x0] =	wrdreg $0x60  }
0xaf: {  	[dreg:$0x2] =	wrdreg s24  }
0xb0: {  	[dreg:$0x3] =	wrdreg s2  }
0xb1: {  	[dreg:$0x4] =	wrdreg s18  }
0xb2: {  	[dreg:$0x5] =	wrdreg $0x9  }
0xb3: {  	_ =	task.clear_ibuf [dreg:s8], $0x6FFFF;
	_ =	strace $0x90000046  }
0xb4: {  	s29 =	simm.s32 $0x9;
	_ =	strace $0x80000048  }
0xb5: {  	_ =	swait.ge [sflag:s29], $0x1  }
0xb6: {  	[sflag:s29] =	ssyncadd.s32 $0xFFFFFFFF  }
0xb7: {  	_ =	strace $0x90000048  }
0xb8: {  	_ =	sfence  }
0xb9: {  	s30 =	sld [smem:$0x0];
	_ =	sdelay $0x2  }
0xba: {  	s31 =	sshll.u32 s1, $0xD;
	s1 =	sshrl.u32 s1, $0x2  }
0xbb: {  	s3 =	sand.u32 $0x4000, s31;
	s1 =	sadd.s32 s1, s30  }
0xbc: {  	s0 =	sor.u32 s3, s0;
	s1 =	sshll.u32 s1, $0x11  }
0xbd: {  	s0 =	sor.u32 s1, s0  }
0xbe: {  	s0 =	sadd.s32 $0x8F2B, s0  }
0xbf: {  	[sflag:s0] =	ssyncadd.remote.s32 $0x1  }
0xc0: {  	_ =	sfence.sel $0xFFFF  }
0xc1: {  	[dreg:$0x0] =	wrdreg $0xFFFFFFFF;
	(pc) =	sbr.abs _section_cstart, $3  }
0xc2: {  	[dreg:$0x1] =	wrdreg $0xFFFFFFFF  }
0xc3: {  	_ =	task.clear_ibuf [dreg:s8], $0x2FFFF;
	_ =	strace $0x9FFFFFFF  }
0xc4: {  	(tm) =	ssettm $0x7FFFFFFF  }
0xc5: {  	_ =	shalt  }
tec
execute0_lowered:
.L_overlay_start_1:
0x0: {  	(tag) =	ssettag $0x1  }
0x1: {  	s4 =	rddreg [dreg:$0x0]  }
0x2: {  	s8 =	rddreg [dreg:$0x1]  }
0x3: {  	s0 =	srdreg.scid;
	s9 =	rddreg [dreg:$0x2]  }
0x4: {  	s1 =	stileid.u32;
	s2 =	simm.s32 $0x0;
	s13 =	simm.s32 $0x2F80  }
0x5: {  	s14 =	simm.s32 $0x3000;
	s15 =	simm.s32 $0x3080;
	s16 =	simm.s32 $0x3100  }
0x6: {  	s17 =	simm.s32 $0x80;
	s3 =	sand.u32 $0x1, s0;
	s0 =	rddreg [dreg:$0x3]  }
0x7: {  	s18 =	simm.s32 $0x400;
	s19 =	simm.s32 $0x0;
	[smem:$0x7FF] =	sst s2  }
0x8: {  	s31 =	sshll.u32 s1, $0x7;
	s5 =	sshll.u32 s3, $0x4;
	s3 =	ssub.s32 $0x2, s3  }
0x9: {  	_ =	strace $0x80000047;
	s12 =	sand.u32 $0x380, s31;
	s11 =	sor.u32 s1, s5  }
0xa: {  	s6 =	sshrl.u32 s3, $0x1;
	s5 =	smul.u32 $0x2800, s11;
	s30 =	sshrl.u32 s11, $0x3  }
0xb: {  	s10 =	ssub.s32 s3, s6;
	s6 =	sadd.s32 $0x13830, s8;
	s7 =	smul.u32 $0x13C00, s30  }
.Ltmp0:
0xc: {  	p0 =	seq.s32 s11, $0x1F;
	s11 =	simm.s32 $0x2780;
	(pc) =	sbr.rel .LBB2_1-.Ltmp0, $4  }
0xd: {  	s10 =	smax.u32 s10, $0x1;
	s29 =	sshrl.u32 s5, $0x3;
	s5 =	sadd.s32 $0x13810, s8  }
0xe: {  	s3 =	sadd.s32 s4, s29;
	s4 =	sadd.s32 $0x15980, s4;
	s12 =	sor.u32 s12, s7  }
0xf: {  	s7 =	sadd.s32 $0x13850, s8;
	s8 =	sadd.s32 $0x13870, s8;
	s12 =	sshrl.u32 s12, $0x3  }
0x10: {  	v0 =	vimm.f32 $0.0e+00;
	v1 =	vimm.f32 $1.000000000e+00;
	s3 =	sadd.s32 $0xBE80, s3;
	s9 =	sadd.s32 s9, s12;
	s12 =	simm.s32 $0x1  }
.LBB2_8:
0x11: {  	s19 =	sadd.s32 $0x1, s19  }
0x12: {  	p1 =	sne.s32 s19, s10  }
.Ltmp1:
0x13: {  	_ = 	snop;
	(pc) =	sbr.rel @!p1 .LBB2_9-.Ltmp1, $4  }
0x14: {  	[hbm4b:s9+s17] =	stream.strided.scatter [tilespmem:s2], [sflag:$0x1], $0x2780, s18, s17, $0x38;
	[tilespmem:$0x4F80] =	vst v63  }
0x15: {  	_ =	swait.ge [sflag:s12], $0x2780  }
0x16: {  	[sflag:s12] =	ssyncset.done $0x0  }
0x17: {  	[sflag:s12] =	ssyncadd.s32 $0xFFFFD880  }
.LBB2_1:
0x18: {  	s20 =	simm.s32 $0x40  }
0x19: {  	[tilespmem:s20+$0xFFFFFFC0] =	vst v0  }
0x1a: {  	[tilespmem:s20+$0x30] =	vst v0  }
0x1b: {  	[tilespmem:s20+$0x20] =	vst v0  }
0x1c: {  	[tilespmem:s20+$0x10] =	vst v0  }
0x1d: {  	[tilespmem:s20+$0x0] =	vst v0  }
0x1e: {  	[tilespmem:s20+$0xFFFFFFF0] =	vst v0  }
0x1f: {  	s21 =	simm.s32 $0x0;
	[tilespmem:s20+$0xFFFFFFE0] =	vst v0  }
.LBB2_2:
0x20: {  	s21 =	sadd.s32 $0x8, s21;
	[tilespmem:s20+$0xFFFFFFD0] =	vst v0;
	s20 =	sadd.s32 $0x80, s20  }
0x21: {  	[tilespmem:s20+$0xFFFFFFC0] =	vst v0;
	p1 =	slt.u32 s21, $0x268  }
0x22: {  	[tilespmem:s20+$0x30] =	vst v0  }
.Ltmp2:
0x23: {  	[tilespmem:s20+$0x20] =	vst v0;
	(pc) =	sbr.rel @p1 .LBB2_2-.Ltmp2, $4  }
0x24: {  	[tilespmem:s20+$0x10] =	vst v0  }
0x25: {  	[tilespmem:s20+$0x0] =	vst v0  }
0x26: {  	[tilespmem:s20+$0xFFFFFFF0] =	vst v0  }
0x27: {  	[tilespmem:s20+$0xFFFFFFE0] =	vst v0  }
.Ltmp3:
0x28: {  	(pc) =	sbr.rel @!p0 .LBB2_4-.Ltmp3, $3  }
0x29: {  	_ =	sdelay $0x1  }
0x2a: {  	[tilespmem:s20+$0xFFFFFFD0] =	vst v0  }
0x2b: {  	[tilespmem:$0x2700] =	vst v0  }
0x2c: {  	[tilespmem:s11], [sflag:$0x1] =	stream.linear.gather [hbm4b:s4+s2], $0x800, $0x38;
	[tilespmem:$0x4F80] =	vst v63  }
0x2d: {  	_ =	swait.ge [sflag:s12], $0x800  }
0x2e: {  	[sflag:s12] =	ssyncset.done $0x0  }
0x2f: {  	[sflag:s12] =	ssyncadd.s32 $0xFFFFF800  }
0x30: {  	[tilespmem:s13], [sflag:$0x1] =	stream.linear.gather [hbm4b:s5+s2], $0x80, $0x38;
	[tilespmem:$0x4F80] =	vst v63  }
0x31: {  	_ =	swait.ge [sflag:s12], $0x80  }
0x32: {  	[sflag:s12] =	ssyncset.done $0x0  }
0x33: {  	[sflag:s12] =	ssyncadd.s32 $0xFFFFFF80  }
0x34: {  	[tilespmem:s14], [sflag:$0x1] =	stream.linear.gather [hbm4b:s6+s2], $0x80, $0x38;
	[tilespmem:$0x4F80] =	vst v63  }
0x35: {  	_ =	swait.ge [sflag:s12], $0x80  }
0x36: {  	[sflag:s12] =	ssyncset.done $0x0  }
0x37: {  	[sflag:s12] =	ssyncadd.s32 $0xFFFFFF80  }
0x38: {  	[tilespmem:s15], [sflag:$0x1] =	stream.linear.gather [hbm4b:s7+s2], $0x80, $0x38;
	[tilespmem:$0x4F80] =	vst v63  }
0x39: {  	_ =	swait.ge [sflag:s12], $0x80  }
0x3a: {  	[sflag:s12] =	ssyncset.done $0x0  }
0x3b: {  	[sflag:s12] =	ssyncadd.s32 $0xFFFFFF80  }
0x3c: {  	[tilespmem:s16], [sflag:$0x1] =	stream.linear.gather [hbm4b:s8+s2], $0x80, $0x38;
	[tilespmem:$0x4F80] =	vst v63  }
0x3d: {  	_ =	swait.ge [sflag:s12], $0x80  }
0x3e: {  	[sflag:s12] =	ssyncset.done $0x0  }
0x3f: {  	s20 =	simm.s32 $0xFFFFFFFE;
	s21 =	simm.s32 $0x2800;
	[sflag:s12] =	ssyncadd.s32 $0xFFFFFF80  }
.LBB2_7:
0x40: {  	v2 =	vld [tilespmem:s21+$0xFFFFFF80];
	_ =	sdelay $0x7  }
0x41: {  	[tilespmem:v2+s2+$0x0] =	vst.idx.add.f32.msk $0xffff, v1  }
0x42: {  	v2 =	vld [tilespmem:s21+$0xFFFFFF90];
	_ =	sdelay $0x7  }
0x43: {  	[tilespmem:v2+s2+$0x0] =	vst.idx.add.f32.msk $0xffff, v1  }
0x44: {  	v2 =	vld [tilespmem:s21+$0xFFFFFFA0];
	_ =	sdelay $0x7  }
0x45: {  	[tilespmem:v2+s2+$0x0] =	vst.idx.add.f32.msk $0xffff, v1  }
0x46: {  	v2 =	vld [tilespmem:s21+$0xFFFFFFB0];
	_ =	sdelay $0x7  }
0x47: {  	[tilespmem:v2+s2+$0x0] =	vst.idx.add.f32.msk $0xffff, v1  }
0x48: {  	v2 =	vld [tilespmem:s21+$0xFFFFFFC0];
	_ =	sdelay $0x7  }
0x49: {  	[tilespmem:v2+s2+$0x0] =	vst.idx.add.f32.msk $0xffff, v1  }
0x4a: {  	v2 =	vld [tilespmem:s21+$0xFFFFFFD0];
	_ =	sdelay $0x7  }
0x4b: {  	[tilespmem:v2+s2+$0x0] =	vst.idx.add.f32.msk $0xffff, v1  }
0x4c: {  	v2 =	vld [tilespmem:s21+$0xFFFFFFE0];
	_ =	sdelay $0x7  }
0x4d: {  	[tilespmem:v2+s2+$0x0] =	vst.idx.add.f32.msk $0xffff, v1  }
0x4e: {  	v2 =	vld [tilespmem:s21+$0xFFFFFFF0];
	_ =	sdelay $0x7  }
0x4f: {  	[tilespmem:v2+s2+$0x0] =	vst.idx.add.f32.msk $0xffff, v1  }
0x50: {  	v2 =	vld [tilespmem:s21+$0x0];
	_ =	sdelay $0x7  }
0x51: {  	[tilespmem:v2+s2+$0x0] =	vst.idx.add.f32.msk $0xffff, v1  }
0x52: {  	v2 =	vld [tilespmem:s21+$0x10];
	_ =	sdelay $0x7  }
0x53: {  	[tilespmem:v2+s2+$0x0] =	vst.idx.add.f32.msk $0xffff, v1  }
0x54: {  	v2 =	vld [tilespmem:s21+$0x20];
	_ =	sdelay $0x7  }
0x55: {  	[tilespmem:v2+s2+$0x0] =	vst.idx.add.f32.msk $0xffff, v1  }
0x56: {  	v2 =	vld [tilespmem:s21+$0x30];
	_ =	sdelay $0x7  }
0x57: {  	[tilespmem:v2+s2+$0x0] =	vst.idx.add.f32.msk $0xffff, v1  }
0x58: {  	v2 =	vld [tilespmem:s21+$0x40];
	_ =	sdelay $0x7  }
0x59: {  	[tilespmem:v2+s2+$0x0] =	vst.idx.add.f32.msk $0xffff, v1  }
0x5a: {  	v2 =	vld [tilespmem:s21+$0x50];
	_ =	sdelay $0x7  }
0x5b: {  	[tilespmem:v2+s2+$0x0] =	vst.idx.add.f32.msk $0xffff, v1  }
0x5c: {  	v2 =	vld [tilespmem:s21+$0x60];
	_ =	sdelay $0x7  }
0x5d: {  	[tilespmem:v2+s2+$0x0] =	vst.idx.add.f32.msk $0xffff, v1  }
0x5e: {  	v2 =	vld [tilespmem:s21+$0x70];
	_ =	sdelay $0x1  }
0x5f: {  	s20 =	sadd.s32 $0x2, s20  }
0x60: {  	p1 =	slt.u32 s20, $0x12  }
.Ltmp4:
0x61: {  	_ = 	snop;
	(pc) =	sbr.rel @p1 .LBB2_7-.Ltmp4, $2  }
0x62: {  	_ =	sdelay $0x2  }
0x63: {  	s21 =	sadd.s32 $0x100, s21;
	[tilespmem:v2+s2+$0x0] =	vst.idx.add.f32.msk $0xffff, v1  }
.Ltmp5:
0x64: {  	_ = 	snop;
	(pc) =	sbr.rel .LBB2_8-.Ltmp5, $1  }
0x65: {  	_ =	sdelay $0x3  }
.LBB2_4:
0x66: {  	[tilespmem:s11], [sflag:$0x1] =	stream.linear.gather [hbm4b:s3+s2], $0x2800, $0x38;
	[tilespmem:$0x4F80] =	vst v63  }
0x67: {  	_ =	swait.ge [sflag:s12], $0x2800  }
0x68: {  	[sflag:s12] =	ssyncset.done $0x0  }
0x69: {  	s20 =	simm.s32 $0xFFFFFFFE;
	s21 =	simm.s32 $0x2800;
	[sflag:s12] =	ssyncadd.s32 $0xFFFFD800  }
.LBB2_5:
0x6a: {  	v2 =	vld [tilespmem:s21+$0xFFFFFF80];
	_ =	sdelay $0x7  }
0x6b: {  	[tilespmem:v2+s2+$0x0] =	vst.idx.add.f32.msk $0xffff, v1  }
0x6c: {  	v2 =	vld [tilespmem:s21+$0xFFFFFF90];
	_ =	sdelay $0x7  }
0x6d: {  	[tilespmem:v2+s2+$0x0] =	vst.idx.add.f32.msk $0xffff, v1  }
0x6e: {  	v2 =	vld [tilespmem:s21+$0xFFFFFFA0];
	_ =	sdelay $0x7  }
0x6f: {  	[tilespmem:v2+s2+$0x0] =	vst.idx.add.f32.msk $0xffff, v1  }
0x70: {  	v2 =	vld [tilespmem:s21+$0xFFFFFFB0];
	_ =	sdelay $0x7  }
0x71: {  	[tilespmem:v2+s2+$0x0] =	vst.idx.add.f32.msk $0xffff, v1  }
0x72: {  	v2 =	vld [tilespmem:s21+$0xFFFFFFC0];
	_ =	sdelay $0x7  }
0x73: {  	[tilespmem:v2+s2+$0x0] =	vst.idx.add.f32.msk $0xffff, v1  }
0x74: {  	v2 =	vld [tilespmem:s21+$0xFFFFFFD0];
	_ =	sdelay $0x7  }
0x75: {  	[tilespmem:v2+s2+$0x0] =	vst.idx.add.f32.msk $0xffff, v1  }
0x76: {  	v2 =	vld [tilespmem:s21+$0xFFFFFFE0];
	_ =	sdelay $0x7  }
0x77: {  	[tilespmem:v2+s2+$0x0] =	vst.idx.add.f32.msk $0xffff, v1  }
0x78: {  	v2 =	vld [tilespmem:s21+$0xFFFFFFF0];
	_ =	sdelay $0x7  }
0x79: {  	[tilespmem:v2+s2+$0x0] =	vst.idx.add.f32.msk $0xffff, v1  }
0x7a: {  	v2 =	vld [tilespmem:s21+$0x0];
	_ =	sdelay $0x7  }
0x7b: {  	[tilespmem:v2+s2+$0x0] =	vst.idx.add.f32.msk $0xffff, v1  }
0x7c: {  	v2 =	vld [tilespmem:s21+$0x10];
	_ =	sdelay $0x7  }
0x7d: {  	[tilespmem:v2+s2+$0x0] =	vst.idx.add.f32.msk $0xffff, v1  }
0x7e: {  	v2 =	vld [tilespmem:s21+$0x20];
	_ =	sdelay $0x7  }
0x7f: {  	[tilespmem:v2+s2+$0x0] =	vst.idx.add.f32.msk $0xffff, v1  }
0x80: {  	v2 =	vld [tilespmem:s21+$0x30];
	_ =	sdelay $0x7  }
0x81: {  	[tilespmem:v2+s2+$0x0] =	vst.idx.add.f32.msk $0xffff, v1  }
0x82: {  	v2 =	vld [tilespmem:s21+$0x40];
	_ =	sdelay $0x7  }
0x83: {  	[tilespmem:v2+s2+$0x0] =	vst.idx.add.f32.msk $0xffff, v1  }
0x84: {  	v2 =	vld [tilespmem:s21+$0x50];
	_ =	sdelay $0x7  }
0x85: {  	[tilespmem:v2+s2+$0x0] =	vst.idx.add.f32.msk $0xffff, v1  }
0x86: {  	v2 =	vld [tilespmem:s21+$0x60];
	_ =	sdelay $0x7  }
0x87: {  	[tilespmem:v2+s2+$0x0] =	vst.idx.add.f32.msk $0xffff, v1  }
0x88: {  	v2 =	vld [tilespmem:s21+$0x70];
	_ =	sdelay $0x1  }
0x89: {  	s20 =	sadd.s32 $0x2, s20  }
0x8a: {  	p1 =	slt.u32 s20, $0x4E  }
.Ltmp6:
0x8b: {  	_ = 	snop;
	(pc) =	sbr.rel @p1 .LBB2_5-.Ltmp6, $2  }
0x8c: {  	_ =	sdelay $0x2  }
0x8d: {  	s21 =	sadd.s32 $0x100, s21;
	[tilespmem:v2+s2+$0x0] =	vst.idx.add.f32.msk $0xffff, v1  }
.Ltmp7:
0x8e: {  	_ = 	snop;
	(pc) =	sbr.rel .LBB2_8-.Ltmp7, $1  }
0x8f: {  	_ =	sdelay $0x3  }
.LBB2_9:
0x90: {  	_ =	sfence.sel $0x180000  }
0x91: {  	[bflag:$0x0] =	sbarrier.arrive $0xFFFF  }
0x92: {  	p0 =	sne.s32 s1, $0x0;
	_ =	strace $0x90000047  }
0x93: {  	s0 =	sadd.s32 @!p0 $0x100000, s0;
	[bflag:$0x2] =	sbarrier.arrive $0xFFFF  }
0x94: {  	[sflag:s0] =	ssyncadd.tile.s32 @!p0 $0x1;
	_ =	shalt  }
.Lfunc_end2:
_tile_overlayer_lowered:
.L_overlay_start_2:
0x95: {  	(tag) =	ssettag $0x2  }
0x96: {  	s0 =	rddreg [dreg:$0x0];
	s2 =	stileid.u32  }
0x97: {  	s1 =	rddreg [dreg:$0x1];
	p0 =	sne.s32 s2, $0x0  }
0x98: {  	s3 =	rddreg [dreg:$0x2];
	[bflag:$0x3] =	sbarrier.arrive $0xFFFF;
	s2 =	simm.s32 @!p0 $0x1C01  }
0x99: {  	[timem:s3], [sflag:s2] =	dma.local @!p0 [hbm:s0], s1  }
0x9a: {  	s0 =	simm.s32 @!p0 $0x1  }
0x9b: {  	_ =	swait.ge @!p0 [sflag:s0], s1  }
0x9c: {  	s1 =	ssub.s32 @!p0 $0x0, s1;
	[sflag:s0] =	ssyncset.done @!p0 $0x0  }
0x9d: {  	[sflag:s0] =	ssyncadd.s32 @!p0 s1  }
0x9e: {  	[bflag:$0x3] =	sbarrier.arrive $0xFFFF  }
0x9f: {  	_ =	shalt  }

// kernel: kernel.9.cloned.1.call-start
scs
__scs_entry_jumppad:
0x0: {  	(pc) =	sbr.rel $0x88, $3  }
0x1: {  	(tag) =	ssettag $0x0;
	lr =	simm.s32 $0x1  }
0x2: {  	[smem:$0x3F9B] =	sst lr;
	_ =	strace $0xD0000000  }
0x3: {  	_ = 	snop  }
0x4: {  	_ = 	snop  }
0x5: {  	_ = 	snop  }
0x6: {  	_ = 	snop  }
0x7: {  	_ = 	snop  }
__scs_overlays_trampoline_lowered:
0x8: {  	[smem:$0x3FAA] =	sst s0  }
0x9: {  	[smem:$0x3FAB] =	sst s1  }
0xa: {  	[smem:$0x3FAC] =	sst s2  }
0xb: {  	[smem:$0x3FAD] =	sst s3  }
0xc: {  	[smem:$0x3FAE] =	sst s4  }
0xd: {  	[smem:$0x3FAF] =	sst s5  }
0xe: {  	[smem:$0x3FB0] =	sst s6  }
0xf: {  	[smem:$0x3FB1] =	sst s7  }
0x10: {  	[smem:$0x3FB2] =	sst s8  }
0x11: {  	[smem:$0x3FB3] =	sst s9;
	s0 =	simm.s32 @!p0 $0x0  }
0x12: {  	s1 =	sld [smem:$0x3F99];
	s0 =	simm.s32 @p0 $0x1  }
0x13: {  	[smem:$0x3FB4] =	sst s0;
	s0 =	simm.s32 @!p1 $0x0  }
0x14: {  	s2 =	sld [smem:$0x3F98];
	s0 =	simm.s32 @p1 $0x1  }
0x15: {  	[smem:$0x3FB5] =	sst s0;
	s0 =	simm.s32 @!p2 $0x0  }
0x16: {  	s3 =	sld [smem:$0x3FDB];
	s0 =	simm.s32 @p2 $0x1  }
0x17: {  	s4 =	simm.s32 $0x1BF5;
	[smem:$0x3FB7] =	sst s0  }
0x18: {  	s0 =	sld [smem:$0x3F9A];
	_ =	swait.ge [sflag:s4], $0x0  }
0x19: {  	s7 =	sld [smem:$0x3F9B]  }
0x1a: {  	s8 =	sadd.s32 $0xFFFFE003, lr  }
0x1b: {  	s9 =	sadd.s32 $0xFFFFFEF7, lr;
	s5 =	simm.s32 $0xFFFFFFFF;
	p2 =	slt.u32 s8, $0xFFFFF086  }
0x1c: {  	p1 =	slt.u32 s9, $0xF7A;
	s5 =	simm.s32 @!p2 $0x0  }
0x1d: {  	s5 =	simm.s32 @p1 $0x1;
	p0 =	seq.s32 s7, s2  }
0x1e: {  	s7 =	smul.u32 @!p0 $0xF7A, s2;
	p2 =	seq.s32 @!p0 s5, $0x0  }
0x1f: {  	s9 =	smul.u32 $0xF7A, s1;
	s8 =	simm.s32 @!p0 $0x1BF5;
	p2 =	por !p2, p0  }
0x20: {  	[sflag:s8] =	ssyncset.s32 @!p0 $0xFFFFF086;
	s6 =	sadd.s32 @!p0 s3, s7;
	s7 =	simm.s32 @!p0 $0x108  }
0x21: {  	s3 =	sadd.s32 s3, s9;
	s6 =	sadd.s32 @!p0 $0x88, s6;
	s7 =	simm.s32 @p2 $0x1082  }
0x22: {  	[simem:s7], [sflag:s8] =	dma.local @!p0 [hbm:s6], $0xF7A  }
0x23: {  	s9 =	sor.u32 $0xD0000000, s2;
	s6 =	simm.s32 $0x108;
	_ =	swait.ge @!p0 [sflag:s8], $0x0  }
0x24: {  	s3 =	sadd.s32 $0x88, s3;
	s6 =	simm.s32 @!p1 $0x1082;
	[sflag:s4] =	ssyncset.s32 $0xFFFFF086  }
0x25: {  	[simem:s6], [sflag:s4] =	dma.local [hbm:s3], $0xF7A  }
0x26: {  	[smem:$0x3F9B] =	sst s1;
	(tag) =	ssettag s2;
	_ =	strace s9  }
0x27: {  	s1 =	sld [smem:$0x3FAB]  }
0x28: {  	s2 =	sld [smem:$0x3FAC]  }
0x29: {  	s4 =	sld [smem:$0x3FAE]  }
0x2a: {  	p0 =	seq.s32 s5, $0x0;
	s5 =	sld [smem:$0x3FAF]  }
0x2b: {  	s6 =	sld [smem:$0x3FB0]  }
0x2c: {  	s7 =	sld [smem:$0x3FB1]  }
0x2d: {  	s3 =	simm.s32 $0x108;
	s8 =	sld [smem:$0x3FB2]  }
0x2e: {  	s3 =	simm.s32 @!p0 $0x1082;
	s9 =	sld [smem:$0x3FB3]  }
0x2f: {  	lr =	sadd.s32 s0, s3;
	s0 =	sld [smem:$0x3FAA]  }
0x30: {  	s3 =	sld [smem:$0x3FAD]  }
0x31: {  	[smem:$0x3FB6] =	sst s10  }
0x32: {  	s10 =	sld [smem:$0x3FB4];
	_ =	sdelay $0x3  }
0x33: {  	p0 =	seq.s32 s10, $0x1;
	s10 =	sld [smem:$0x3FB6];
	_ =	sdelay $0x3  }
0x34: {  	[smem:$0x3FB6] =	sst s10  }
0x35: {  	s10 =	sld [smem:$0x3FB5];
	_ =	sdelay $0x3  }
0x36: {  	p1 =	seq.s32 s10, $0x1;
	s10 =	sld [smem:$0x3FB6];
	_ =	sdelay $0x3  }
0x37: {  	[smem:$0x3FB6] =	sst s10  }
0x38: {  	s10 =	sld [smem:$0x3FB7]  }
0x39: {  	_ = 	snop;
	(pc) =	sbr.ind lr, $3  }
0x3a: {  	_ = 	snop  }
0x3b: {  	_ = 	snop  }
0x3c: {  	p2 =	seq.s32 s10, $0x1;
	s10 =	sld [smem:$0x3FB6]  }
0x3d: {  	_ =	shalt  }
0x3e: {  	_ =	shalt  }
0x3f: {  	_ =	shalt  }
0x40: {  	_ =	shalt  }
0x41: {  	_ =	shalt  }
0x42: {  	_ =	shalt  }
0x43: {  	_ =	shalt  }
0x44: {  	_ =	shalt  }
0x45: {  	_ =	shalt  }
0x46: {  	_ =	shalt  }
0x47: {  	_ =	shalt  }
0x48: {  	_ =	shalt  }
0x49: {  	_ =	shalt  }
0x4a: {  	_ =	shalt  }
0x4b: {  	_ =	shalt  }
0x4c: {  	_ =	shalt  }
0x4d: {  	_ =	shalt  }
0x4e: {  	_ =	shalt  }
0x4f: {  	_ =	shalt  }
0x50: {  	_ =	shalt  }
0x51: {  	_ =	shalt  }
0x52: {  	_ =	shalt  }
0x53: {  	_ =	shalt  }
0x54: {  	_ =	shalt  }
0x55: {  	_ =	shalt  }
0x56: {  	_ =	shalt  }
0x57: {  	_ =	shalt  }
0x58: {  	_ =	shalt  }
0x59: {  	_ =	shalt  }
0x5a: {  	_ =	shalt  }
0x5b: {  	_ =	shalt  }
0x5c: {  	_ =	shalt  }
0x5d: {  	_ =	shalt  }
0x5e: {  	_ =	shalt  }
0x5f: {  	_ =	shalt  }
0x60: {  	_ =	shalt  }
0x61: {  	_ =	shalt  }
0x62: {  	_ =	shalt  }
0x63: {  	_ =	shalt  }
0x64: {  	_ =	shalt  }
0x65: {  	_ =	shalt  }
0x66: {  	_ =	shalt  }
0x67: {  	_ =	shalt  }
0x68: {  	_ =	shalt  }
0x69: {  	_ =	shalt  }
0x6a: {  	_ =	shalt  }
0x6b: {  	_ =	shalt  }
0x6c: {  	_ =	shalt  }
0x6d: {  	_ =	shalt  }
0x6e: {  	_ =	shalt  }
0x6f: {  	_ =	shalt  }
0x70: {  	_ =	shalt  }
0x71: {  	_ =	shalt  }
0x72: {  	_ =	shalt  }
0x73: {  	_ =	shalt  }
0x74: {  	_ =	shalt  }
0x75: {  	_ =	shalt  }
0x76: {  	_ =	shalt  }
0x77: {  	_ =	shalt  }
0x78: {  	_ =	shalt  }
0x79: {  	_ =	shalt  }
0x7a: {  	_ =	shalt  }
0x7b: {  	_ =	shalt  }
0x7c: {  	_ =	shalt  }
0x7d: {  	_ =	shalt  }
0x7e: {  	_ =	shalt  }
0x7f: {  	_ =	shalt  }
0x80: {  	_ =	shalt  }
0x81: {  	_ =	shalt  }
0x82: {  	_ =	shalt  }
0x83: {  	_ =	shalt  }
0x84: {  	_ =	shalt  }
0x85: {  	_ =	shalt  }
0x86: {  	_ =	shalt  }
0x87: {  	_ =	shalt  }
.Lfunc_end0:
.L_simem_size_0:
called_computation.1_lowered:
.L_overlay_start_0:
0x88: {  	s2 =	sld [smem:$0x3FD9]  }
0x89: {  	s3 =	sld [smem:$0x3FFE];
	_ =	sdelay $0x1  }
0x8a: {  	s1 =	srdreg.scid  }
0x8b: {  	s0 =	sand.u32 $0x1, s1  }
0x8c: {  	s17 =	sshll.u32 s0, $0xA;
	s2 =	sadd.s32 s3, s2  }
0x8d: {  	s2 =	sadd.s32 s2, s17  }
0x8e: {  	[smem:$0x3FC2] =	sst s2  }
0x8f: {  	_ = 	snop  }
0x90: {  	s2 =	sld [smem:$0x3FC8]  }
0x91: {  	s18 =	sld [smem:$0x3FD0];
	(tm) =	ssettm $0x1  }
0x92: {  	s4 =	sld [smem:$0x3FFB];
	_ =	sdelay $0x3  }
0x93: {  	_ =	strace s4  }
0x94: {  	s4 =	sld [smem:$0x3FFC];
	_ =	sdelay $0x3  }
0x95: {  	_ =	strace s4  }
0x96: {  	s4 =	sld [smem:$0x3FFD];
	_ =	sdelay $0x3  }
0x97: {  	_ =	strace s4  }
0x98: {  	_ =	strace $0x8FFFFFFF  }
0x99: {  	s19 =	sld [smem:$0x3FDB];
	_ =	sdelay $0x1  }
0x9a: {  	s5 =	simm.s32 $_scs_section_size  }
0x9b: {  	s6 =	simm.s32 $_size__tile_overlayer_lowered;
	s7 =	simm.s32 $_tile_overlayer_lowered  }
0x9c: {  	s22 =	simm.s32 $0x1BFF;
	s21 =	sshll.u32 s7, $0x1;
	s4 =	sadd.s32 s5, s19  }
0x9d: {  	s8 =	simm.s32 $0x0;
	s20 =	sshll.u32 s6, $0x1;
	s6 =	sadd.s32 s21, s4  }
0x9e: {  	[timem:s8], [sflag:s22] =	dma.local [hbm:s6], s20  }
0x9f: {  	_ =	swait.ge [sflag:s22], s20  }
0xa0: {  	s5 =	ssub.s32 $0x0, s20;
	[sflag:s22] =	ssyncset.done $0x0  }
0xa1: {  	[sflag:s22] =	ssyncadd.s32 s5;
	_ =	sdelay $0x1  }
0xa2: {  	s23 =	simm.s32 $0x1B8B  }
0xa3: {  	_ =	swait.ge [sflag:s23], $0x1  }
0xa4: {  	[sflag:s23] =	ssyncset.done $0x0  }
0xa5: {  	s25 =	simm.s32 $0x1B8E;
	s24 =	sld [smem:$0x3FFE];
	[sflag:s23] =	ssyncadd.s32 $0xFFFFFFFF  }
0xa6: {  	s26 =	simm.s32 $execute0_lowered;
	[smem:$0x3FD2] =	sst s25  }
0xa7: {  	s6 =	sshll.u32 s26, $0x1;
	_ =	strace $0x80000049;
	[dreg:$0x1] =	wrdreg $0xFFFFFFFF  }
0xa8: {  	s28 =	simm.s32 $_size_execute0_lowered;
	s4 =	sadd.s32 s4, s6;
	[dreg:$0x0] =	wrdreg $0x0  }
0xa9: {  	s6 =	sshll.u32 s28, $0x1;
	[dreg:$0x2] =	wrdreg s4  }
0xaa: {  	[dreg:$0x3] =	wrdreg s6  }
0xab: {  	[dreg:$0x4] =	wrdreg $0xC0  }
0xac: {  	_ =	task [dreg:s8], $0x5FFFF  }
0xad: {  	[dreg:$0x1] =	wrdreg $0xFFFFFFFF  }
0xae: {  	[dreg:$0x0] =	wrdreg $0x60  }
0xaf: {  	[dreg:$0x2] =	wrdreg s18  }
0xb0: {  	[dreg:$0x3] =	wrdreg s24  }
0xb1: {  	[dreg:$0x4] =	wrdreg s2  }
0xb2: {  	[dreg:$0x5] =	wrdreg $0x0  }
0xb3: {  	[dreg:$0x6] =	wrdreg $0x9  }
0xb4: {  	_ =	task.clear_ibuf [dreg:s8], $0x7FFFF;
	_ =	strace $0x90000049  }
0xb5: {  	s29 =	simm.s32 $0x9;
	_ =	strace $0x8000004B  }
0xb6: {  	_ =	swait.ge [sflag:s29], $0x1  }
0xb7: {  	[sflag:s29] =	ssyncadd.s32 $0xFFFFFFFF  }
0xb8: {  	_ =	strace $0x9000004B  }
0xb9: {  	_ =	sfence  }
0xba: {  	s30 =	sld [smem:$0x0];
	_ =	sdelay $0x2  }
0xbb: {  	s31 =	sshll.u32 s1, $0xD;
	s1 =	sshrl.u32 s1, $0x2  }
0xbc: {  	s3 =	sand.u32 $0x4000, s31;
	s1 =	sadd.s32 s1, s30  }
0xbd: {  	s0 =	sor.u32 s3, s0;
	s1 =	sshll.u32 s1, $0x11  }
0xbe: {  	s0 =	sor.u32 s1, s0  }
0xbf: {  	s0 =	sadd.s32 $0x8F2B, s0  }
0xc0: {  	[sflag:s0] =	ssyncadd.remote.s32 $0x1  }
0xc1: {  	_ =	sfence.sel $0xFFFF  }
0xc2: {  	[dreg:$0x0] =	wrdreg $0xFFFFFFFF;
	(pc) =	sbr.abs _section_cstart, $3  }
0xc3: {  	[dreg:$0x1] =	wrdreg $0xFFFFFFFF  }
0xc4: {  	_ =	task.clear_ibuf [dreg:s8], $0x2FFFF;
	_ =	strace $0x9FFFFFFF  }
0xc5: {  	(tm) =	ssettm $0x7FFFFFFF  }
tec
execute0_lowered:
.L_overlay_start_1:
0x0: {  	(tag) =	ssettag $0x1  }
0x1: {  	s0 =	rddreg [dreg:$0x0]  }
0x2: {  	s1 =	srdreg.scid;
	s8 =	rddreg [dreg:$0x1]  }
0x3: {  	s9 =	rddreg [dreg:$0x2];
	s2 =	stileid.u32  }
0x4: {  	s3 =	rddreg [dreg:$0x3];
	s29 =	simm.s32 $0x13880;
	s30 =	simm.s32 $0x3  }
0x5: {  	s31 =	simm.s32 $0x1B880;
	s1 =	sand.u32 $0x1, s1;
	s6 =	smul.u32 $0x4E000, s2  }
0x6: {  	s12 =	sadd.s32 $0x15C00, s8;
	s16 =	sadd.s32 $0xBD00, s8;
	s17 =	smul.u32 $0x13800, s2  }
0x7: {  	s18 =	sadd.s32 $0x13800, s9;
	s19 =	sadd.s32 $0x13810, s9;
	s4 =	sshll.u32 s1, $0x4  }
0x8: {  	s20 =	sadd.s32 $0x13820, s9;
	s10 =	sor.u32 s2, s4;
	s4 =	simm.s32 $0x0  }
0x9: {  	s21 =	sadd.s32 $0x13830, s9;
	s23 =	sadd.s32 $0x13840, s9;
	[smem:$0x7FF] =	sst s4  }
0xa: {  	s24 =	sadd.s32 $0x13850, s9;
	_ =	strace $0x8000004A;
	[dreg:$0x9] =	wrdreg s16  }
0xb: {  	p0 =	sne.s32 s2, $0x0;
	s7 =	ssub.s32 $0x2, s1;
	[dreg:$0xb] =	wrdreg s18  }
0xc: {  	s1 =	smul.u32 $0x138800, s1;
	s25 =	sshrl.u32 s7, $0x1;
	[dreg:$0xc] =	wrdreg s19  }
0xd: {  	s6 =	sshrl.u32 s6, $0x2;
	s5 =	smul.u32 $0x2800, s10;
	[dreg:$0xd] =	wrdreg s20  }
0xe: {  	s13 =	ssub.s32 s7, s25;
	s22 =	sadd.s32 s17, s1;
	[dreg:$0xe] =	wrdreg s21  }
0xf: {  	s1 =	sshrl.u32 s1, $0x3;
	s25 =	sadd.s32 $0x13860, s9;
	[dreg:$0xf] =	wrdreg s23  }
0x10: {  	p1 =	seq.s32 s10, $0x1F;
	s17 =	simm.s32 $0x0;
	[dreg:$0x10] =	wrdreg s24  }
0x11: {  	s1 =	sadd.s32 s12, s1;
	[dreg:$0x11] =	wrdreg s25;
	s24 =	smax.u32 s13, $0x1  }
0x12: {  	s13 =	simm.s32 $0x80;
	s16 =	simm.s32 $0x2;
	s21 =	simm.s32 $0x1D500  }
0x13: {  	s5 =	sshrl.u32 s5, $0x3;
	s23 =	sadd.s32 $0x27000, s1;
	s1 =	sadd.s32 $0x138000, s3  }
0x14: {  	s11 =	sadd.s32 s5, s8;
	s5 =	sadd.s32 s6, s3;
	s8 =	sadd.s32 $0x15980, s8  }
0x15: {  	s25 =	sshrl.u32 @!p0 s1, $0x3;
	s1 =	simm.s32 $0x1CC80;
	s6 =	sadd.s32 $0x4000, s5  }
0x16: {  	s7 =	sadd.s32 $0x8000, s5;
	s14 =	sadd.s32 $0x2200, s11;
	[dreg:$0xa] =	wrdreg s8  }
0x17: {  	s26 =	sadd.s32 $0xBE80, s11;
	s15 =	sadd.s32 $0x2480, s11;
	[dreg:$0x5] =	wrdreg s14  }
.Ltmp0:
0x18: {  	s11 =	sadd.s32 $0xC100, s11;
	[dreg:$0x6] =	wrdreg s26;
	(pc) =	sbr.rel .LBB2_1-.Ltmp0, $4  }
0x19: {  	s8 =	sshrl.u32 s22, $0x3;
	s28 =	sadd.s32 $0x10000, s5;
	[dreg:$0x7] =	wrdreg s15  }
0x1a: {  	s22 =	simm.s32 $0x1C180;
	[dreg:$0x8] =	wrdreg s11;
	s20 =	sadd.s32 s12, s8  }
0x1b: {  	s26 =	sadd.s32 $0x13870, s9;
	s14 =	simm.s32 $0x17880;
	s15 =	simm.s32 $0x1  }
0x1c: {  	v0 =	vimm.f32 $0.0e+00;
	s11 =	simm.s32 $0x1C100;
	[dreg:$0x12] =	wrdreg s26;
	s26 =	sadd.s32 $0xC000, s5  }
.LBB2_10:
0x1d: {  	s8 =	rddreg [dreg:$0x9]  }
0x1e: {  	[tilespmem:s31], [sflag:$0x3] =	stream.linear.gather [hbm4b:s8+s4], $0x800, $0x38;
	[tilespmem:$0x1E080] =	vst v63  }
0x1f: {  	_ =	swait.ge [sflag:s30], $0x800  }
0x20: {  	[sflag:s30] =	ssyncset.done $0x0  }
0x21: {  	s10 =	rddreg [dreg:$0xa];
	[sflag:s30] =	ssyncadd.s32 $0xFFFFF800  }
0x22: {  	[tilespmem:s1], [sflag:$0x3] =	stream.linear.gather [hbm4b:s10+s4], $0x800, $0x38;
	[tilespmem:$0x1E080] =	vst v63  }
0x23: {  	_ =	swait.ge [sflag:s30], $0x800  }
0x24: {  	[sflag:s30] =	ssyncset.done $0x0  }
0x25: {  	s9 =	simm.s32 $0x1C080;
	s12 =	rddreg [dreg:$0xb];
	[sflag:s30] =	ssyncadd.s32 $0xFFFFF800  }
0x26: {  	[tilespmem:s9], [sflag:$0x3] =	stream.linear.gather [hbm4b:s12+s4], $0x80, $0x38;
	[tilespmem:$0x1E080] =	vst v63  }
0x27: {  	_ =	swait.ge [sflag:s30], $0x80  }
0x28: {  	[sflag:s30] =	ssyncset.done $0x0  }
0x29: {  	s10 =	simm.s32 $0x1D480;
	s18 =	rddreg [dreg:$0xc];
	[sflag:s30] =	ssyncadd.s32 $0xFFFFFF80  }
0x2a: {  	[tilespmem:s10], [sflag:$0x3] =	stream.linear.gather [hbm4b:s18+s4], $0x80, $0x38;
	[tilespmem:$0x1E080] =	vst v63  }
0x2b: {  	_ =	swait.ge [sflag:s30], $0x80  }
0x2c: {  	[sflag:s30] =	ssyncset.done $0x0  }
0x2d: {  	s19 =	rddreg [dreg:$0xd];
	[sflag:s30] =	ssyncadd.s32 $0xFFFFFF80  }
0x2e: {  	[tilespmem:s11], [sflag:$0x3] =	stream.linear.gather [hbm4b:s19+s4], $0x80, $0x38;
	[tilespmem:$0x1E080] =	vst v63  }
0x2f: {  	_ =	swait.ge [sflag:s30], $0x80  }
0x30: {  	[sflag:s30] =	ssyncset.done $0x0  }
0x31: {  	s12 =	rddreg [dreg:$0xe];
	[sflag:s30] =	ssyncadd.s32 $0xFFFFFF80  }
0x32: {  	[tilespmem:s21], [sflag:$0x3] =	stream.linear.gather [hbm4b:s12+s4], $0x80, $0x38;
	[tilespmem:$0x1E080] =	vst v63  }
0x33: {  	_ =	swait.ge [sflag:s30], $0x80  }
0x34: {  	[sflag:s30] =	ssyncset.done $0x0  }
0x35: {  	s18 =	rddreg [dreg:$0xf];
	[sflag:s30] =	ssyncadd.s32 $0xFFFFFF80  }
0x36: {  	[tilespmem:s22], [sflag:$0x3] =	stream.linear.gather [hbm4b:s18+s4], $0x80, $0x38;
	[tilespmem:$0x1E080] =	vst v63  }
0x37: {  	_ =	swait.ge [sflag:s30], $0x80  }
0x38: {  	[sflag:s30] =	ssyncset.done $0x0  }
0x39: {  	s18 =	simm.s32 $0x1D580;
	s19 =	rddreg [dreg:$0x10];
	[sflag:s30] =	ssyncadd.s32 $0xFFFFFF80  }
0x3a: {  	[tilespmem:s18], [sflag:$0x3] =	stream.linear.gather [hbm4b:s19+s4], $0x80, $0x38;
	[tilespmem:$0x1E080] =	vst v63  }
0x3b: {  	_ =	swait.ge [sflag:s30], $0x80  }
0x3c: {  	[sflag:s30] =	ssyncset.done $0x0  }
0x3d: {  	s19 =	simm.s32 $0x1C200;
	s12 =	rddreg [dreg:$0x11];
	[sflag:s30] =	ssyncadd.s32 $0xFFFFFF80  }
0x3e: {  	[tilespmem:s19], [sflag:$0x3] =	stream.linear.gather [hbm4b:s12+s4], $0x80, $0x38;
	[tilespmem:$0x1E080] =	vst v63  }
0x3f: {  	_ =	swait.ge [sflag:s30], $0x80  }
0x40: {  	[sflag:s30] =	ssyncset.done $0x0  }
0x41: {  	s8 =	simm.s32 $0x1D600;
	s12 =	rddreg [dreg:$0x12];
	[sflag:s30] =	ssyncadd.s32 $0xFFFFFF80  }
0x42: {  	[tilespmem:s8], [sflag:$0x3] =	stream.linear.gather [hbm4b:s12+s4], $0x80, $0x38;
	[tilespmem:$0x1E080] =	vst v63  }
0x43: {  	_ =	swait.ge [sflag:s30], $0x80  }
0x44: {  	[sflag:s30] =	ssyncset.done $0x0  }
0x45: {  	[sflag:s30] =	ssyncadd.s32 $0xFFFFFF80  }
0x46: {  	[tilespmem:s29], [sflag:$0x1] =	stream.indirect.gather [hbm4b:s0+s13], $0x80, s31, s13, $0xb8;
	[tilespmem:$0x1E080] =	vst v63  }
0x47: {  	s12 =	simm.s32 $0x1B900  }
0x48: {  	[tilespmem:s14], [sflag:$0x2] =	stream.indirect.gather [hbm4b:s0+s13], $0x80, s12, s13, $0xb8;
	[tilespmem:$0x1E080] =	vst v63  }
0x49: {  	_ =	swait.ge [sflag:s15], $0x4000  }
0x4a: {  	[sflag:s15] =	ssyncset.done $0x0  }
0x4b: {  	[sflag:s15] =	ssyncadd.s32 $0xFFFFC000  }
0x4c: {  	[spmem:s3] =	stream.indirect.scatter.add.f32 [tilespmem:s29], [sflag:$0x3], $0x80, s1, s13, $0xb8;
	[tilespmem:$0x1E080] =	vst v63  }
0x4d: {  	_ =	swait.ge [sflag:s30], $0x4000  }
0x4e: {  	[sflag:s30] =	ssyncset.done $0x0  }
0x4f: {  	s12 =	simm.s32 $0x1B980;
	[sflag:s30] =	ssyncadd.s32 $0xFFFFC000  }
0x50: {  	[tilespmem:s29], [sflag:$0x1] =	stream.indirect.gather [hbm4b:s0+s13], $0x80, s12, s13, $0xb8;
	[tilespmem:$0x1E080] =	vst v63  }
0x51: {  	_ =	swait.ge [sflag:s16], $0x4000  }
0x52: {  	[sflag:s16] =	ssyncset.done $0x0  }
0x53: {  	s12 =	simm.s32 $0x1CD00;
	[sflag:s16] =	ssyncadd.s32 $0xFFFFC000  }
0x54: {  	[spmem:s3] =	stream.indirect.scatter.add.f32 [tilespmem:s14], [sflag:$0x3], $0x80, s12, s13, $0xb8;
	[tilespmem:$0x1E080] =	vst v63  }
0x55: {  	_ =	swait.ge [sflag:s30], $0x4000  }
0x56: {  	[sflag:s30] =	ssyncset.done $0x0  }
0x57: {  	s12 =	simm.s32 $0x1BA00;
	[sflag:s30] =	ssyncadd.s32 $0xFFFFC000  }
0x58: {  	[tilespmem:s14], [sflag:$0x2] =	stream.indirect.gather [hbm4b:s0+s13], $0x80, s12, s13, $0xb8;
	[tilespmem:$0x1E080] =	vst v63  }
0x59: {  	_ =	swait.ge [sflag:s15], $0x4000  }
0x5a: {  	[sflag:s15] =	ssyncset.done $0x0  }
0x5b: {  	s12 =	simm.s32 $0x1CD80;
	[sflag:s15] =	ssyncadd.s32 $0xFFFFC000  }
0x5c: {  	[spmem:s3] =	stream.indirect.scatter.add.f32 [tilespmem:s29], [sflag:$0x3], $0x80, s12, s13, $0xb8;
	[tilespmem:$0x1E080] =	vst v63  }
0x5d: {  	_ =	swait.ge [sflag:s30], $0x4000  }
0x5e: {  	[sflag:s30] =	ssyncset.done $0x0  }
0x5f: {  	s12 =	simm.s32 $0x1BA80;
	[sflag:s30] =	ssyncadd.s32 $0xFFFFC000  }
0x60: {  	[tilespmem:s29], [sflag:$0x1] =	stream.indirect.gather [hbm4b:s0+s13], $0x80, s12, s13, $0xb8;
	[tilespmem:$0x1E080] =	vst v63  }
0x61: {  	_ =	swait.ge [sflag:s16], $0x4000  }
0x62: {  	[sflag:s16] =	ssyncset.done $0x0  }
0x63: {  	s12 =	simm.s32 $0x1CE00;
	[sflag:s16] =	ssyncadd.s32 $0xFFFFC000  }
0x64: {  	[spmem:s3] =	stream.indirect.scatter.add.f32 [tilespmem:s14], [sflag:$0x3], $0x80, s12, s13, $0xb8;
	[tilespmem:$0x1E080] =	vst v63  }
0x65: {  	_ =	swait.ge [sflag:s30], $0x4000  }
0x66: {  	[sflag:s30] =	ssyncset.done $0x0  }
0x67: {  	s12 =	simm.s32 $0x1BB00;
	[sflag:s30] =	ssyncadd.s32 $0xFFFFC000  }
0x68: {  	[tilespmem:s14], [sflag:$0x2] =	stream.indirect.gather [hbm4b:s0+s13], $0x80, s12, s13, $0xb8;
	[tilespmem:$0x1E080] =	vst v63  }
0x69: {  	_ =	swait.ge [sflag:s15], $0x4000  }
0x6a: {  	[sflag:s15] =	ssyncset.done $0x0  }
0x6b: {  	s12 =	simm.s32 $0x1CE80;
	[sflag:s15] =	ssyncadd.s32 $0xFFFFC000  }
0x6c: {  	[spmem:s3] =	stream.indirect.scatter.add.f32 [tilespmem:s29], [sflag:$0x3], $0x80, s12, s13, $0xb8;
	[tilespmem:$0x1E080] =	vst v63  }
0x6d: {  	_ =	swait.ge [sflag:s30], $0x4000  }
0x6e: {  	[sflag:s30] =	ssyncset.done $0x0  }
0x6f: {  	s12 =	simm.s32 $0x1BB80;
	[sflag:s30] =	ssyncadd.s32 $0xFFFFC000  }
0x70: {  	[tilespmem:s29], [sflag:$0x1] =	stream.indirect.gather [hbm4b:s0+s13], $0x80, s12, s13, $0xb8;
	[tilespmem:$0x1E080] =	vst v63  }
0x71: {  	_ =	swait.ge [sflag:s16], $0x4000  }
0x72: {  	[sflag:s16] =	ssyncset.done $0x0  }
0x73: {  	s12 =	simm.s32 $0x1CF00;
	[sflag:s16] =	ssyncadd.s32 $0xFFFFC000  }
0x74: {  	[spmem:s3] =	stream.indirect.scatter.add.f32 [tilespmem:s14], [sflag:$0x3], $0x80, s12, s13, $0xb8;
	[tilespmem:$0x1E080] =	vst v63  }
0x75: {  	_ =	swait.ge [sflag:s30], $0x4000  }
0x76: {  	[sflag:s30] =	ssyncset.done $0x0  }
0x77: {  	s12 =	simm.s32 $0x1BC00;
	[sflag:s30] =	ssyncadd.s32 $0xFFFFC000  }
0x78: {  	[tilespmem:s14], [sflag:$0x2] =	stream.indirect.gather [hbm4b:s0+s13], $0x80, s12, s13, $0xb8;
	[tilespmem:$0x1E080] =	vst v63  }
0x79: {  	_ =	swait.ge [sflag:s15], $0x4000  }
0x7a: {  	[sflag:s15] =	ssyncset.done $0x0  }
0x7b: {  	s12 =	simm.s32 $0x1CF80;
	[sflag:s15] =	ssyncadd.s32 $0xFFFFC000  }
0x7c: {  	[spmem:s3] =	stream.indirect.scatter.add.f32 [tilespmem:s29], [sflag:$0x3], $0x80, s12, s13, $0xb8;
	[tilespmem:$0x1E080] =	vst v63  }
0x7d: {  	_ =	swait.ge [sflag:s30], $0x4000  }
0x7e: {  	[sflag:s30] =	ssyncset.done $0x0  }
0x7f: {  	s12 =	simm.s32 $0x1BC80;
	[sflag:s30] =	ssyncadd.s32 $0xFFFFC000  }
0x80: {  	[tilespmem:s29], [sflag:$0x1] =	stream.indirect.gather [hbm4b:s0+s13], $0x80, s12, s13, $0xb8;
	[tilespmem:$0x1E080] =	vst v63  }
0x81: {  	_ =	swait.ge [sflag:s16], $0x4000  }
0x82: {  	[sflag:s16] =	ssyncset.done $0x0  }
0x83: {  	s12 =	simm.s32 $0x1D000;
	[sflag:s16] =	ssyncadd.s32 $0xFFFFC000  }
0x84: {  	[spmem:s3] =	stream.indirect.scatter.add.f32 [tilespmem:s14], [sflag:$0x3], $0x80, s12, s13, $0xb8;
	[tilespmem:$0x1E080] =	vst v63  }
0x85: {  	_ =	swait.ge [sflag:s30], $0x4000  }
0x86: {  	[sflag:s30] =	ssyncset.done $0x0  }
0x87: {  	s12 =	simm.s32 $0x1BD00;
	[sflag:s30] =	ssyncadd.s32 $0xFFFFC000  }
0x88: {  	[tilespmem:s14], [sflag:$0x2] =	stream.indirect.gather [hbm4b:s0+s13], $0x80, s12, s13, $0xb8;
	[tilespmem:$0x1E080] =	vst v63  }
0x89: {  	_ =	swait.ge [sflag:s15], $0x4000  }
0x8a: {  	[sflag:s15] =	ssyncset.done $0x0  }
0x8b: {  	s12 =	simm.s32 $0x1D080;
	[sflag:s15] =	ssyncadd.s32 $0xFFFFC000  }
0x8c: {  	[spmem:s3] =	stream.indirect.scatter.add.f32 [tilespmem:s29], [sflag:$0x3], $0x80, s12, s13, $0xb8;
	[tilespmem:$0x1E080] =	vst v63  }
0x8d: {  	_ =	swait.ge [sflag:s30], $0x4000  }
0x8e: {  	[sflag:s30] =	ssyncset.done $0x0  }
0x8f: {  	s12 =	simm.s32 $0x1BD80;
	[sflag:s30] =	ssyncadd.s32 $0xFFFFC000  }
0x90: {  	[tilespmem:s29], [sflag:$0x1] =	stream.indirect.gather [hbm4b:s0+s13], $0x80, s12, s13, $0xb8;
	[tilespmem:$0x1E080] =	vst v63  }
0x91: {  	_ =	swait.ge [sflag:s16], $0x4000  }
0x92: {  	[sflag:s16] =	ssyncset.done $0x0  }
0x93: {  	s12 =	simm.s32 $0x1D100;
	[sflag:s16] =	ssyncadd.s32 $0xFFFFC000  }
0x94: {  	[spmem:s3] =	stream.indirect.scatter.add.f32 [tilespmem:s14], [sflag:$0x3], $0x80, s12, s13, $0xb8;
	[tilespmem:$0x1E080] =	vst v63  }
0x95: {  	_ =	swait.ge [sflag:s30], $0x4000  }
0x96: {  	[sflag:s30] =	ssyncset.done $0x0  }
0x97: {  	s12 =	simm.s32 $0x1BE00;
	[sflag:s30] =	ssyncadd.s32 $0xFFFFC000  }
0x98: {  	[tilespmem:s14], [sflag:$0x2] =	stream.indirect.gather [hbm4b:s0+s13], $0x80, s12, s13, $0xb8;
	[tilespmem:$0x1E080] =	vst v63  }
0x99: {  	_ =	swait.ge [sflag:s15], $0x4000  }
0x9a: {  	[sflag:s15] =	ssyncset.done $0x0  }
0x9b: {  	s12 =	simm.s32 $0x1D180;
	[sflag:s15] =	ssyncadd.s32 $0xFFFFC000  }
0x9c: {  	[spmem:s3] =	stream.indirect.scatter.add.f32 [tilespmem:s29], [sflag:$0x3], $0x80, s12, s13, $0xb8;
	[tilespmem:$0x1E080] =	vst v63  }
0x9d: {  	_ =	swait.ge [sflag:s30], $0x4000  }
0x9e: {  	[sflag:s30] =	ssyncset.done $0x0  }
0x9f: {  	s12 =	simm.s32 $0x1BE80;
	[sflag:s30] =	ssyncadd.s32 $0xFFFFC000  }
0xa0: {  	[tilespmem:s29], [sflag:$0x1] =	stream.indirect.gather [hbm4b:s0+s13], $0x80, s12, s13, $0xb8;
	[tilespmem:$0x1E080] =	vst v63  }
0xa1: {  	_ =	swait.ge [sflag:s16], $0x4000  }
0xa2: {  	[sflag:s16] =	ssyncset.done $0x0  }
0xa3: {  	s12 =	simm.s32 $0x1D200;
	[sflag:s16] =	ssyncadd.s32 $0xFFFFC000  }
0xa4: {  	[spmem:s3] =	stream.indirect.scatter.add.f32 [tilespmem:s14], [sflag:$0x3], $0x80, s12, s13, $0xb8;
	[tilespmem:$0x1E080] =	vst v63  }
0xa5: {  	_ =	swait.ge [sflag:s30], $0x4000  }
0xa6: {  	[sflag:s30] =	ssyncset.done $0x0  }
0xa7: {  	s12 =	simm.s32 $0x1BF00;
	[sflag:s30] =	ssyncadd.s32 $0xFFFFC000  }
0xa8: {  	[tilespmem:s14], [sflag:$0x2] =	stream.indirect.gather [hbm4b:s0+s13], $0x80, s12, s13, $0xb8;
	[tilespmem:$0x1E080] =	vst v63  }
0xa9: {  	_ =	swait.ge [sflag:s15], $0x4000  }
0xaa: {  	[sflag:s15] =	ssyncset.done $0x0  }
0xab: {  	s12 =	simm.s32 $0x1D280;
	[sflag:s15] =	ssyncadd.s32 $0xFFFFC000  }
0xac: {  	[spmem:s3] =	stream.indirect.scatter.add.f32 [tilespmem:s29], [sflag:$0x3], $0x80, s12, s13, $0xb8;
	[tilespmem:$0x1E080] =	vst v63  }
0xad: {  	_ =	swait.ge [sflag:s30], $0x4000  }
0xae: {  	[sflag:s30] =	ssyncset.done $0x0  }
0xaf: {  	s12 =	simm.s32 $0x1BF80;
	[sflag:s30] =	ssyncadd.s32 $0xFFFFC000  }
0xb0: {  	[tilespmem:s29], [sflag:$0x1] =	stream.indirect.gather [hbm4b:s0+s13], $0x80, s12, s13, $0xb8;
	[tilespmem:$0x1E080] =	vst v63  }
0xb1: {  	_ =	swait.ge [sflag:s16], $0x4000  }
0xb2: {  	[sflag:s16] =	ssyncset.done $0x0  }
0xb3: {  	s12 =	simm.s32 $0x1D300;
	[sflag:s16] =	ssyncadd.s32 $0xFFFFC000  }
0xb4: {  	[spmem:s3] =	stream.indirect.scatter.add.f32 [tilespmem:s14], [sflag:$0x3], $0x80, s12, s13, $0xb8;
	[tilespmem:$0x1E080] =	vst v63  }
0xb5: {  	_ =	swait.ge [sflag:s30], $0x4000  }
0xb6: {  	[sflag:s30] =	ssyncset.done $0x0  }
0xb7: {  	s12 =	simm.s32 $0x1C000;
	[sflag:s30] =	ssyncadd.s32 $0xFFFFC000  }
0xb8: {  	[tilespmem:s14], [sflag:$0x2] =	stream.indirect.gather [hbm4b:s0+s13], $0x80, s12, s13, $0xb8;
	[tilespmem:$0x1E080] =	vst v63  }
0xb9: {  	_ =	swait.ge [sflag:s15], $0x4000  }
0xba: {  	[sflag:s15] =	ssyncset.done $0x0  }
0xbb: {  	s12 =	simm.s32 $0x1D380;
	[sflag:s15] =	ssyncadd.s32 $0xFFFFC000  }
0xbc: {  	[spmem:s3] =	stream.indirect.scatter.add.f32 [tilespmem:s29], [sflag:$0x3], $0x80, s12, s13, $0xb8;
	[tilespmem:$0x1E080] =	vst v63  }
0xbd: {  	_ =	swait.ge [sflag:s30], $0x4000  }
0xbe: {  	[sflag:s30] =	ssyncset.done $0x0  }
0xbf: {  	[sflag:s30] =	ssyncadd.s32 $0xFFFFC000  }
0xc0: {  	[tilespmem:s29], [sflag:$0x1] =	stream.indirect.gather [hbm4b:s0+s13], $0x80, s9, s13, $0xb8;
	[tilespmem:$0x1E080] =	vst v63  }
0xc1: {  	_ =	swait.ge [sflag:s16], $0x4000  }
0xc2: {  	[sflag:s16] =	ssyncset.done $0x0  }
0xc3: {  	s12 =	simm.s32 $0x1D400;
	[sflag:s16] =	ssyncadd.s32 $0xFFFFC000  }
0xc4: {  	[spmem:s3] =	stream.indirect.scatter.add.f32 [tilespmem:s14], [sflag:$0x3], $0x80, s12, s13, $0xb8;
	[tilespmem:$0x1E080] =	vst v63  }
0xc5: {  	_ =	swait.ge [sflag:s30], $0x4000  }
0xc6: {  	[sflag:s30] =	ssyncset.done $0x0  }
0xc7: {  	[sflag:s30] =	ssyncadd.s32 $0xFFFFC000  }
0xc8: {  	[tilespmem:s14], [sflag:$0x2] =	stream.indirect.gather [hbm4b:s0+s13], $0x80, s11, s13, $0xb8;
	[tilespmem:$0x1E080] =	vst v63  }
0xc9: {  	_ =	swait.ge [sflag:s15], $0x4000  }
0xca: {  	[sflag:s15] =	ssyncset.done $0x0  }
0xcb: {  	[sflag:s15] =	ssyncadd.s32 $0xFFFFC000  }
0xcc: {  	[spmem:s3] =	stream.indirect.scatter.add.f32 [tilespmem:s29], [sflag:$0x3], $0x80, s10, s13, $0xb8;
	[tilespmem:$0x1E080] =	vst v63  }
0xcd: {  	_ =	swait.ge [sflag:s30], $0x4000  }
0xce: {  	[sflag:s30] =	ssyncset.done $0x0  }
0xcf: {  	[sflag:s30] =	ssyncadd.s32 $0xFFFFC000  }
0xd0: {  	[tilespmem:s29], [sflag:$0x1] =	stream.indirect.gather [hbm4b:s0+s13], $0x80, s22, s13, $0xb8;
	[tilespmem:$0x1E080] =	vst v63  }
0xd1: {  	_ =	swait.ge [sflag:s16], $0x4000  }
0xd2: {  	[sflag:s16] =	ssyncset.done $0x0  }
0xd3: {  	[sflag:s16] =	ssyncadd.s32 $0xFFFFC000  }
0xd4: {  	[spmem:s3] =	stream.indirect.scatter.add.f32 [tilespmem:s14], [sflag:$0x3], $0x80, s21, s13, $0xb8;
	[tilespmem:$0x1E080] =	vst v63  }
0xd5: {  	_ =	swait.ge [sflag:s30], $0x4000  }
0xd6: {  	[sflag:s30] =	ssyncset.done $0x0  }
0xd7: {  	[sflag:s30] =	ssyncadd.s32 $0xFFFFC000  }
.LBB2_11:
0xd8: {  	[tilespmem:s14], [sflag:$0x2] =	stream.indirect.gather [hbm4b:s0+s13], $0x80, s19, s13, $0xb8;
	[tilespmem:$0x1E080] =	vst v63  }
0xd9: {  	_ =	swait.ge [sflag:s15], $0x4000  }
0xda: {  	[sflag:s15] =	ssyncset.done $0x0  }
0xdb: {  	[sflag:s15] =	ssyncadd.s32 $0xFFFFC000  }
0xdc: {  	[spmem:s3] =	stream.indirect.scatter.add.f32 [tilespmem:s29], [sflag:$0x3], $0x80, s18, s13, $0xb8;
	[tilespmem:$0x1E080] =	vst v63  }
0xdd: {  	_ =	swait.ge [sflag:s30], $0x4000  }
0xde: {  	[sflag:s30] =	ssyncset.done $0x0  }
0xdf: {  	[sflag:s30] =	ssyncadd.s32 $0xFFFFC000  }
0xe0: {  	_ =	swait.ge [sflag:s16], $0x4000  }
0xe1: {  	[sflag:s16] =	ssyncset.done $0x0  }
0xe2: {  	[sflag:s16] =	ssyncadd.s32 $0xFFFFC000  }
0xe3: {  	[spmem:s3] =	stream.indirect.scatter.add.f32 [tilespmem:s14], [sflag:$0x3], $0x80, s8, s13, $0xb8;
	[tilespmem:$0x1E080] =	vst v63  }
0xe4: {  	_ =	swait.ge [sflag:s30], $0x4000  }
0xe5: {  	[sflag:s30] =	ssyncset.done $0x0  }
0xe6: {  	s19 =	sshll.u32 s2, $0x6;
	[sflag:s30] =	ssyncadd.s32 $0xFFFFC000  }
0xe7: {  	s9 =	sshrl.u32 s5, $0x3;
	s8 =	sor.u32 $0x1C03, s19;
	[bflag:$0x0] =	sbarrier.arrive $0xFFFF  }
0xe8: {  	[hbm:s20], [sflag:s8] =	dma.local [spmem:s9], $0x2700  }
0xe9: {  	_ =	swait.ge [sflag:s30], $0x2700  }
0xea: {  	s17 =	sadd.s32 $0x1, s17;
	[sflag:s30] =	ssyncset.done $0x0  }
0xeb: {  	p2 =	sne.s32 s17, s24;
	[sflag:s30] =	ssyncadd.s32 $0xFFFFD900  }
0xec: {  	[hbm:s23], [sflag:s8] =	dma.local @!p0 [spmem:s25], $0x100  }
.Ltmp1:
0xed: {  	_ = 	snop;
	(pc) =	sbr.rel @!p2 .LBB2_12-.Ltmp1, $4  }
0xee: {  	s8 =	simm.s32 @!p0 $0x3  }
0xef: {  	_ =	swait.ge @!p0 [sflag:s8], $0x100  }
0xf0: {  	[sflag:s8] =	ssyncset.done @!p0 $0x0  }
0xf1: {  	[sflag:s8] =	ssyncadd.s32 @!p0 $0xFFFFFF00  }
.LBB2_1:
0xf2: {  	s8 =	simm.s32 $0x0;
	s18 =	simm.s32 $0x200  }
.LBB2_2:
0xf3: {  	p2 =	sne.s32 s18, $0xFE00;
	[tilespmem:s8+$0x138F0] =	vst v0  }
0xf4: {  	[tilespmem:s8+$0x13880] =	vst v0  }
0xf5: {  	[tilespmem:s8+$0x13890] =	vst v0  }
.Ltmp2:
0xf6: {  	[tilespmem:s8+$0x138A0] =	vst v0;
	(pc) =	sbr.rel @p2 .LBB2_2-.Ltmp2, $4  }
0xf7: {  	[tilespmem:s8+$0x138B0] =	vst v0  }
0xf8: {  	[tilespmem:s8+$0x138C0] =	vst v0  }
0xf9: {  	[tilespmem:s8+$0x138D0] =	vst v0  }
0xfa: {  	[tilespmem:s8+$0x138E0] =	vst v0;
	s8 =	sshra.s32 s18, $0x2;
	s18 =	sadd.s32 $0x200, s18  }
0xfb: {  	[tilespmem:s8+$0x138F0] =	vst v0  }
0xfc: {  	[tilespmem:s8+$0x13880] =	vst v0  }
0xfd: {  	[tilespmem:s8+$0x13890] =	vst v0  }
0xfe: {  	[tilespmem:s8+$0x138A0] =	vst v0  }
0xff: {  	[tilespmem:s8+$0x138B0] =	vst v0  }
0x100: {  	[tilespmem:s8+$0x138C0] =	vst v0  }
0x101: {  	[tilespmem:s8+$0x138D0] =	vst v0  }
0x102: {  	[tilespmem:s8+$0x138E0] =	vst v0  }
0x103: {  	[spmem:s5] =	stream.linear.scatter [tilespmem:s29], [sflag:$0x3], $0x4000, $0x38;
	[tilespmem:$0x1E080] =	vst v63  }
0x104: {  	_ =	swait.ge [sflag:s30], $0x4000  }
0x105: {  	[sflag:s30] =	ssyncset.done $0x0  }
0x106: {  	[sflag:s30] =	ssyncadd.s32 $0xFFFFC000  }
0x107: {  	[spmem:s6] =	stream.linear.scatter [tilespmem:s29], [sflag:$0x3], $0x4000, $0x38;
	[tilespmem:$0x1E080] =	vst v63  }
0x108: {  	_ =	swait.ge [sflag:s30], $0x4000  }
0x109: {  	[sflag:s30] =	ssyncset.done $0x0  }
0x10a: {  	[sflag:s30] =	ssyncadd.s32 $0xFFFFC000  }
0x10b: {  	[spmem:s7] =	stream.linear.scatter [tilespmem:s29], [sflag:$0x3], $0x4000, $0x38;
	[tilespmem:$0x1E080] =	vst v63  }
0x10c: {  	_ =	swait.ge [sflag:s30], $0x4000  }
0x10d: {  	[sflag:s30] =	ssyncset.done $0x0  }
0x10e: {  	[sflag:s30] =	ssyncadd.s32 $0xFFFFC000  }
0x10f: {  	[spmem:s26] =	stream.linear.scatter [tilespmem:s29], [sflag:$0x3], $0x4000, $0x38;
	[tilespmem:$0x1E080] =	vst v63  }
0x110: {  	_ =	swait.ge [sflag:s30], $0x4000  }
0x111: {  	[sflag:s30] =	ssyncset.done $0x0  }
0x112: {  	[sflag:s30] =	ssyncadd.s32 $0xFFFFC000  }
0x113: {  	[spmem:s28] =	stream.linear.scatter [tilespmem:s29], [sflag:$0x3], $0x4000, $0x38;
	[tilespmem:$0x1E080] =	vst v63  }
.Ltmp3:
0x114: {  	_ =	swait.ge [sflag:s30], $0x4000;
	(pc) =	sbr.rel @p1 .LBB2_10-.Ltmp3, $3  }
0x115: {  	[sflag:s30] =	ssyncset.done $0x0  }
0x116: {  	[sflag:s30] =	ssyncadd.s32 $0xFFFFC000  }
0x117: {  	[bflag:$0x0] =	sbarrier.arrive $0xFFFF;
	_ =	sdelay $0x1  }
0x118: {  	s8 =	simm.s32 $0x0;
	s9 =	rddreg [dreg:$0x5]  }
0x119: {  	[tilespmem:s31], [sflag:$0x3] =	stream.linear.gather [hbm4b:s9+s8], $0x1400, $0x38;
	[tilespmem:$0x1E080] =	vst v63  }
0x11a: {  	_ =	swait.ge [sflag:s30], $0x1400  }
0x11b: {  	[sflag:s30] =	ssyncset.done $0x0  }
0x11c: {  	s19 =	rddreg [dreg:$0x6];
	[sflag:s30] =	ssyncadd.s32 $0xFFFFEC00  }
0x11d: {  	[tilespmem:s1], [sflag:$0x3] =	stream.linear.gather [hbm4b:s19+s8], $0x1400, $0x38;
	[tilespmem:$0x1E080] =	vst v63  }
0x11e: {  	_ =	swait.ge [sflag:s30], $0x1400  }
0x11f: {  	[sflag:s30] =	ssyncset.done $0x0  }
0x120: {  	[sflag:s30] =	ssyncadd.s32 $0xFFFFEC00  }
0x121: {  	[tilespmem:s29], [sflag:$0x1] =	stream.indirect.gather [hbm4b:s0+s13], $0x80, s31, s13, $0xb8;
	[tilespmem:$0x1E080] =	vst v63  }
0x122: {  	s10 =	simm.s32 $0x1B900  }
0x123: {  	[tilespmem:s14], [sflag:$0x2] =	stream.indirect.gather [hbm4b:s0+s13], $0x80, s10, s13, $0xb8;
	[tilespmem:$0x1E080] =	vst v63  }
0x124: {  	_ =	swait.ge [sflag:s15], $0x4000  }
0x125: {  	[sflag:s15] =	ssyncset.done $0x0  }
0x126: {  	s12 =	simm.s32 $0x1CC80;
	[sflag:s15] =	ssyncadd.s32 $0xFFFFC000  }
0x127: {  	[spmem:s3] =	stream.indirect.scatter.add.f32 [tilespmem:s29], [sflag:$0x3], $0x80, s12, s13, $0xb8;
	[tilespmem:$0x1E080] =	vst v63  }
0x128: {  	_ =	swait.ge [sflag:s30], $0x4000  }
0x129: {  	[sflag:s30] =	ssyncset.done $0x0  }
0x12a: {  	s18 =	simm.s32 $0x1B980;
	[sflag:s30] =	ssyncadd.s32 $0xFFFFC000  }
0x12b: {  	[tilespmem:s29], [sflag:$0x1] =	stream.indirect.gather [hbm4b:s0+s13], $0x80, s18, s13, $0xb8;
	[tilespmem:$0x1E080] =	vst v63  }
0x12c: {  	_ =	swait.ge [sflag:s16], $0x4000  }
0x12d: {  	[sflag:s16] =	ssyncset.done $0x0  }
0x12e: {  	s19 =	simm.s32 $0x1CD00;
	[sflag:s16] =	ssyncadd.s32 $0xFFFFC000  }
0x12f: {  	[spmem:s3] =	stream.indirect.scatter.add.f32 [tilespmem:s14], [sflag:$0x3], $0x80, s19, s13, $0xb8;
	[tilespmem:$0x1E080] =	vst v63  }
0x130: {  	_ =	swait.ge [sflag:s30], $0x4000  }
0x131: {  	s8 =	simm.s32 $0x100;
	s18 =	simm.s32 $0x800;
	[sflag:s30] =	ssyncset.done $0x0  }
.LBB2_5:
0x132: {  	s19 =	sadd.s32 $0x1B900, s8  }
0x133: {  	[sflag:s30] =	ssyncadd.s32 $0xFFFFC000;
	s9 =	smov.u32 s18;
	s10 =	sadd.s32 $0x400, s18  }
0x134: {  	[tilespmem:s14], [sflag:$0x2] =	stream.indirect.gather [hbm4b:s0+s13], $0x80, s19, s13, $0xb8;
	[tilespmem:$0x1E080] =	vst v63  }
0x135: {  	p2 =	sne.s32 s18, $0x4800;
	_ =	swait.ge [sflag:s15], $0x4000  }
0x136: {  	[sflag:s15] =	ssyncset.done $0x0  }
0x137: {  	s18 =	sadd.s32 $0x1CC80, s8;
	[sflag:s15] =	ssyncadd.s32 $0xFFFFC000  }
0x138: {  	[spmem:s3] =	stream.indirect.scatter.add.f32 [tilespmem:s29], [sflag:$0x3], $0x80, s18, s13, $0xb8;
	[tilespmem:$0x1E080] =	vst v63  }
0x139: {  	_ =	swait.ge [sflag:s30], $0x4000  }
0x13a: {  	[sflag:s30] =	ssyncset.done $0x0  }
0x13b: {  	s18 =	sadd.s32 $0x1B980, s8;
	[sflag:s30] =	ssyncadd.s32 $0xFFFFC000  }
0x13c: {  	[tilespmem:s29], [sflag:$0x1] =	stream.indirect.gather [hbm4b:s0+s13], $0x80, s18, s13, $0xb8;
	[tilespmem:$0x1E080] =	vst v63  }
0x13d: {  	_ =	swait.ge [sflag:s16], $0x4000  }
.Ltmp4:
0x13e: {  	[sflag:s16] =	ssyncset.done $0x0;
	(pc) =	sbr.rel @p2 .LBB2_5-.Ltmp4, $4  }
0x13f: {  	s8 =	sadd.s32 $0x1CD00, s8;
	[sflag:s16] =	ssyncadd.s32 $0xFFFFC000  }
0x140: {  	[spmem:s3] =	stream.indirect.scatter.add.f32 [tilespmem:s14], [sflag:$0x3], $0x80, s8, s13, $0xb8;
	[tilespmem:$0x1E080] =	vst v63  }
0x141: {  	_ =	swait.ge [sflag:s30], $0x4000  }
0x142: {  	s18 =	smov.u32 s10;
	s8 =	sshra.s32 s9, $0x2;
	[sflag:s30] =	ssyncset.done $0x0  }
0x143: {  	s9 =	sadd.s32 $0x1B900, s8;
	[sflag:s30] =	ssyncadd.s32 $0xFFFFC000  }
0x144: {  	[tilespmem:s14], [sflag:$0x2] =	stream.indirect.gather [hbm4b:s0+s13], $0x80, s9, s13, $0xb8;
	[tilespmem:$0x1E080] =	vst v63  }
0x145: {  	_ =	swait.ge [sflag:s15], $0x4000  }
0x146: {  	[sflag:s15] =	ssyncset.done $0x0  }
0x147: {  	s10 =	sadd.s32 $0x1CC80, s8;
	[sflag:s15] =	ssyncadd.s32 $0xFFFFC000  }
0x148: {  	[spmem:s3] =	stream.indirect.scatter.add.f32 [tilespmem:s29], [sflag:$0x3], $0x80, s10, s13, $0xb8;
	[tilespmem:$0x1E080] =	vst v63  }
0x149: {  	_ =	swait.ge [sflag:s30], $0x4000  }
0x14a: {  	[sflag:s30] =	ssyncset.done $0x0  }
0x14b: {  	s12 =	sadd.s32 $0x1B980, s8;
	[sflag:s30] =	ssyncadd.s32 $0xFFFFC000  }
0x14c: {  	[tilespmem:s29], [sflag:$0x1] =	stream.indirect.gather [hbm4b:s0+s13], $0x80, s12, s13, $0xb8;
	[tilespmem:$0x1E080] =	vst v63  }
0x14d: {  	_ =	swait.ge [sflag:s16], $0x4000  }
0x14e: {  	[sflag:s16] =	ssyncset.done $0x0  }
0x14f: {  	s18 =	sadd.s32 $0x1CD00, s8;
	[sflag:s16] =	ssyncadd.s32 $0xFFFFC000  }
0x150: {  	[spmem:s3] =	stream.indirect.scatter.add.f32 [tilespmem:s14], [sflag:$0x3], $0x80, s18, s13, $0xb8;
	[tilespmem:$0x1E080] =	vst v63  }
0x151: {  	_ =	swait.ge [sflag:s30], $0x4000  }
0x152: {  	[sflag:s30] =	ssyncset.done $0x0  }
0x153: {  	s19 =	simm.s32 $0x1CC00;
	[sflag:s30] =	ssyncadd.s32 $0xFFFFC000  }
0x154: {  	[tilespmem:s14], [sflag:$0x2] =	stream.indirect.gather [hbm4b:s0+s13], $0x80, s19, s13, $0xb8;
	[tilespmem:$0x1E080] =	vst v63  }
0x155: {  	_ =	swait.ge [sflag:s15], $0x4000  }
0x156: {  	[sflag:s15] =	ssyncset.done $0x0  }
0x157: {  	s9 =	simm.s32 $0x1DF80;
	[sflag:s15] =	ssyncadd.s32 $0xFFFFC000  }
0x158: {  	[spmem:s3] =	stream.indirect.scatter.add.f32 [tilespmem:s29], [sflag:$0x3], $0x80, s9, s13, $0xb8;
	[tilespmem:$0x1E080] =	vst v63  }
0x159: {  	_ =	swait.ge [sflag:s30], $0x4000  }
0x15a: {  	[sflag:s30] =	ssyncset.done $0x0  }
0x15b: {  	[sflag:s30] =	ssyncadd.s32 $0xFFFFC000  }
0x15c: {  	_ =	swait.ge [sflag:s16], $0x4000  }
0x15d: {  	[sflag:s16] =	ssyncset.done $0x0  }
0x15e: {  	s10 =	simm.s32 $0x1E000;
	[sflag:s16] =	ssyncadd.s32 $0xFFFFC000  }
0x15f: {  	[spmem:s3] =	stream.indirect.scatter.add.f32 [tilespmem:s14], [sflag:$0x3], $0x80, s10, s13, $0xb8;
	[tilespmem:$0x1E080] =	vst v63  }
0x160: {  	_ =	swait.ge [sflag:s30], $0x4000  }
0x161: {  	[sflag:s30] =	ssyncset.done $0x0  }
0x162: {  	s12 =	simm.s32 $0x0;
	s18 =	rddreg [dreg:$0x7];
	[sflag:s30] =	ssyncadd.s32 $0xFFFFC000  }
0x163: {  	[tilespmem:s31], [sflag:$0x3] =	stream.linear.gather [hbm4b:s18+s12], $0x1400, $0x38;
	[tilespmem:$0x1E080] =	vst v63  }
0x164: {  	_ =	swait.ge [sflag:s30], $0x1400  }
0x165: {  	[sflag:s30] =	ssyncset.done $0x0  }
0x166: {  	p3 =	por $0x0, $0x0;
	s19 =	rddreg [dreg:$0x8];
	[sflag:s30] =	ssyncadd.s32 $0xFFFFEC00  }
0x167: {  	[tilespmem:s1], [sflag:$0x3] =	stream.linear.gather [hbm4b:s19+s12], $0x1400, $0x38;
	[tilespmem:$0x1E080] =	vst v63  }
.Ltmp5:
0x168: {  	_ = 	snop;
	(pc) =	sbr.rel @p3 .LBB2_9-.Ltmp5, $4  }
0x169: {  	_ =	swait.ge [sflag:s30], $0x1400  }
0x16a: {  	[sflag:s30] =	ssyncset.done $0x0  }
0x16b: {  	s8 =	simm.s32 $0x0;
	p2 =	por $0x0, $0x0;
	[sflag:s30] =	ssyncadd.s32 $0xFFFFEC00  }
0x16c: {  	[tilespmem:s29], [sflag:$0x1] =	stream.indirect.gather [hbm4b:s0+s13], $0x80, s31, s13, $0xb8;
	[tilespmem:$0x1E080] =	vst v63  }
0x16d: {  	s8 =	simm.s32 $0x1B900  }
0x16e: {  	[tilespmem:s14], [sflag:$0x2] =	stream.indirect.gather [hbm4b:s0+s13], $0x80, s8, s13, $0xb8;
	[tilespmem:$0x1E080] =	vst v63  }
0x16f: {  	_ =	swait.ge [sflag:s15], $0x4000  }
0x170: {  	[sflag:s15] =	ssyncset.done $0x0  }
0x171: {  	s12 =	simm.s32 $0x1CC80;
	[sflag:s15] =	ssyncadd.s32 $0xFFFFC000  }
0x172: {  	[spmem:s3] =	stream.indirect.scatter.add.f32 [tilespmem:s29], [sflag:$0x3], $0x80, s12, s13, $0xb8;
	[tilespmem:$0x1E080] =	vst v63  }
0x173: {  	_ =	swait.ge [sflag:s30], $0x4000  }
0x174: {  	[sflag:s30] =	ssyncset.done $0x0  }
0x175: {  	s18 =	simm.s32 $0x1B980;
	[sflag:s30] =	ssyncadd.s32 $0xFFFFC000  }
0x176: {  	[tilespmem:s29], [sflag:$0x1] =	stream.indirect.gather [hbm4b:s0+s13], $0x80, s18, s13, $0xb8;
	[tilespmem:$0x1E080] =	vst v63  }
0x177: {  	p3 =	por $0x0, $0x0;
	_ =	swait.ge [sflag:s16], $0x4000  }
.Ltmp6:
0x178: {  	[sflag:s16] =	ssyncset.done $0x0;
	(pc) =	sbr.rel @p3 .LBB2_9-.Ltmp6, $4  }
0x179: {  	s19 =	simm.s32 $0x1CD00;
	[sflag:s16] =	ssyncadd.s32 $0xFFFFC000  }
0x17a: {  	[spmem:s3] =	stream.indirect.scatter.add.f32 [tilespmem:s14], [sflag:$0x3], $0x80, s19, s13, $0xb8;
	[tilespmem:$0x1E080] =	vst v63  }
0x17b: {  	p2 =	por $0x1, $0x1;
	_ =	swait.ge [sflag:s30], $0x4000  }
0x17c: {  	s8 =	simm.s32 $0x100;
	s18 =	simm.s32 $0x800;
	[sflag:s30] =	ssyncset.done $0x0  }
.LBB2_8:
0x17d: {  	s9 =	sadd.s32 $0x1B900, s8  }
0x17e: {  	[sflag:s30] =	ssyncadd.s32 $0xFFFFC000;
	s10 =	smov.u32 s18;
	s19 =	sadd.s32 $0x400, s18  }
0x17f: {  	[tilespmem:s14], [sflag:$0x2] =	stream.indirect.gather [hbm4b:s0+s13], $0x80, s9, s13, $0xb8;
	[tilespmem:$0x1E080] =	vst v63  }
0x180: {  	p3 =	seq.s32 s18, $0x4800;
	_ =	swait.ge [sflag:s15], $0x4000  }
0x181: {  	[sflag:s15] =	ssyncset.done $0x0  }
0x182: {  	s9 =	sadd.s32 $0x1CC80, s8;
	[sflag:s15] =	ssyncadd.s32 $0xFFFFC000  }
0x183: {  	[spmem:s3] =	stream.indirect.scatter.add.f32 [tilespmem:s29], [sflag:$0x3], $0x80, s9, s13, $0xb8;
	[tilespmem:$0x1E080] =	vst v63  }
0x184: {  	_ =	swait.ge [sflag:s30], $0x4000  }
0x185: {  	[sflag:s30] =	ssyncset.done $0x0  }
0x186: {  	s9 =	sadd.s32 $0x1B980, s8;
	[sflag:s30] =	ssyncadd.s32 $0xFFFFC000  }
0x187: {  	[tilespmem:s29], [sflag:$0x1] =	stream.indirect.gather [hbm4b:s0+s13], $0x80, s9, s13, $0xb8;
	[tilespmem:$0x1E080] =	vst v63  }
0x188: {  	_ =	swait.ge [sflag:s16], $0x4000  }
.Ltmp7:
0x189: {  	[sflag:s16] =	ssyncset.done $0x0;
	(pc) =	sbr.rel @!p3 .LBB2_8-.Ltmp7, $4  }
0x18a: {  	s8 =	sadd.s32 $0x1CD00, s8;
	[sflag:s16] =	ssyncadd.s32 $0xFFFFC000  }
0x18b: {  	[spmem:s3] =	stream.indirect.scatter.add.f32 [tilespmem:s14], [sflag:$0x3], $0x80, s8, s13, $0xb8;
	[tilespmem:$0x1E080] =	vst v63  }
0x18c: {  	_ =	swait.ge [sflag:s30], $0x4000  }
0x18d: {  	s18 =	smov.u32 s19;
	s8 =	sshra.s32 s10, $0x2;
	[sflag:s30] =	ssyncset.done $0x0  }
.LBB2_9:
0x18e: {  	s9 =	sadd.s32 $0x1B900, s8;
	[sflag:s30] =	ssyncadd.s32 @p2 $0xFFFFC000  }
0x18f: {  	[tilespmem:s14], [sflag:$0x2] =	stream.indirect.gather [hbm4b:s0+s13], $0x80, s9, s13, $0xb8;
	[tilespmem:$0x1E080] =	vst v63  }
0x190: {  	_ =	swait.ge [sflag:s15], $0x4000  }
0x191: {  	[sflag:s15] =	ssyncset.done $0x0  }
0x192: {  	s12 =	sadd.s32 $0x1CC80, s8;
	[sflag:s15] =	ssyncadd.s32 $0xFFFFC000  }
0x193: {  	[spmem:s3] =	stream.indirect.scatter.add.f32 [tilespmem:s29], [sflag:$0x3], $0x80, s12, s13, $0xb8;
	[tilespmem:$0x1E080] =	vst v63  }
0x194: {  	_ =	swait.ge [sflag:s30], $0x4000  }
0x195: {  	[sflag:s30] =	ssyncset.done $0x0  }
0x196: {  	s18 =	sadd.s32 $0x1B980, s8;
	[sflag:s30] =	ssyncadd.s32 $0xFFFFC000  }
0x197: {  	[tilespmem:s29], [sflag:$0x1] =	stream.indirect.gather [hbm4b:s0+s13], $0x80, s18, s13, $0xb8;
	[tilespmem:$0x1E080] =	vst v63  }
0x198: {  	_ =	swait.ge [sflag:s16], $0x4000  }
0x199: {  	[sflag:s16] =	ssyncset.done $0x0  }
.Ltmp8:
0x19a: {  	s19 =	sadd.s32 $0x1CD00, s8;
	[sflag:s16] =	ssyncadd.s32 $0xFFFFC000;
	(pc) =	sbr.rel .LBB2_11-.Ltmp8, $4  }
0x19b: {  	[spmem:s3] =	stream.indirect.scatter.add.f32 [tilespmem:s14], [sflag:$0x3], $0x80, s19, s13, $0xb8;
	[tilespmem:$0x1E080] =	vst v63  }
0x19c: {  	_ =	swait.ge [sflag:s30], $0x4000  }
0x19d: {  	s8 =	simm.s32 $0x1E000;
	[sflag:s30] =	ssyncset.done $0x0  }
0x19e: {  	s18 =	simm.s32 $0x1DF80;
	s19 =	simm.s32 $0x1CC00;
	[sflag:s30] =	ssyncadd.s32 $0xFFFFC000  }
.LBB2_12:
0x19f: {  	_ =	sfence.sel $0x180000  }
0x1a0: {  	[bflag:$0x0] =	sbarrier.arrive $0xFFFF  }
0x1a1: {  	_ =	strace $0x9000004A  }
0x1a2: {  	[bflag:$0x2] =	sbarrier.arrive $0xFFFF  }
0x1a3: {  	s0 =	rddreg [dreg:$0x4]  }
0x1a4: {  	s0 =	sadd.s32 @!p0 $0x100000, s0  }
0x1a5: {  	[sflag:s0] =	ssyncadd.tile.s32 @!p0 $0x1;
	_ =	shalt  }
.Lfunc_end2:
_tile_overlayer_lowered:
.L_overlay_start_2:
0x1a6: {  	(tag) =	ssettag $0x2  }
0x1a7: {  	s0 =	rddreg [dreg:$0x0];
	s2 =	stileid.u32  }
0x1a8: {  	s1 =	rddreg [dreg:$0x1];
	p0 =	sne.s32 s2, $0x0  }
0x1a9: {  	s3 =	rddreg [dreg:$0x2];
	[bflag:$0x3] =	sbarrier.arrive $0xFFFF;
	s2 =	simm.s32 @!p0 $0x1C03  }
0x1aa: {  	[timem:s3], [sflag:s2] =	dma.local @!p0 [hbm:s0], s1  }
0x1ab: {  	s0 =	simm.s32 @!p0 $0x3  }
0x1ac: {  	_ =	swait.ge @!p0 [sflag:s0], s1  }
0x1ad: {  	s1 =	ssub.s32 @!p0 $0x0, s1;
	[sflag:s0] =	ssyncset.done @!p0 $0x0  }
0x1ae: {  	[sflag:s0] =	ssyncadd.s32 @!p0 s1  }
0x1af: {  	[bflag:$0x3] =	sbarrier.arrive $0xFFFF  }
0x1b0: {  	_ =	shalt  }

</sc_bundles>
